<compile_context>
chip_gen: v7x
topology: tpu7x:2x2x1
jax: 0.10.2.dev20260603
libtpu: 0.0.44.dev20260713+nightly
codegen_flags: <defaults>
</compile_context>

<pallas_src>
import functools
import math

import jax
import jax.numpy as jnp
from jax import lax
from jax.experimental import pallas as pl
from jax.experimental.pallas import tpu as pltpu
from jax.experimental.pallas import tpu_sc as plsc

H = 128
CUTOFF = 5.0
STEP = 0.1
ES = 50
ESP = 64
NI = 3
NA = 10000
NAP = 10240
NP = 8000
E = 128000
PB = 8192
NC = 2
NS = 16
NW = NC * NS
EP = 131072
EPW = EP // NW
CH = 128
NCH = EPW // CH
EPT = EP // NS
CHT = 128
NCHT = EPT // CHT
LOG2 = float(math.log(2.0))
BE = 2048
BP = 1024


def _ssp(x):
    return jnp.maximum(x, 0.0) + jnp.log1p(jnp.exp(-jnp.abs(x))) - LOG2



def _pre_body(a_ref, w_ref, o_ref):
    o_ref[0] = jnp.dot(a_ref[0], w_ref[0], preferred_element_type=jnp.float32)


def _precompute_A(atoms_s, waT_s):
    return pl.pallas_call(
        _pre_body,
        grid=(NI,),
        in_specs=[
            pl.BlockSpec((1, NAP, H), lambda i: (i, 0, 0)),
            pl.BlockSpec((1, H, H), lambda i: (i, 0, 0)),
        ],
        out_specs=pl.BlockSpec((1, NAP, H), lambda i: (i, 0, 0)),
        out_shape=jax.ShapeDtypeStruct((NI, NAP, H), jnp.float32),
    )(atoms_s, waT_s)


def _cc_body(d_ref, o_ref):
    d = d_ref[...]
    o_ref[...] = jnp.where(
        d < CUTOFF, 0.5 * (jnp.cos((jnp.pi / CUTOFF) * d) + 1.0), 0.0)


def _cc_precompute(d_sq):
    return pl.pallas_call(
        _cc_body,
        out_shape=jax.ShapeDtypeStruct((EP // H, H), jnp.float32),
    )(d_sq)


def _edge_core(h, d_col, cc_col, ones, b1, m2, b2, f1, bf1, f2, bf2, mu):
    ccH = jnp.dot(cc_col, ones, preferred_element_type=jnp.float32)
    dE = jnp.dot(d_col, ones[:, :ESP], preferred_element_type=jnp.float32)
    hs = _ssp(h + b1)
    m = jnp.dot(hs, m2, preferred_element_type=jnp.float32) + b2
    es = jnp.exp((-1.0 / (2.0 * STEP * STEP)) * (dE - mu) ** 2)
    t = _ssp(jnp.dot(es, f1, preferred_element_type=jnp.float32) + bf1)
    fw = jnp.dot(t, f2, preferred_element_type=jnp.float32) + bf2
    return m * (fw * ccH)


def _edge_body1(h_ref, d_ref, cc_ref, ones_ref, b1_ref, m2_ref, b2_ref,
                f1_ref, bf1_ref, f2_ref, bf2_ref, mu_ref, o_ref):
    o_ref[...] = _edge_core(
        h_ref[...], d_ref[...], cc_ref[...], ones_ref[...], b1_ref[...],
        m2_ref[...], b2_ref[...], f1_ref[...], bf1_ref[...], f2_ref[...],
        bf2_ref[...], mu_ref[...])


def _edge_body2(h2_ref, d_ref, cc_ref, ones_ref, b1_ref, m2_ref,
                b2_ref, f1_ref, bf1_ref, f2_ref, bf2_ref, mu_ref, o_ref):
    o_ref[...] = _edge_core(
        h2_ref[0] + h2_ref[1], d_ref[...], cc_ref[...], ones_ref[...],
        b1_ref[...], m2_ref[...], b2_ref[...], f1_ref[...], bf1_ref[...],
        f2_ref[...], bf2_ref[...], mu_ref[...])


def _edge_mlp(h, d_pad, cc_col, ones_row, b1, m2T, b2, f1T, bf1, f2T, bf2,
              mu_pad):
    full = lambda r, c: pl.BlockSpec((r, c), lambda i: (0, 0))
    row = pl.BlockSpec((BE, H), lambda i: (i, 0))
    col = pl.BlockSpec((BE, 1), lambda i: (i, 0))
    stacked = h.ndim == 3
    hspec = (pl.BlockSpec((NC, BE, H), lambda i: (0, i, 0)) if stacked
             else row)
    return pl.pallas_call(
        _edge_body2 if stacked else _edge_body1,
        grid=(EP // BE,),
        in_specs=[
            hspec, col, col, full(1, H),
            full(1, H), full(H, H), full(1, H),
            full(ESP, H), full(1, H), full(H, H), full(1, H), full(1, ESP),
        ],
        out_specs=row,
        out_shape=jax.ShapeDtypeStruct((EP, H), jnp.float32),
    )(h, d_pad, cc_col, ones_row, b1, m2T, b2, f1T, bf1, f2T, bf2, mu_pad)


def _probe_common(p_ref, ps_ref, g1, bg1, g2, bg2, s1, bs1, s2, bs2):
    msgsum = p_ref[0] + p_ref[1]
    probe = ps_ref[...]
    gates = jax.nn.sigmoid(
        jnp.dot(_ssp(jnp.dot(probe, g1[...], preferred_element_type=jnp.float32)
                     + bg1[...]), g2[...], preferred_element_type=jnp.float32)
        + bg2[...])
    trans = (jnp.dot(_ssp(jnp.dot(msgsum, s1[...],
                                  preferred_element_type=jnp.float32) + bs1[...]),
                     s2[...], preferred_element_type=jnp.float32) + bs2[...])
    return probe * gates + (1.0 - gates) * trans


def _probe_step_body(p_ref, ps_ref, g1, bg1, g2, bg2, s1, bs1, s2, bs2, wbn,
                     np_ref, pn_ref):
    newp = _probe_common(p_ref, ps_ref, g1, bg1, g2, bg2, s1, bs1, s2, bs2)
    np_ref[...] = newp
    pn_ref[...] = jnp.dot(newp, wbn[...], preferred_element_type=jnp.float32)


def _probe_final_body(p_ref, ps_ref, g1, bg1, g2, bg2, s1, bs1, s2, bs2,
                      r1, br1, r2, br2, o_ref):
    newp = _probe_common(p_ref, ps_ref, g1, bg1, g2, bg2, s1, bs1, s2, bs2)
    ro = jnp.dot(_ssp(jnp.dot(newp, r1[...], preferred_element_type=jnp.float32)
                      + br1[...]), r2[...], preferred_element_type=jnp.float32)
    o_ref[...] = ro + br2[...]


def _probe_step(partials, probe, gw, sw, wbnT):
    full = lambda r, c: pl.BlockSpec((r, c), lambda i: (0, 0))
    row = pl.BlockSpec((BP, H), lambda i: (i, 0))
    return pl.pallas_call(
        _probe_step_body,
        grid=(PB // BP,),
        in_specs=[
            pl.BlockSpec((NC, BP, H), lambda i: (0, i, 0)), row,
            full(H, H), full(1, H), full(H, H), full(1, H),
            full(H, H), full(1, H), full(H, H), full(1, H),
            full(H, H),
        ],
        out_specs=[row, row],
        out_shape=[jax.ShapeDtypeStruct((PB, H), jnp.float32),
                   jax.ShapeDtypeStruct((PB, H), jnp.float32)],
    )(partials, probe, *gw, *sw, wbnT)


def _probe_final(partials, probe, gw, sw, rw):
    full = lambda r, c: pl.BlockSpec((r, c), lambda i: (0, 0))
    row = pl.BlockSpec((BP, H), lambda i: (i, 0))
    return pl.pallas_call(
        _probe_final_body,
        grid=(PB // BP,),
        in_specs=[
            pl.BlockSpec((NC, BP, H), lambda i: (0, i, 0)), row,
            full(H, H), full(1, H), full(H, H), full(1, H),
            full(H, H), full(1, H), full(H, H), full(1, H),
            full(H, H), full(1, H), full(H, 8), full(1, 8),
        ],
        out_specs=pl.BlockSpec((BP, 8), lambda i: (i, 0)),
        out_shape=jax.ShapeDtypeStruct((PB, 8), jnp.float32),
    )(partials, probe, *gw, *sw, *rw)



def _sc_mesh():
    return plsc.VectorSubcoreMesh(core_axis_name="c", subcore_axis_name="s",
                                  num_cores=NC)


def _sc_gather1(table, src3):
    KB = 2
    trows = NAP // NS

    @functools.partial(
        pl.kernel,
        out_type=jax.ShapeDtypeStruct((EP, H), jnp.float32),
        mesh=_sc_mesh(),
        scratch_types=(
            [pltpu.VMEM((NCH, CH), jnp.int32),
             pltpu.VMEM_SHARED((NAP, H), jnp.float32)]
            + [pltpu.VMEM((CH, H), jnp.float32) for _ in range(KB)]
            + [pltpu.SemaphoreType.DMA for _ in range(KB)]
        ),
    )
    def k(t_hbm, src_hbm, out_hbm, sidx, tsp, *rest):
        bufs, sems = rest[:KB], rest[KB:]
        c = lax.axis_index("c")
        s = lax.axis_index("s")
        wid = s * NC + c
        base = wid * EPW
        pltpu.sync_copy(src_hbm.at[wid], sidx)
        pltpu.sync_copy(t_hbm.at[pl.ds(s * trows, trows)],
                        tsp.at[pl.ds(s * trows, trows)])
        plsc.subcore_barrier()

        @pl.loop(0, NCH // KB)
        def _(g):
            j0 = g * KB
            dA = [pltpu.async_copy(tsp.at[sidx.at[j0 + b]], bufs[b], sems[b])
                  for b in range(KB)]
            dW = []
            for b in range(KB):
                dA[b].wait()
                dW.append(pltpu.async_copy(
                    bufs[b], out_hbm.at[pl.ds(base + (j0 + b) * CH, CH)],
                    sems[b]))
            for b in range(KB):
                dW[b].wait()

    return k(table, src3)


def _sc_gather2(tableA, tableP, srcT, dstT):
    KB = 2
    trows = NAP // NS
    prows = PB // NS

    @functools.partial(
        pl.kernel,
        out_type=jax.ShapeDtypeStruct((NC, EP, H), jnp.float32),
        mesh=_sc_mesh(),
        scratch_types=(
            [pltpu.VMEM((NCHT, CHT), jnp.int32),
             pltpu.VMEM_SHARED((NAP, H), jnp.float32)]
            + [pltpu.VMEM((CHT, H), jnp.float32) for _ in range(KB)]
            + [pltpu.SemaphoreType.DMA for _ in range(KB)]
        ),
    )
    def k(a_hbm, p_hbm, src_hbm, dst_hbm, out_hbm, idx, tsp, *rest):
        bufs, sems = rest[:KB], rest[KB:]
        c = lax.axis_index("c")
        s = lax.axis_index("s")
        base = s * EPT

        @pl.when(c == 0)
        def _():
            pltpu.sync_copy(src_hbm.at[s], idx)
            pltpu.sync_copy(a_hbm.at[pl.ds(s * trows, trows)],
                            tsp.at[pl.ds(s * trows, trows)])

        @pl.when(c == 1)
        def _():
            pltpu.sync_copy(dst_hbm.at[s], idx)
            pltpu.sync_copy(p_hbm.at[pl.ds(s * prows, prows)],
                            tsp.at[pl.ds(s * prows, prows)])

        plsc.subcore_barrier()

        @pl.loop(0, NCHT // KB)
        def _(g):
            j0 = g * KB
            dG = [pltpu.async_copy(tsp.at[idx.at[j0 + b]], bufs[b], sems[b])
                  for b in range(KB)]
            dW = []
            for b in range(KB):
                dG[b].wait()
                dW.append(pltpu.async_copy(
                    bufs[b],
                    out_hbm.at[c, pl.ds(base + (j0 + b) * CHT, CHT)],
                    sems[b]))
            for b in range(KB):
                dW[b].wait()

    return k(tableA, tableP, srcT, dstT)


def _sc_scatter(messages, dst3, zeros_hbm):
    rows = PB // NS
    KS = 2

    @functools.partial(
        pl.kernel,
        out_type=jax.ShapeDtypeStruct((NC, PB, H), jnp.float32),
        mesh=_sc_mesh(),
        scratch_types=(
            [pltpu.VMEM((NCH, CH), jnp.int32),
             pltpu.VMEM_SHARED((PB, H), jnp.float32)]
            + [pltpu.VMEM((CH, H), jnp.float32) for _ in range(KS)]
            + [pltpu.SemaphoreType.DMA for _ in range(KS)]
        ),
    )
    def k(m_hbm, dst_hbm, z_hbm, out_hbm, didx, acc, *rest):
        bufs, sems = rest[:KS], rest[KS:]
        c = lax.axis_index("c")
        s = lax.axis_index("s")
        wid = s * NC + c
        base = wid * EPW
        pltpu.sync_copy(dst_hbm.at[wid], didx)
        pltpu.sync_copy(z_hbm.at[pl.ds(s * rows, rows)],
                        acc.at[pl.ds(s * rows, rows)])
        plsc.subcore_barrier()

        @pl.loop(0, NCH // KS)
        def _(g):
            j0 = g * KS
            dR = [pltpu.async_copy(
                      m_hbm.at[pl.ds(base + (j0 + b) * CH, CH)], bufs[b],
                      sems[b]) for b in range(KS)]
            dS = []
            for b in range(KS):
                dR[b].wait()
                dS.append(pltpu.async_copy(bufs[b], acc.at[didx.at[j0 + b]],
                                           sems[b], add=True))
            for b in range(KS):
                dS[b].wait()

        plsc.subcore_barrier()
        pltpu.sync_copy(acc.at[pl.ds(s * rows, rows)],
                        out_hbm.at[c, pl.ds(s * rows, rows)])

    return k(messages, dst3, zeros_hbm)



def kernel(atom_rep_0, atom_rep_1, atom_rep_2, probe_edges_features, params,
           probe_edges):
    f32 = jnp.float32
    src = probe_edges[:, 0].astype(jnp.int32)
    dst = probe_edges[:, 1].astype(jnp.int32)
    pad = EP - E
    src_p = jnp.concatenate([src, jnp.zeros((pad,), jnp.int32)])
    dst_p = jnp.concatenate([dst, jnp.full((pad,), NP, jnp.int32)])
    src3 = src_p.reshape(NW, NCH, CH)
    dst3 = dst_p.reshape(NW, NCH, CH)
    srcT = src_p.reshape(NS, NCHT, CHT)
    dstT = dst_p.reshape(NS, NCHT, CHT)
    d_pad = jnp.concatenate(
        [probe_edges_features.astype(f32),
         jnp.full((pad, 1), 2.0 * CUTOFF, f32)], axis=0)

    waT, wbT, b1s, m2T, b2s, f1T, bf1, f2T, bf2 = [], [], [], [], [], [], [], [], []
    for i in range(NI):
        p = params["msg"][i]
        w1 = p["m1"][0]
        waT.append(w1[:, :H].T)
        wbT.append(w1[:, H:].T)
        b1s.append(p["m1"][1][None, :])
        m2T.append(p["m2"][0].T)
        b2s.append(p["m2"][1][None, :])
        f1T.append(jnp.zeros((ESP, H), f32).at[:ES].set(p["f1"][0].T))
        bf1.append(p["f1"][1][None, :])
        f2T.append(p["f2"][0].T)
        bf2.append(p["f2"][1][None, :])
    gw = [[params["gate"][i][k][0].T for k in ("g1", "g2")] for i in range(NI)]
    gb = [[params["gate"][i][k][1][None, :] for k in ("g1", "g2")] for i in range(NI)]
    sw = [[params["state"][i][k][0].T for k in ("s1", "s2")] for i in range(NI)]
    sb = [[params["state"][i][k][1][None, :] for k in ("s1", "s2")] for i in range(NI)]
    r1T = params["readout"]["r1"][0].T
    br1 = params["readout"]["r1"][1][None, :]
    r2T = jnp.zeros((H, 8), f32).at[:, 0].set(params["readout"]["r2"][0][0])
    br2 = jnp.zeros((1, 8), f32).at[0, 0].set(params["readout"]["r2"][1][0])

    mu = jnp.arange(0.0, CUTOFF, STEP, dtype=f32)
    mu_pad = jnp.full((1, ESP), 1.0e3, f32).at[0, :ES].set(mu)

    zeros_pb = jnp.zeros((PB, H), f32)
    ones_row = jnp.ones((1, H), f32)

    atoms_s = jnp.zeros((NI, NAP, H), f32).at[:, :NA].set(
        jnp.stack([atom_rep_0, atom_rep_1, atom_rep_2]))
    A_all = _precompute_A(atoms_s, jnp.stack(waT))

    cc_col = _cc_precompute(d_pad.reshape(EP // H, H)).reshape(EP, 1)

    probe = zeros_pb
    P = None
    for i in range(NI):
        if i == 0:
            h = _sc_gather1(A_all[0], src3)
        else:
            h = _sc_gather2(A_all[i], P, srcT, dstT)
        messages = _edge_mlp(h, d_pad, cc_col, ones_row, b1s[i], m2T[i],
                             b2s[i], f1T[i], bf1[i], f2T[i], bf2[i], mu_pad)
        partials = _sc_scatter(messages, dst3, zeros_pb)
        gwi = [gw[i][0], gb[i][0], gw[i][1], gb[i][1]]
        swi = [sw[i][0], sb[i][0], sw[i][1], sb[i][1]]
        if i < NI - 1:
            probe, P = _probe_step(partials, probe, gwi, swi, wbT[i + 1])
        else:
            ro = _probe_final(partials, probe, gwi, swi, [r1T, br1, r2T, br2])
    return ro[:NP, 0][None, :]

# --- scband reference (transcript-rebuilt; emitter-appended) ---
"""Pipeline reference for scband-probe-message-model-42588895708032 (READ-ONLY COPY).

The authoritative reference and input builder live on the scoring server;
editing this copy changes nothing except your own understanding.
"""

import jax, jax.numpy as jnp
import numpy as np
import math

H = 128
CUTOFF = 5.0
STEP = 0.1
EDGE_SIZE = int(math.ceil(CUTOFF / STEP))  # 50
NI = 3
N_ATOMS = 10000
N_PROBES = 8000
N_EDGES = 128000


def _ssp(x):
    # ShiftedSoftplus: softplus(x) - log(2)
    return jax.nn.softplus(x) - jnp.log(2.0)


def _linear(x, Wb):
    W, b = Wb
    return x @ W.T + b


def _init_linear(key, out_dim, in_dim):
    k1, k2 = jax.random.split(key)
    bound = 1.0 / np.sqrt(in_dim)
    W = jax.random.uniform(k1, (out_dim, in_dim), jnp.float32, -bound, bound)
    b = jax.random.uniform(k2, (out_dim,), jnp.float32, -bound, bound)
    return (W, b)


def setup_inputs(seed: int = 0) -> dict:
    key = jax.random.key(seed)
    keys = jax.random.split(key, 40)
    ki = iter(range(40))
    atom_rep_0 = jax.random.normal(keys[next(ki)], (N_ATOMS, H), jnp.float32)
    atom_rep_1 = jax.random.normal(keys[next(ki)], (N_ATOMS, H), jnp.float32)
    atom_rep_2 = jax.random.normal(keys[next(ki)], (N_ATOMS, H), jnp.float32)
    senders = jax.random.randint(keys[next(ki)], (N_EDGES,), 0, N_ATOMS, dtype=jnp.int32)
    receivers = jax.random.randint(keys[next(ki)], (N_EDGES,), 0, N_PROBES, dtype=jnp.int32)
    probe_edges = jnp.stack([senders, receivers], axis=1)  # [E, 2], already offset (batch=1)
    probe_edges_features = jax.random.uniform(keys[next(ki)], (N_EDGES, 1), jnp.float32) * CUTOFF
    params = {"msg": [], "gate": [], "state": []}
    for _ in range(NI):
        params["msg"].append({
            "m1": _init_linear(keys[next(ki)], H, 2 * H),
            "m2": _init_linear(keys[next(ki)], H, H),
            "f1": _init_linear(keys[next(ki)], H, EDGE_SIZE),
            "f2": _init_linear(keys[next(ki)], H, H),
        })
        params["gate"].append({
            "g1": _init_linear(keys[next(ki)], H, H),
            "g2": _init_linear(keys[next(ki)], H, H),
        })
        params["state"].append({
            "s1": _init_linear(keys[next(ki)], H, H),
            "s2": _init_linear(keys[next(ki)], H, H),
        })
    params["readout"] = {
        "r1": _init_linear(keys[next(ki)], H, H),
        "r2": _init_linear(keys[next(ki)], 1, H),
    }
    return {
        "atom_rep_0": atom_rep_0,
        "atom_rep_1": atom_rep_1,
        "atom_rep_2": atom_rep_2,
        "probe_edges_features": probe_edges_features,
        "params": params,
        "probe_edges": probe_edges,
    }


def _forward(atom_reps, probe_edges_features, params, probe_edges):
    # gaussian_expansion with (start=0, step=STEP, stop=CUTOFF)
    mu = jnp.arange(0.0, CUTOFF, STEP, dtype=jnp.float32)  # [EDGE_SIZE]
    d = probe_edges_features  # [E, 1] distances
    edge_state = jnp.exp(-((d - mu[None, :]) ** 2) / (2.0 * STEP ** 2))  # [E, EDGE_SIZE]
    # cosine cutoff on raw distances, broadcast [E,1] -> [E,H]
    cc = jnp.where(d < CUTOFF, 0.5 * (jnp.cos(jnp.pi * d / CUTOFF) + 1.0), 0.0)
    probe_state = jnp.zeros((N_PROBES, H), jnp.float32)
    src = probe_edges[:, 0]
    dst = probe_edges[:, 1]
    for i in range(NI):
        nodes = atom_reps[i]
        # MessageSum with include_receiver=True, receiver_nodes=probe_state
        msg_in = jnp.concatenate([nodes[src], probe_state[dst]], axis=1)  # [E, 2H]
        p = params["msg"][i]
        messages = _linear(_ssp(_linear(msg_in, p["m1"])), p["m2"])  # [E, H]
        fw = _linear(_ssp(_linear(edge_state, p["f1"])), p["f2"]) * cc  # [E, H]
        messages = messages * fw
        msgsum = jnp.zeros((N_PROBES, H), jnp.float32).at[dst].add(messages)
        g = params["gate"][i]
        gates = jax.nn.sigmoid(_linear(_ssp(_linear(probe_state, g["g1"])), g["g2"]))
        s = params["state"][i]
        trans = _linear(_ssp(_linear(msgsum, s["s1"])), s["s2"])
        probe_state = probe_state * gates + (1.0 - gates) * trans
    r = params["readout"]
    out = _linear(_ssp(_linear(probe_state, r["r1"])), r["r2"])[:, 0]  # [N_PROBES]
    # pad_and_stack over batch (batch_size=1)
    return out[None, :]


def reference(atom_rep_0, atom_rep_1, atom_rep_2, probe_edges_features, params, probe_edges):
    return _forward([atom_rep_0, atom_rep_1, atom_rep_2], probe_edges_features, params, probe_edges)

if __name__ == "__main__":
    import jax
    _d = setup_inputs()
    print(jax.jit(kernel)(*tuple(_d.values())))

</pallas_src>

<mosaic_0001>
#map = affine_map<(d0, d1) -> (0, 0)>
#map1 = affine_map<(d0, d1) -> (0, 0, 0)>
module attributes {stable_mosaic.version = 14 : i64} {
  func.func @k(%arg0: i32, %arg1: i32, %arg2: memref<131072x128xf32, #tpu.memory_space<hbm>>, %arg3: memref<32x32x128xi32, #tpu.memory_space<hbm>>, %arg4: memref<8192x128xf32, #tpu.memory_space<hbm>>, %arg5: memref<2x8192x128xf32, #tpu.memory_space<hbm>>, %arg6: memref<32x128xi32, #tpu.memory_space<vmem>>, %arg7: memref<8192x128xf32, #tpu.memory_space<vmem_shared>>, %arg8: memref<128x128xf32, #tpu.memory_space<vmem>>, %arg9: memref<128x128xf32, #tpu.memory_space<vmem>>, %arg10: memref<!tpu.dma_semaphore, #tpu.memory_space<semaphore_mem>>, %arg11: memref<!tpu.dma_semaphore, #tpu.memory_space<semaphore_mem>>) attributes {dimension_semantics = [#tpu.dimension_semantics<core_parallel>, #tpu.dimension_semantics<subcore_parallel>], iteration_bounds = array<i64: 2, 16>, scalar_prefetch = 0 : i64, scratch_operands = 6 : i64, tpu.core_type = #tpu.core_type<sc_vector_subcore>, window_params = [{transform_indices = #map}, {transform_indices = #map1}, {transform_indices = #map}, {transform_indices = #map1}]} {
    %mul3A = arith.constant 2 : i32
    %mul3A_0 = arith.muli %arg1, %mul3A : i32
    %add3A = arith.addi %mul3A_0, %arg0 : i32
    %mul3A_1 = arith.constant 4096 : i32
    %mul3A_2 = arith.muli %add3A, %mul3A_1 : i32
    "tpu.region"() ({
      %run_scoped3A = tpu.sem_alloc : memref<!tpu.dma_semaphore, #tpu.memory_space<semaphore_mem>>
      %dma_start3A = arith.constant 0 : i32
      %dma_start3A_16 = arith.constant 0 : i32
      %dma_start3A_17 = tpu.memref_slice %arg3[%add3A, %dma_start3A, %dma_start3A_16] : memref<32x32x128xi32, #tpu.memory_space<hbm>> -> memref<1x32x128xi32, #tpu.memory_space<hbm>>
      %dma_start3A_18 = tpu.memref_squeeze %dma_start3A_17 : memref<1x32x128xi32, #tpu.memory_space<hbm>> -> memref<32x128xi32, #tpu.memory_space<hbm>>
      %dma_start3A_19 = arith.constant 0 : i32
      %dma_start3A_20 = arith.constant 0 : i32
      %dma_start3A_21 = tpu.memref_slice %arg3[%add3A, %dma_start3A_19, %dma_start3A_20] : memref<32x32x128xi32, #tpu.memory_space<hbm>> -> memref<1x32x128xi32, #tpu.memory_space<hbm>>
      %dma_start3A_22 = tpu.memref_squeeze %dma_start3A_21 : memref<1x32x128xi32, #tpu.memory_space<hbm>> -> memref<32x128xi32, #tpu.memory_space<hbm>>
      tpu.enqueue_dma source(%dma_start3A_22 : memref<32x128xi32, #tpu.memory_space<hbm>>) target(%arg6 : memref<32x128xi32, #tpu.memory_space<vmem>>) target_semaphore(%run_scoped3A : memref<!tpu.dma_semaphore, #tpu.memory_space<semaphore_mem>>)
      %dma_wait3A = arith.constant 0 : i32
      %dma_wait3A_23 = arith.constant 0 : i32
      %dma_wait3A_24 = tpu.memref_slice %arg3[%add3A, %dma_wait3A, %dma_wait3A_23] : memref<32x32x128xi32, #tpu.memory_space<hbm>> -> memref<1x32x128xi32, #tpu.memory_space<hbm>>
      %dma_wait3A_25 = tpu.memref_squeeze %dma_wait3A_24 : memref<1x32x128xi32, #tpu.memory_space<hbm>> -> memref<32x128xi32, #tpu.memory_space<hbm>>
      %dma_wait3A_26 = arith.constant 0 : i32
      %dma_wait3A_27 = arith.constant 0 : i32
      %dma_wait3A_28 = tpu.memref_slice %arg3[%add3A, %dma_wait3A_26, %dma_wait3A_27] : memref<32x32x128xi32, #tpu.memory_space<hbm>> -> memref<1x32x128xi32, #tpu.memory_space<hbm>>
      %dma_wait3A_29 = tpu.memref_squeeze %dma_wait3A_28 : memref<1x32x128xi32, #tpu.memory_space<hbm>> -> memref<32x128xi32, #tpu.memory_space<hbm>>
      tpu.wait_dma2 semaphore(%run_scoped3A : memref<!tpu.dma_semaphore, #tpu.memory_space<semaphore_mem>>) src(%dma_wait3A_29 : memref<32x128xi32, #tpu.memory_space<hbm>>) dst(%arg6 : memref<32x128xi32, #tpu.memory_space<vmem>>)
      tpu.yield
    }) : () -> ()
    %mul3A_3 = arith.constant 512 : i32
    %mul3A_4 = arith.muli %arg1, %mul3A_3 : i32
    %mul3A_5 = arith.constant 512 : i32
    %mul3A_6 = arith.muli %arg1, %mul3A_5 : i32
    "tpu.region"() ({
      %run_scoped3A = tpu.sem_alloc : memref<!tpu.dma_semaphore, #tpu.memory_space<semaphore_mem>>
      %dma_start3A = arith.constant 0 : i32
      %dma_start3A_16 = tpu.memref_slice %arg7[%mul3A_6, %dma_start3A] : memref<8192x128xf32, #tpu.memory_space<vmem_shared>> -> memref<512x128xf32, #tpu.memory_space<vmem_shared>>
      %dma_start3A_17 = arith.constant 0 : i32
      %dma_start3A_18 = tpu.memref_slice %arg4[%mul3A_4, %dma_start3A_17] : memref<8192x128xf32, #tpu.memory_space<hbm>> -> memref<512x128xf32, #tpu.memory_space<hbm>>
      tpu.enqueue_dma source(%dma_start3A_18 : memref<512x128xf32, #tpu.memory_space<hbm>>) target(%dma_start3A_16 : memref<512x128xf32, #tpu.memory_space<vmem_shared>>) target_semaphore(%run_scoped3A : memref<!tpu.dma_semaphore, #tpu.memory_space<semaphore_mem>>)
      %dma_wait3A = arith.constant 0 : i32
      %dma_wait3A_19 = tpu.memref_slice %arg7[%mul3A_6, %dma_wait3A] : memref<8192x128xf32, #tpu.memory_space<vmem_shared>> -> memref<512x128xf32, #tpu.memory_space<vmem_shared>>
      %dma_wait3A_20 = arith.constant 0 : i32
      %dma_wait3A_21 = tpu.memref_slice %arg4[%mul3A_4, %dma_wait3A_20] : memref<8192x128xf32, #tpu.memory_space<hbm>> -> memref<512x128xf32, #tpu.memory_space<hbm>>
      tpu.wait_dma2 semaphore(%run_scoped3A : memref<!tpu.dma_semaphore, #tpu.memory_space<semaphore_mem>>) src(%dma_wait3A_21 : memref<512x128xf32, #tpu.memory_space<hbm>>) dst(%dma_wait3A_19 : memref<512x128xf32, #tpu.memory_space<vmem_shared>>)
      tpu.yield
    }) : () -> ()
    %barrier3A = arith.constant 0 : index
    tpu.barrier barrier_id(%barrier3A)
    %scan3A = arith.constant 0 : i32
    %scan3A_7 = arith.constant 16 : i32
    %scan3A_8 = arith.addi %scan3A, %scan3A_7 : i32
    %scan3A_9 = arith.constant 1 : i32
    scf.for %scan3A_16 = %scan3A to %scan3A_8 step %scan3A_9  : i32 {
      %mul3A_17 = arith.constant 1 : i32
      %mul3A_18 = arith.muli %scan3A_16, %mul3A_17 : i32
      %add3A_19 = arith.constant 0 : i32
      %add3A_20 = arith.addi %add3A_19, %mul3A_18 : i32
      %mul3A_21 = arith.constant 2 : i32
      %mul3A_22 = arith.muli %add3A_20, %mul3A_21 : i32
      %add3A_23 = arith.constant 0 : i32
      %add3A_24 = arith.addi %mul3A_22, %add3A_23 : i32
      %mul3A_25 = arith.constant 128 : i32
      %mul3A_26 = arith.muli %add3A_24, %mul3A_25 : i32
      %add3A_27 = arith.addi %mul3A_2, %mul3A_26 : i32
      %dma_start3A = arith.constant 0 : i32
      %dma_start3A_28 = tpu.memref_slice %arg2[%add3A_27, %dma_start3A] : memref<131072x128xf32, #tpu.memory_space<hbm>> -> memref<128x128xf32, #tpu.memory_space<hbm>>
      %dma_start3A_29 = arith.constant 0 : i32
      %dma_start3A_30 = tpu.memref_slice %arg2[%add3A_27, %dma_start3A_29] : memref<131072x128xf32, #tpu.memory_space<hbm>> -> memref<128x128xf32, #tpu.memory_space<hbm>>
      tpu.enqueue_dma source(%dma_start3A_30 : memref<128x128xf32, #tpu.memory_space<hbm>>) target(%arg8 : memref<128x128xf32, #tpu.memory_space<vmem>>) target_semaphore(%arg10 : memref<!tpu.dma_semaphore, #tpu.memory_space<semaphore_mem>>)
      %add3A_31 = arith.constant 1 : i32
      %add3A_32 = arith.addi %mul3A_22, %add3A_31 : i32
      %mul3A_33 = arith.constant 128 : i32
      %mul3A_34 = arith.muli %add3A_32, %mul3A_33 : i32
      %add3A_35 = arith.addi %mul3A_2, %mul3A_34 : i32
      %dma_start3A_36 = arith.constant 0 : i32
      %dma_start3A_37 = tpu.memref_slice %arg2[%add3A_35, %dma_start3A_36] : memref<131072x128xf32, #tpu.memory_space<hbm>> -> memref<128x128xf32, #tpu.memory_space<hbm>>
      %dma_start3A_38 = arith.constant 0 : i32
      %dma_start3A_39 = tpu.memref_slice %arg2[%add3A_35, %dma_start3A_38] : memref<131072x128xf32, #tpu.memory_space<hbm>> -> memref<128x128xf32, #tpu.memory_space<hbm>>
      tpu.enqueue_dma source(%dma_start3A_39 : memref<128x128xf32, #tpu.memory_space<hbm>>) target(%arg9 : memref<128x128xf32, #tpu.memory_space<vmem>>) target_semaphore(%arg11 : memref<!tpu.dma_semaphore, #tpu.memory_space<semaphore_mem>>)
      %dma_wait3A = arith.constant 0 : i32
      %dma_wait3A_40 = tpu.memref_slice %arg2[%add3A_27, %dma_wait3A] : memref<131072x128xf32, #tpu.memory_space<hbm>> -> memref<128x128xf32, #tpu.memory_space<hbm>>
      %dma_wait3A_41 = arith.constant 0 : i32
      %dma_wait3A_42 = tpu.memref_slice %arg2[%add3A_27, %dma_wait3A_41] : memref<131072x128xf32, #tpu.memory_space<hbm>> -> memref<128x128xf32, #tpu.memory_space<hbm>>
      tpu.wait_dma2 semaphore(%arg10 : memref<!tpu.dma_semaphore, #tpu.memory_space<semaphore_mem>>) src(%dma_wait3A_42 : memref<128x128xf32, #tpu.memory_space<hbm>>) dst(%arg8 : memref<128x128xf32, #tpu.memory_space<vmem>>)
      %add3A_43 = arith.constant 0 : i32
      %add3A_44 = arith.addi %mul3A_22, %add3A_43 : i32
      %dma_start3A_45 = arith.constant 0 : i32
      %dma_start3A_46 = tpu.memref_slice %arg6[%add3A_44, %dma_start3A_45] : memref<32x128xi32, #tpu.memory_space<vmem>> -> memref<1x128xi32, #tpu.memory_space<vmem>>
      %dma_start3A_47 = tpu.memref_squeeze %dma_start3A_46 : memref<1x128xi32, #tpu.memory_space<vmem>> -> memref<128xi32, #tpu.memory_space<vmem>>
      %dma_start3A_48 = arith.constant 0 : i32
      %dma_start3A_49 = arith.constant 0 : i32
      %dma_start3A_50 = tpu.memref_slice %arg7[%dma_start3A_48, %dma_start3A_49] : memref<8192x128xf32, #tpu.memory_space<vmem_shared>> -> memref<8192x128xf32, #tpu.memory_space<vmem_shared>>
      tpu.enqueue_indirect_dma source(%arg8 : memref<128x128xf32, #tpu.memory_space<vmem>>) target(%dma_start3A_50 : memref<8192x128xf32, #tpu.memory_space<vmem_shared>>) offsets(%dma_start3A_47 : memref<128xi32, #tpu.memory_space<vmem>>) semaphore(%arg10 : memref<!tpu.dma_semaphore, #tpu.memory_space<semaphore_mem>>) {add = true}
      %dma_wait3A_51 = arith.constant 0 : i32
      %dma_wait3A_52 = tpu.memref_slice %arg2[%add3A_35, %dma_wait3A_51] : memref<131072x128xf32, #tpu.memory_space<hbm>> -> memref<128x128xf32, #tpu.memory_space<hbm>>
      %dma_wait3A_53 = arith.constant 0 : i32
      %dma_wait3A_54 = tpu.memref_slice %arg2[%add3A_35, %dma_wait3A_53] : memref<131072x128xf32, #tpu.memory_space<hbm>> -> memref<128x128xf32, #tpu.memory_space<hbm>>
      tpu.wait_dma2 semaphore(%arg11 : memref<!tpu.dma_semaphore, #tpu.memory_space<semaphore_mem>>) src(%dma_wait3A_54 : memref<128x128xf32, #tpu.memory_space<hbm>>) dst(%arg9 : memref<128x128xf32, #tpu.memory_space<vmem>>)
      %add3A_55 = arith.constant 1 : i32
      %add3A_56 = arith.addi %mul3A_22, %add3A_55 : i32
      %dma_start3A_57 = arith.constant 0 : i32
      %dma_start3A_58 = tpu.memref_slice %arg6[%add3A_56, %dma_start3A_57] : memref<32x128xi32, #tpu.memory_space<vmem>> -> memref<1x128xi32, #tpu.memory_space<vmem>>
      %dma_start3A_59 = tpu.memref_squeeze %dma_start3A_58 : memref<1x128xi32, #tpu.memory_space<vmem>> -> memref<128xi32, #tpu.memory_space<vmem>>
      %dma_start3A_60 = arith.constant 0 : i32
      %dma_start3A_61 = arith.constant 0 : i32
      %dma_start3A_62 = tpu.memref_slice %arg7[%dma_start3A_60, %dma_start3A_61] : memref<8192x128xf32, #tpu.memory_space<vmem_shared>> -> memref<8192x128xf32, #tpu.memory_space<vmem_shared>>
      tpu.enqueue_indirect_dma source(%arg9 : memref<128x128xf32, #tpu.memory_space<vmem>>) target(%dma_start3A_62 : memref<8192x128xf32, #tpu.memory_space<vmem_shared>>) offsets(%dma_start3A_59 : memref<128xi32, #tpu.memory_space<vmem>>) semaphore(%arg11 : memref<!tpu.dma_semaphore, #tpu.memory_space<semaphore_mem>>) {add = true}
      %dma_wait3A_63 = arith.constant 0 : i32
      %dma_wait3A_64 = tpu.memref_slice %arg6[%add3A_44, %dma_wait3A_63] : memref<32x128xi32, #tpu.memory_space<vmem>> -> memref<1x128xi32, #tpu.memory_space<vmem>>
      %dma_wait3A_65 = tpu.memref_squeeze %dma_wait3A_64 : memref<1x128xi32, #tpu.memory_space<vmem>> -> memref<128xi32, #tpu.memory_space<vmem>>
      %dma_wait3A_66 = arith.constant 0 : i32
      %dma_wait3A_67 = arith.constant 0 : i32
      %dma_wait3A_68 = tpu.memref_slice %arg7[%dma_wait3A_66, %dma_wait3A_67] : memref<8192x128xf32, #tpu.memory_space<vmem_shared>> -> memref<8192x128xf32, #tpu.memory_space<vmem_shared>>
      tpu.wait_indirect_dma semaphore(%arg10 : memref<!tpu.dma_semaphore, #tpu.memory_space<semaphore_mem>>) src(%arg8 : memref<128x128xf32, #tpu.memory_space<vmem>>) dst(%dma_wait3A_68 : memref<8192x128xf32, #tpu.memory_space<vmem_shared>>)
      %dma_wait3A_69 = arith.constant 0 : i32
      %dma_wait3A_70 = tpu.memref_slice %arg6[%add3A_56, %dma_wait3A_69] : memref<32x128xi32, #tpu.memory_space<vmem>> -> memref<1x128xi32, #tpu.memory_space<vmem>>
      %dma_wait3A_71 = tpu.memref_squeeze %dma_wait3A_70 : memref<1x128xi32, #tpu.memory_space<vmem>> -> memref<128xi32, #tpu.memory_space<vmem>>
      %dma_wait3A_72 = arith.constant 0 : i32
      %dma_wait3A_73 = arith.constant 0 : i32
      %dma_wait3A_74 = tpu.memref_slice %arg7[%dma_wait3A_72, %dma_wait3A_73] : memref<8192x128xf32, #tpu.memory_space<vmem_shared>> -> memref<8192x128xf32, #tpu.memory_space<vmem_shared>>
      tpu.wait_indirect_dma semaphore(%arg11 : memref<!tpu.dma_semaphore, #tpu.memory_space<semaphore_mem>>) src(%arg9 : memref<128x128xf32, #tpu.memory_space<vmem>>) dst(%dma_wait3A_74 : memref<8192x128xf32, #tpu.memory_space<vmem_shared>>)
    }
    %scan3A_10 = arith.constant 16 : i32
    %barrier3A_11 = arith.constant 0 : index
    tpu.barrier barrier_id(%barrier3A_11)
    %mul3A_12 = arith.constant 512 : i32
    %mul3A_13 = arith.muli %arg1, %mul3A_12 : i32
    %mul3A_14 = arith.constant 512 : i32
    %mul3A_15 = arith.muli %arg1, %mul3A_14 : i32
    "tpu.region"() ({
      %run_scoped3A = tpu.sem_alloc : memref<!tpu.dma_semaphore, #tpu.memory_space<semaphore_mem>>
      %dma_start3A = arith.constant 0 : i32
      %dma_start3A_16 = tpu.memref_slice %arg5[%arg0, %mul3A_15, %dma_start3A] : memref<2x8192x128xf32, #tpu.memory_space<hbm>> -> memref<1x512x128xf32, #tpu.memory_space<hbm>>
      %dma_start3A_17 = tpu.memref_squeeze %dma_start3A_16 : memref<1x512x128xf32, #tpu.memory_space<hbm>> -> memref<512x128xf32, #tpu.memory_space<hbm>>
      %dma_start3A_18 = arith.constant 0 : i32
      %dma_start3A_19 = tpu.memref_slice %arg7[%mul3A_13, %dma_start3A_18] : memref<8192x128xf32, #tpu.memory_space<vmem_shared>> -> memref<512x128xf32, #tpu.memory_space<vmem_shared>>
      tpu.enqueue_dma source(%dma_start3A_19 : memref<512x128xf32, #tpu.memory_space<vmem_shared>>) target(%dma_start3A_17 : memref<512x128xf32, #tpu.memory_space<hbm>>) target_semaphore(%run_scoped3A : memref<!tpu.dma_semaphore, #tpu.memory_space<semaphore_mem>>)
      %dma_wait3A = arith.constant 0 : i32
      %dma_wait3A_20 = tpu.memref_slice %arg5[%arg0, %mul3A_15, %dma_wait3A] : memref<2x8192x128xf32, #tpu.memory_space<hbm>> -> memref<1x512x128xf32, #tpu.memory_space<hbm>>
      %dma_wait3A_21 = tpu.memref_squeeze %dma_wait3A_20 : memref<1x512x128xf32, #tpu.memory_space<hbm>> -> memref<512x128xf32, #tpu.memory_space<hbm>>
      %dma_wait3A_22 = arith.constant 0 : i32
      %dma_wait3A_23 = tpu.memref_slice %arg7[%mul3A_13, %dma_wait3A_22] : memref<8192x128xf32, #tpu.memory_space<vmem_shared>> -> memref<512x128xf32, #tpu.memory_space<vmem_shared>>
      tpu.wait_dma2 semaphore(%run_scoped3A : memref<!tpu.dma_semaphore, #tpu.memory_space<semaphore_mem>>) src(%dma_wait3A_23 : memref<512x128xf32, #tpu.memory_space<vmem_shared>>) dst(%dma_wait3A_21 : memref<512x128xf32, #tpu.memory_space<hbm>>)
      tpu.yield
    }) : () -> ()
    return
  }
}

#map = affine_map<(d0, d1) -> (0, 0)>
#map1 = affine_map<(d0, d1) -> (0, 0, 0)>
module attributes {stable_mosaic.version = 14 : i64} {
  func.func @k(%arg0: i32, %arg1: i32, %arg2: memref<10240x128xf32, #tpu.memory_space<hbm>>, %arg3: memref<32x32x128xi32, #tpu.memory_space<hbm>>, %arg4: memref<131072x128xf32, #tpu.memory_space<hbm>>, %arg5: memref<32x128xi32, #tpu.memory_space<vmem>>, %arg6: memref<10240x128xf32, #tpu.memory_space<vmem_shared>>, %arg7: memref<128x128xf32, #tpu.memory_space<vmem>>, %arg8: memref<128x128xf32, #tpu.memory_space<vmem>>, %arg9: memref<!tpu.dma_semaphore, #tpu.memory_space<semaphore_mem>>, %arg10: memref<!tpu.dma_semaphore, #tpu.memory_space<semaphore_mem>>) attributes {dimension_semantics = [#tpu.dimension_semantics<core_parallel>, #tpu.dimension_semantics<subcore_parallel>], iteration_bounds = array<i64: 2, 16>, scalar_prefetch = 0 : i64, scratch_operands = 6 : i64, tpu.core_type = #tpu.core_type<sc_vector_subcore>, window_params = [{transform_indices = #map}, {transform_indices = #map1}, {transform_indices = #map}]} {
    %mul3A = arith.constant 2 : i32
    %mul3A_0 = arith.muli %arg1, %mul3A : i32
    %add3A = arith.addi %mul3A_0, %arg0 : i32
    %mul3A_1 = arith.constant 4096 : i32
    %mul3A_2 = arith.muli %add3A, %mul3A_1 : i32
    "tpu.region"() ({
      %run_scoped3A = tpu.sem_alloc : memref<!tpu.dma_semaphore, #tpu.memory_space<semaphore_mem>>
      %dma_start3A = arith.constant 0 : i32
      %dma_start3A_11 = arith.constant 0 : i32
      %dma_start3A_12 = tpu.memref_slice %arg3[%add3A, %dma_start3A, %dma_start3A_11] : memref<32x32x128xi32, #tpu.memory_space<hbm>> -> memref<1x32x128xi32, #tpu.memory_space<hbm>>
      %dma_start3A_13 = tpu.memref_squeeze %dma_start3A_12 : memref<1x32x128xi32, #tpu.memory_space<hbm>> -> memref<32x128xi32, #tpu.memory_space<hbm>>
      %dma_start3A_14 = arith.constant 0 : i32
      %dma_start3A_15 = arith.constant 0 : i32
      %dma_start3A_16 = tpu.memref_slice %arg3[%add3A, %dma_start3A_14, %dma_start3A_15] : memref<32x32x128xi32, #tpu.memory_space<hbm>> -> memref<1x32x128xi32, #tpu.memory_space<hbm>>
      %dma_start3A_17 = tpu.memref_squeeze %dma_start3A_16 : memref<1x32x128xi32, #tpu.memory_space<hbm>> -> memref<32x128xi32, #tpu.memory_space<hbm>>
      tpu.enqueue_dma source(%dma_start3A_17 : memref<32x128xi32, #tpu.memory_space<hbm>>) target(%arg5 : memref<32x128xi32, #tpu.memory_space<vmem>>) target_semaphore(%run_scoped3A : memref<!tpu.dma_semaphore, #tpu.memory_space<semaphore_mem>>)
      %dma_wait3A = arith.constant 0 : i32
      %dma_wait3A_18 = arith.constant 0 : i32
      %dma_wait3A_19 = tpu.memref_slice %arg3[%add3A, %dma_wait3A, %dma_wait3A_18] : memref<32x32x128xi32, #tpu.memory_space<hbm>> -> memref<1x32x128xi32, #tpu.memory_space<hbm>>
      %dma_wait3A_20 = tpu.memref_squeeze %dma_wait3A_19 : memref<1x32x128xi32, #tpu.memory_space<hbm>> -> memref<32x128xi32, #tpu.memory_space<hbm>>
      %dma_wait3A_21 = arith.constant 0 : i32
      %dma_wait3A_22 = arith.constant 0 : i32
      %dma_wait3A_23 = tpu.memref_slice %arg3[%add3A, %dma_wait3A_21, %dma_wait3A_22] : memref<32x32x128xi32, #tpu.memory_space<hbm>> -> memref<1x32x128xi32, #tpu.memory_space<hbm>>
      %dma_wait3A_24 = tpu.memref_squeeze %dma_wait3A_23 : memref<1x32x128xi32, #tpu.memory_space<hbm>> -> memref<32x128xi32, #tpu.memory_space<hbm>>
      tpu.wait_dma2 semaphore(%run_scoped3A : memref<!tpu.dma_semaphore, #tpu.memory_space<semaphore_mem>>) src(%dma_wait3A_24 : memref<32x128xi32, #tpu.memory_space<hbm>>) dst(%arg5 : memref<32x128xi32, #tpu.memory_space<vmem>>)
      tpu.yield
    }) : () -> ()
    %mul3A_3 = arith.constant 640 : i32
    %mul3A_4 = arith.muli %arg1, %mul3A_3 : i32
    %mul3A_5 = arith.constant 640 : i32
    %mul3A_6 = arith.muli %arg1, %mul3A_5 : i32
    "tpu.region"() ({
      %run_scoped3A = tpu.sem_alloc : memref<!tpu.dma_semaphore, #tpu.memory_space<semaphore_mem>>
      %dma_start3A = arith.constant 0 : i32
      %dma_start3A_11 = tpu.memref_slice %arg6[%mul3A_6, %dma_start3A] : memref<10240x128xf32, #tpu.memory_space<vmem_shared>> -> memref<640x128xf32, #tpu.memory_space<vmem_shared>>
      %dma_start3A_12 = arith.constant 0 : i32
      %dma_start3A_13 = tpu.memref_slice %arg2[%mul3A_4, %dma_start3A_12] : memref<10240x128xf32, #tpu.memory_space<hbm>> -> memref<640x128xf32, #tpu.memory_space<hbm>>
      tpu.enqueue_dma source(%dma_start3A_13 : memref<640x128xf32, #tpu.memory_space<hbm>>) target(%dma_start3A_11 : memref<640x128xf32, #tpu.memory_space<vmem_shared>>) target_semaphore(%run_scoped3A : memref<!tpu.dma_semaphore, #tpu.memory_space<semaphore_mem>>)
      %dma_wait3A = arith.constant 0 : i32
      %dma_wait3A_14 = tpu.memref_slice %arg6[%mul3A_6, %dma_wait3A] : memref<10240x128xf32, #tpu.memory_space<vmem_shared>> -> memref<640x128xf32, #tpu.memory_space<vmem_shared>>
      %dma_wait3A_15 = arith.constant 0 : i32
      %dma_wait3A_16 = tpu.memref_slice %arg2[%mul3A_4, %dma_wait3A_15] : memref<10240x128xf32, #tpu.memory_space<hbm>> -> memref<640x128xf32, #tpu.memory_space<hbm>>
      tpu.wait_dma2 semaphore(%run_scoped3A : memref<!tpu.dma_semaphore, #tpu.memory_space<semaphore_mem>>) src(%dma_wait3A_16 : memref<640x128xf32, #tpu.memory_space<hbm>>) dst(%dma_wait3A_14 : memref<640x128xf32, #tpu.memory_space<vmem_shared>>)
      tpu.yield
    }) : () -> ()
    %barrier3A = arith.constant 0 : index
    tpu.barrier barrier_id(%barrier3A)
    %scan3A = arith.constant 0 : i32
    %scan3A_7 = arith.constant 16 : i32
    %scan3A_8 = arith.addi %scan3A, %scan3A_7 : i32
    %scan3A_9 = arith.constant 1 : i32
    scf.for %scan3A_11 = %scan3A to %scan3A_8 step %scan3A_9  : i32 {
      %mul3A_12 = arith.constant 1 : i32
      %mul3A_13 = arith.muli %scan3A_11, %mul3A_12 : i32
      %add3A_14 = arith.constant 0 : i32
      %add3A_15 = arith.addi %add3A_14, %mul3A_13 : i32
      %mul3A_16 = arith.constant 2 : i32
      %mul3A_17 = arith.muli %add3A_15, %mul3A_16 : i32
      %add3A_18 = arith.constant 0 : i32
      %add3A_19 = arith.addi %mul3A_17, %add3A_18 : i32
      %dma_start3A = arith.constant 0 : i32
      %dma_start3A_20 = tpu.memref_slice %arg5[%add3A_19, %dma_start3A] : memref<32x128xi32, #tpu.memory_space<vmem>> -> memref<1x128xi32, #tpu.memory_space<vmem>>
      %dma_start3A_21 = tpu.memref_squeeze %dma_start3A_20 : memref<1x128xi32, #tpu.memory_space<vmem>> -> memref<128xi32, #tpu.memory_space<vmem>>
      %dma_start3A_22 = arith.constant 0 : i32
      %dma_start3A_23 = arith.constant 0 : i32
      %dma_start3A_24 = tpu.memref_slice %arg6[%dma_start3A_22, %dma_start3A_23] : memref<10240x128xf32, #tpu.memory_space<vmem_shared>> -> memref<10240x128xf32, #tpu.memory_space<vmem_shared>>
      tpu.enqueue_indirect_dma source(%dma_start3A_24 : memref<10240x128xf32, #tpu.memory_space<vmem_shared>>) target(%arg7 : memref<128x128xf32, #tpu.memory_space<vmem>>) offsets(%dma_start3A_21 : memref<128xi32, #tpu.memory_space<vmem>>) semaphore(%arg9 : memref<!tpu.dma_semaphore, #tpu.memory_space<semaphore_mem>>)
      %add3A_25 = arith.constant 1 : i32
      %add3A_26 = arith.addi %mul3A_17, %add3A_25 : i32
      %dma_start3A_27 = arith.constant 0 : i32
      %dma_start3A_28 = tpu.memref_slice %arg5[%add3A_26, %dma_start3A_27] : memref<32x128xi32, #tpu.memory_space<vmem>> -> memref<1x128xi32, #tpu.memory_space<vmem>>
      %dma_start3A_29 = tpu.memref_squeeze %dma_start3A_28 : memref<1x128xi32, #tpu.memory_space<vmem>> -> memref<128xi32, #tpu.memory_space<vmem>>
      %dma_start3A_30 = arith.constant 0 : i32
      %dma_start3A_31 = arith.constant 0 : i32
      %dma_start3A_32 = tpu.memref_slice %arg6[%dma_start3A_30, %dma_start3A_31] : memref<10240x128xf32, #tpu.memory_space<vmem_shared>> -> memref<10240x128xf32, #tpu.memory_space<vmem_shared>>
      tpu.enqueue_indirect_dma source(%dma_start3A_32 : memref<10240x128xf32, #tpu.memory_space<vmem_shared>>) target(%arg8 : memref<128x128xf32, #tpu.memory_space<vmem>>) offsets(%dma_start3A_29 : memref<128xi32, #tpu.memory_space<vmem>>) semaphore(%arg10 : memref<!tpu.dma_semaphore, #tpu.memory_space<semaphore_mem>>)
      %dma_wait3A = arith.constant 0 : i32
      %dma_wait3A_33 = tpu.memref_slice %arg5[%add3A_19, %dma_wait3A] : memref<32x128xi32, #tpu.memory_space<vmem>> -> memref<1x128xi32, #tpu.memory_space<vmem>>
      %dma_wait3A_34 = tpu.memref_squeeze %dma_wait3A_33 : memref<1x128xi32, #tpu.memory_space<vmem>> -> memref<128xi32, #tpu.memory_space<vmem>>
      %dma_wait3A_35 = arith.constant 0 : i32
      %dma_wait3A_36 = arith.constant 0 : i32
      %dma_wait3A_37 = tpu.memref_slice %arg6[%dma_wait3A_35, %dma_wait3A_36] : memref<10240x128xf32, #tpu.memory_space<vmem_shared>> -> memref<10240x128xf32, #tpu.memory_space<vmem_shared>>
      tpu.wait_indirect_dma semaphore(%arg9 : memref<!tpu.dma_semaphore, #tpu.memory_space<semaphore_mem>>) src(%dma_wait3A_37 : memref<10240x128xf32, #tpu.memory_space<vmem_shared>>) dst(%arg7 : memref<128x128xf32, #tpu.memory_space<vmem>>)
      %add3A_38 = arith.constant 0 : i32
      %add3A_39 = arith.addi %mul3A_17, %add3A_38 : i32
      %mul3A_40 = arith.constant 128 : i32
      %mul3A_41 = arith.muli %add3A_39, %mul3A_40 : i32
      %add3A_42 = arith.addi %mul3A_2, %mul3A_41 : i32
      %dma_start3A_43 = arith.constant 0 : i32
      %dma_start3A_44 = tpu.memref_slice %arg4[%add3A_42, %dma_start3A_43] : memref<131072x128xf32, #tpu.memory_space<hbm>> -> memref<128x128xf32, #tpu.memory_space<hbm>>
      %dma_start3A_45 = arith.constant 0 : i32
      %dma_start3A_46 = tpu.memref_slice %arg4[%add3A_42, %dma_start3A_45] : memref<131072x128xf32, #tpu.memory_space<hbm>> -> memref<128x128xf32, #tpu.memory_space<hbm>>
      tpu.enqueue_dma source(%arg7 : memref<128x128xf32, #tpu.memory_space<vmem>>) target(%dma_start3A_46 : memref<128x128xf32, #tpu.memory_space<hbm>>) target_semaphore(%arg9 : memref<!tpu.dma_semaphore, #tpu.memory_space<semaphore_mem>>)
      %dma_wait3A_47 = arith.constant 0 : i32
      %dma_wait3A_48 = tpu.memref_slice %arg5[%add3A_26, %dma_wait3A_47] : memref<32x128xi32, #tpu.memory_space<vmem>> -> memref<1x128xi32, #tpu.memory_space<vmem>>
      %dma_wait3A_49 = tpu.memref_squeeze %dma_wait3A_48 : memref<1x128xi32, #tpu.memory_space<vmem>> -> memref<128xi32, #tpu.memory_space<vmem>>
      %dma_wait3A_50 = arith.constant 0 : i32
      %dma_wait3A_51 = arith.constant 0 : i32
      %dma_wait3A_52 = tpu.memref_slice %arg6[%dma_wait3A_50, %dma_wait3A_51] : memref<10240x128xf32, #tpu.memory_space<vmem_shared>> -> memref<10240x128xf32, #tpu.memory_space<vmem_shared>>
      tpu.wait_indirect_dma semaphore(%arg10 : memref<!tpu.dma_semaphore, #tpu.memory_space<semaphore_mem>>) src(%dma_wait3A_52 : memref<10240x128xf32, #tpu.memory_space<vmem_shared>>) dst(%arg8 : memref<128x128xf32, #tpu.memory_space<vmem>>)
      %add3A_53 = arith.constant 1 : i32
      %add3A_54 = arith.addi %mul3A_17, %add3A_53 : i32
      %mul3A_55 = arith.constant 128 : i32
      %mul3A_56 = arith.muli %add3A_54, %mul3A_55 : i32
      %add3A_57 = arith.addi %mul3A_2, %mul3A_56 : i32
      %dma_start3A_58 = arith.constant 0 : i32
      %dma_start3A_59 = tpu.memref_slice %arg4[%add3A_57, %dma_start3A_58] : memref<131072x128xf32, #tpu.memory_space<hbm>> -> memref<128x128xf32, #tpu.memory_space<hbm>>
      %dma_start3A_60 = arith.constant 0 : i32
      %dma_start3A_61 = tpu.memref_slice %arg4[%add3A_57, %dma_start3A_60] : memref<131072x128xf32, #tpu.memory_space<hbm>> -> memref<128x128xf32, #tpu.memory_space<hbm>>
      tpu.enqueue_dma source(%arg8 : memref<128x128xf32, #tpu.memory_space<vmem>>) target(%dma_start3A_61 : memref<128x128xf32, #tpu.memory_space<hbm>>) target_semaphore(%arg10 : memref<!tpu.dma_semaphore, #tpu.memory_space<semaphore_mem>>)
      %dma_wait3A_62 = arith.constant 0 : i32
      %dma_wait3A_63 = tpu.memref_slice %arg4[%add3A_42, %dma_wait3A_62] : memref<131072x128xf32, #tpu.memory_space<hbm>> -> memref<128x128xf32, #tpu.memory_space<hbm>>
      %dma_wait3A_64 = arith.constant 0 : i32
      %dma_wait3A_65 = tpu.memref_slice %arg4[%add3A_42, %dma_wait3A_64] : memref<131072x128xf32, #tpu.memory_space<hbm>> -> memref<128x128xf32, #tpu.memory_space<hbm>>
      tpu.wait_dma2 semaphore(%arg9 : memref<!tpu.dma_semaphore, #tpu.memory_space<semaphore_mem>>) src(%arg7 : memref<128x128xf32, #tpu.memory_space<vmem>>) dst(%dma_wait3A_65 : memref<128x128xf32, #tpu.memory_space<hbm>>)
      %dma_wait3A_66 = arith.constant 0 : i32
      %dma_wait3A_67 = tpu.memref_slice %arg4[%add3A_57, %dma_wait3A_66] : memref<131072x128xf32, #tpu.memory_space<hbm>> -> memref<128x128xf32, #tpu.memory_space<hbm>>
      %dma_wait3A_68 = arith.constant 0 : i32
      %dma_wait3A_69 = tpu.memref_slice %arg4[%add3A_57, %dma_wait3A_68] : memref<131072x128xf32, #tpu.memory_space<hbm>> -> memref<128x128xf32, #tpu.memory_space<hbm>>
      tpu.wait_dma2 semaphore(%arg10 : memref<!tpu.dma_semaphore, #tpu.memory_space<semaphore_mem>>) src(%arg8 : memref<128x128xf32, #tpu.memory_space<vmem>>) dst(%dma_wait3A_69 : memref<128x128xf32, #tpu.memory_space<hbm>>)
    }
    %scan3A_10 = arith.constant 16 : i32
    return
  }
}

#map = affine_map<(d0, d1) -> (0, 0)>
#map1 = affine_map<(d0, d1) -> (0, 0, 0)>
module attributes {stable_mosaic.version = 14 : i64} {
  func.func @k(%arg0: i32, %arg1: i32, %arg2: memref<10240x128xf32, #tpu.memory_space<hbm>>, %arg3: memref<8192x128xf32, #tpu.memory_space<hbm>>, %arg4: memref<16x64x128xi32, #tpu.memory_space<hbm>>, %arg5: memref<16x64x128xi32, #tpu.memory_space<hbm>>, %arg6: memref<2x131072x128xf32, #tpu.memory_space<hbm>>, %arg7: memref<64x128xi32, #tpu.memory_space<vmem>>, %arg8: memref<10240x128xf32, #tpu.memory_space<vmem_shared>>, %arg9: memref<128x128xf32, #tpu.memory_space<vmem>>, %arg10: memref<128x128xf32, #tpu.memory_space<vmem>>, %arg11: memref<!tpu.dma_semaphore, #tpu.memory_space<semaphore_mem>>, %arg12: memref<!tpu.dma_semaphore, #tpu.memory_space<semaphore_mem>>) attributes {dimension_semantics = [#tpu.dimension_semantics<core_parallel>, #tpu.dimension_semantics<subcore_parallel>], iteration_bounds = array<i64: 2, 16>, scalar_prefetch = 0 : i64, scratch_operands = 6 : i64, tpu.core_type = #tpu.core_type<sc_vector_subcore>, window_params = [{transform_indices = #map}, {transform_indices = #map}, {transform_indices = #map1}, {transform_indices = #map1}, {transform_indices = #map1}]} {
    %mul3A = arith.constant 8192 : i32
    %mul3A_0 = arith.muli %arg1, %mul3A : i32
    %eq3A = arith.constant 0 : i32
    %eq3A_1 = arith.cmpi eq, %arg0, %eq3A : i32
    %convert_element_type3A = arith.extui %eq3A_1 : i1 to i32
    %cond3A = arith.constant 0 : i32
    %cond3A_2 = arith.cmpi ne, %convert_element_type3A, %cond3A : i32
    scf.if %cond3A_2 {
      "tpu.region"() ({
        %run_scoped3A = tpu.sem_alloc : memref<!tpu.dma_semaphore, #tpu.memory_space<semaphore_mem>>
        %dma_start3A = arith.constant 0 : i32
        %dma_start3A_16 = arith.constant 0 : i32
        %dma_start3A_17 = tpu.memref_slice %arg4[%arg1, %dma_start3A, %dma_start3A_16] : memref<16x64x128xi32, #tpu.memory_space<hbm>> -> memref<1x64x128xi32, #tpu.memory_space<hbm>>
        %dma_start3A_18 = tpu.memref_squeeze %dma_start3A_17 : memref<1x64x128xi32, #tpu.memory_space<hbm>> -> memref<64x128xi32, #tpu.memory_space<hbm>>
        %dma_start3A_19 = arith.constant 0 : i32
        %dma_start3A_20 = arith.constant 0 : i32
        %dma_start3A_21 = tpu.memref_slice %arg4[%arg1, %dma_start3A_19, %dma_start3A_20] : memref<16x64x128xi32, #tpu.memory_space<hbm>> -> memref<1x64x128xi32, #tpu.memory_space<hbm>>
        %dma_start3A_22 = tpu.memref_squeeze %dma_start3A_21 : memref<1x64x128xi32, #tpu.memory_space<hbm>> -> memref<64x128xi32, #tpu.memory_space<hbm>>
        tpu.enqueue_dma source(%dma_start3A_22 : memref<64x128xi32, #tpu.memory_space<hbm>>) target(%arg7 : memref<64x128xi32, #tpu.memory_space<vmem>>) target_semaphore(%run_scoped3A : memref<!tpu.dma_semaphore, #tpu.memory_space<semaphore_mem>>)
        %dma_wait3A = arith.constant 0 : i32
        %dma_wait3A_23 = arith.constant 0 : i32
        %dma_wait3A_24 = tpu.memref_slice %arg4[%arg1, %dma_wait3A, %dma_wait3A_23] : memref<16x64x128xi32, #tpu.memory_space<hbm>> -> memref<1x64x128xi32, #tpu.memory_space<hbm>>
        %dma_wait3A_25 = tpu.memref_squeeze %dma_wait3A_24 : memref<1x64x128xi32, #tpu.memory_space<hbm>> -> memref<64x128xi32, #tpu.memory_space<hbm>>
        %dma_wait3A_26 = arith.constant 0 : i32
        %dma_wait3A_27 = arith.constant 0 : i32
        %dma_wait3A_28 = tpu.memref_slice %arg4[%arg1, %dma_wait3A_26, %dma_wait3A_27] : memref<16x64x128xi32, #tpu.memory_space<hbm>> -> memref<1x64x128xi32, #tpu.memory_space<hbm>>
        %dma_wait3A_29 = tpu.memref_squeeze %dma_wait3A_28 : memref<1x64x128xi32, #tpu.memory_space<hbm>> -> memref<64x128xi32, #tpu.memory_space<hbm>>
        tpu.wait_dma2 semaphore(%run_scoped3A : memref<!tpu.dma_semaphore, #tpu.memory_space<semaphore_mem>>) src(%dma_wait3A_29 : memref<64x128xi32, #tpu.memory_space<hbm>>) dst(%arg7 : memref<64x128xi32, #tpu.memory_space<vmem>>)
        tpu.yield
      }) : () -> ()
      %mul3A_12 = arith.constant 640 : i32
      %mul3A_13 = arith.muli %arg1, %mul3A_12 : i32
      %mul3A_14 = arith.constant 640 : i32
      %mul3A_15 = arith.muli %arg1, %mul3A_14 : i32
      "tpu.region"() ({
        %run_scoped3A = tpu.sem_alloc : memref<!tpu.dma_semaphore, #tpu.memory_space<semaphore_mem>>
        %dma_start3A = arith.constant 0 : i32
        %dma_start3A_16 = tpu.memref_slice %arg8[%mul3A_15, %dma_start3A] : memref<10240x128xf32, #tpu.memory_space<vmem_shared>> -> memref<640x128xf32, #tpu.memory_space<vmem_shared>>
        %dma_start3A_17 = arith.constant 0 : i32
        %dma_start3A_18 = tpu.memref_slice %arg2[%mul3A_13, %dma_start3A_17] : memref<10240x128xf32, #tpu.memory_space<hbm>> -> memref<640x128xf32, #tpu.memory_space<hbm>>
        tpu.enqueue_dma source(%dma_start3A_18 : memref<640x128xf32, #tpu.memory_space<hbm>>) target(%dma_start3A_16 : memref<640x128xf32, #tpu.memory_space<vmem_shared>>) target_semaphore(%run_scoped3A : memref<!tpu.dma_semaphore, #tpu.memory_space<semaphore_mem>>)
        %dma_wait3A = arith.constant 0 : i32
        %dma_wait3A_19 = tpu.memref_slice %arg8[%mul3A_15, %dma_wait3A] : memref<10240x128xf32, #tpu.memory_space<vmem_shared>> -> memref<640x128xf32, #tpu.memory_space<vmem_shared>>
        %dma_wait3A_20 = arith.constant 0 : i32
        %dma_wait3A_21 = tpu.memref_slice %arg2[%mul3A_13, %dma_wait3A_20] : memref<10240x128xf32, #tpu.memory_space<hbm>> -> memref<640x128xf32, #tpu.memory_space<hbm>>
        tpu.wait_dma2 semaphore(%run_scoped3A : memref<!tpu.dma_semaphore, #tpu.memory_space<semaphore_mem>>) src(%dma_wait3A_21 : memref<640x128xf32, #tpu.memory_space<hbm>>) dst(%dma_wait3A_19 : memref<640x128xf32, #tpu.memory_space<vmem_shared>>)
        tpu.yield
      }) : () -> ()
    } else {
    }
    %eq3A_3 = arith.constant 1 : i32
    %eq3A_4 = arith.cmpi eq, %arg0, %eq3A_3 : i32
    %convert_element_type3A_5 = arith.extui %eq3A_4 : i1 to i32
    %cond3A_6 = arith.constant 0 : i32
    %cond3A_7 = arith.cmpi ne, %convert_element_type3A_5, %cond3A_6 : i32
    scf.if %cond3A_7 {
      "tpu.region"() ({
        %run_scoped3A = tpu.sem_alloc : memref<!tpu.dma_semaphore, #tpu.memory_space<semaphore_mem>>
        %dma_start3A = arith.constant 0 : i32
        %dma_start3A_16 = arith.constant 0 : i32
        %dma_start3A_17 = tpu.memref_slice %arg5[%arg1, %dma_start3A, %dma_start3A_16] : memref<16x64x128xi32, #tpu.memory_space<hbm>> -> memref<1x64x128xi32, #tpu.memory_space<hbm>>
        %dma_start3A_18 = tpu.memref_squeeze %dma_start3A_17 : memref<1x64x128xi32, #tpu.memory_space<hbm>> -> memref<64x128xi32, #tpu.memory_space<hbm>>
        %dma_start3A_19 = arith.constant 0 : i32
        %dma_start3A_20 = arith.constant 0 : i32
        %dma_start3A_21 = tpu.memref_slice %arg5[%arg1, %dma_start3A_19, %dma_start3A_20] : memref<16x64x128xi32, #tpu.memory_space<hbm>> -> memref<1x64x128xi32, #tpu.memory_space<hbm>>
        %dma_start3A_22 = tpu.memref_squeeze %dma_start3A_21 : memref<1x64x128xi32, #tpu.memory_space<hbm>> -> memref<64x128xi32, #tpu.memory_space<hbm>>
        tpu.enqueue_dma source(%dma_start3A_22 : memref<64x128xi32, #tpu.memory_space<hbm>>) target(%arg7 : memref<64x128xi32, #tpu.memory_space<vmem>>) target_semaphore(%run_scoped3A : memref<!tpu.dma_semaphore, #tpu.memory_space<semaphore_mem>>)
        %dma_wait3A = arith.constant 0 : i32
        %dma_wait3A_23 = arith.constant 0 : i32
        %dma_wait3A_24 = tpu.memref_slice %arg5[%arg1, %dma_wait3A, %dma_wait3A_23] : memref<16x64x128xi32, #tpu.memory_space<hbm>> -> memref<1x64x128xi32, #tpu.memory_space<hbm>>
        %dma_wait3A_25 = tpu.memref_squeeze %dma_wait3A_24 : memref<1x64x128xi32, #tpu.memory_space<hbm>> -> memref<64x128xi32, #tpu.memory_space<hbm>>
        %dma_wait3A_26 = arith.constant 0 : i32
        %dma_wait3A_27 = arith.constant 0 : i32
        %dma_wait3A_28 = tpu.memref_slice %arg5[%arg1, %dma_wait3A_26, %dma_wait3A_27] : memref<16x64x128xi32, #tpu.memory_space<hbm>> -> memref<1x64x128xi32, #tpu.memory_space<hbm>>
        %dma_wait3A_29 = tpu.memref_squeeze %dma_wait3A_28 : memref<1x64x128xi32, #tpu.memory_space<hbm>> -> memref<64x128xi32, #tpu.memory_space<hbm>>
        tpu.wait_dma2 semaphore(%run_scoped3A : memref<!tpu.dma_semaphore, #tpu.memory_space<semaphore_mem>>) src(%dma_wait3A_29 : memref<64x128xi32, #tpu.memory_space<hbm>>) dst(%arg7 : memref<64x128xi32, #tpu.memory_space<vmem>>)
        tpu.yield
      }) : () -> ()
      %mul3A_12 = arith.constant 512 : i32
      %mul3A_13 = arith.muli %arg1, %mul3A_12 : i32
      %mul3A_14 = arith.constant 512 : i32
      %mul3A_15 = arith.muli %arg1, %mul3A_14 : i32
      "tpu.region"() ({
        %run_scoped3A = tpu.sem_alloc : memref<!tpu.dma_semaphore, #tpu.memory_space<semaphore_mem>>
        %dma_start3A = arith.constant 0 : i32
        %dma_start3A_16 = tpu.memref_slice %arg8[%mul3A_15, %dma_start3A] : memref<10240x128xf32, #tpu.memory_space<vmem_shared>> -> memref<512x128xf32, #tpu.memory_space<vmem_shared>>
        %dma_start3A_17 = arith.constant 0 : i32
        %dma_start3A_18 = tpu.memref_slice %arg3[%mul3A_13, %dma_start3A_17] : memref<8192x128xf32, #tpu.memory_space<hbm>> -> memref<512x128xf32, #tpu.memory_space<hbm>>
        tpu.enqueue_dma source(%dma_start3A_18 : memref<512x128xf32, #tpu.memory_space<hbm>>) target(%dma_start3A_16 : memref<512x128xf32, #tpu.memory_space<vmem_shared>>) target_semaphore(%run_scoped3A : memref<!tpu.dma_semaphore, #tpu.memory_space<semaphore_mem>>)
        %dma_wait3A = arith.constant 0 : i32
        %dma_wait3A_19 = tpu.memref_slice %arg8[%mul3A_15, %dma_wait3A] : memref<10240x128xf32, #tpu.memory_space<vmem_shared>> -> memref<512x128xf32, #tpu.memory_space<vmem_shared>>
        %dma_wait3A_20 = arith.constant 0 : i32
        %dma_wait3A_21 = tpu.memref_slice %arg3[%mul3A_13, %dma_wait3A_20] : memref<8192x128xf32, #tpu.memory_space<hbm>> -> memref<512x128xf32, #tpu.memory_space<hbm>>
        tpu.wait_dma2 semaphore(%run_scoped3A : memref<!tpu.dma_semaphore, #tpu.memory_space<semaphore_mem>>) src(%dma_wait3A_21 : memref<512x128xf32, #tpu.memory_space<hbm>>) dst(%dma_wait3A_19 : memref<512x128xf32, #tpu.memory_space<vmem_shared>>)
        tpu.yield
      }) : () -> ()
    } else {
    }
    %barrier3A = arith.constant 0 : index
    tpu.barrier barrier_id(%barrier3A)
    %scan3A = arith.constant 0 : i32
    %scan3A_8 = arith.constant 32 : i32
    %scan3A_9 = arith.addi %scan3A, %scan3A_8 : i32
    %scan3A_10 = arith.constant 1 : i32
    scf.for %scan3A_12 = %scan3A to %scan3A_9 step %scan3A_10  : i32 {
      %mul3A_13 = arith.constant 1 : i32
      %mul3A_14 = arith.muli %scan3A_12, %mul3A_13 : i32
      %add3A = arith.constant 0 : i32
      %add3A_15 = arith.addi %add3A, %mul3A_14 : i32
      %mul3A_16 = arith.constant 2 : i32
      %mul3A_17 = arith.muli %add3A_15, %mul3A_16 : i32
      %add3A_18 = arith.constant 0 : i32
      %add3A_19 = arith.addi %mul3A_17, %add3A_18 : i32
      %dma_start3A = arith.constant 0 : i32
      %dma_start3A_20 = tpu.memref_slice %arg7[%add3A_19, %dma_start3A] : memref<64x128xi32, #tpu.memory_space<vmem>> -> memref<1x128xi32, #tpu.memory_space<vmem>>
      %dma_start3A_21 = tpu.memref_squeeze %dma_start3A_20 : memref<1x128xi32, #tpu.memory_space<vmem>> -> memref<128xi32, #tpu.memory_space<vmem>>
      %dma_start3A_22 = arith.constant 0 : i32
      %dma_start3A_23 = arith.constant 0 : i32
      %dma_start3A_24 = tpu.memref_slice %arg8[%dma_start3A_22, %dma_start3A_23] : memref<10240x128xf32, #tpu.memory_space<vmem_shared>> -> memref<10240x128xf32, #tpu.memory_space<vmem_shared>>
      tpu.enqueue_indirect_dma source(%dma_start3A_24 : memref<10240x128xf32, #tpu.memory_space<vmem_shared>>) target(%arg9 : memref<128x128xf32, #tpu.memory_space<vmem>>) offsets(%dma_start3A_21 : memref<128xi32, #tpu.memory_space<vmem>>) semaphore(%arg11 : memref<!tpu.dma_semaphore, #tpu.memory_space<semaphore_mem>>)
      %add3A_25 = arith.constant 1 : i32
      %add3A_26 = arith.addi %mul3A_17, %add3A_25 : i32
      %dma_start3A_27 = arith.constant 0 : i32
      %dma_start3A_28 = tpu.memref_slice %arg7[%add3A_26, %dma_start3A_27] : memref<64x128xi32, #tpu.memory_space<vmem>> -> memref<1x128xi32, #tpu.memory_space<vmem>>
      %dma_start3A_29 = tpu.memref_squeeze %dma_start3A_28 : memref<1x128xi32, #tpu.memory_space<vmem>> -> memref<128xi32, #tpu.memory_space<vmem>>
      %dma_start3A_30 = arith.constant 0 : i32
      %dma_start3A_31 = arith.constant 0 : i32
      %dma_start3A_32 = tpu.memref_slice %arg8[%dma_start3A_30, %dma_start3A_31] : memref<10240x128xf32, #tpu.memory_space<vmem_shared>> -> memref<10240x128xf32, #tpu.memory_space<vmem_shared>>
      tpu.enqueue_indirect_dma source(%dma_start3A_32 : memref<10240x128xf32, #tpu.memory_space<vmem_shared>>) target(%arg10 : memref<128x128xf32, #tpu.memory_space<vmem>>) offsets(%dma_start3A_29 : memref<128xi32, #tpu.memory_space<vmem>>) semaphore(%arg12 : memref<!tpu.dma_semaphore, #tpu.memory_space<semaphore_mem>>)
      %dma_wait3A = arith.constant 0 : i32
      %dma_wait3A_33 = tpu.memref_slice %arg7[%add3A_19, %dma_wait3A] : memref<64x128xi32, #tpu.memory_space<vmem>> -> memref<1x128xi32, #tpu.memory_space<vmem>>
      %dma_wait3A_34 = tpu.memref_squeeze %dma_wait3A_33 : memref<1x128xi32, #tpu.memory_space<vmem>> -> memref<128xi32, #tpu.memory_space<vmem>>
      %dma_wait3A_35 = arith.constant 0 : i32
      %dma_wait3A_36 = arith.constant 0 : i32
      %dma_wait3A_37 = tpu.memref_slice %arg8[%dma_wait3A_35, %dma_wait3A_36] : memref<10240x128xf32, #tpu.memory_space<vmem_shared>> -> memref<10240x128xf32, #tpu.memory_space<vmem_shared>>
      tpu.wait_indirect_dma semaphore(%arg11 : memref<!tpu.dma_semaphore, #tpu.memory_space<semaphore_mem>>) src(%dma_wait3A_37 : memref<10240x128xf32, #tpu.memory_space<vmem_shared>>) dst(%arg9 : memref<128x128xf32, #tpu.memory_space<vmem>>)
      %add3A_38 = arith.constant 0 : i32
      %add3A_39 = arith.addi %mul3A_17, %add3A_38 : i32
      %mul3A_40 = arith.constant 128 : i32
      %mul3A_41 = arith.muli %add3A_39, %mul3A_40 : i32
      %add3A_42 = arith.addi %mul3A_0, %mul3A_41 : i32
      %dma_start3A_43 = arith.constant 0 : i32
      %dma_start3A_44 = tpu.memref_slice %arg6[%arg0, %add3A_42, %dma_start3A_43] : memref<2x131072x128xf32, #tpu.memory_space<hbm>> -> memref<1x128x128xf32, #tpu.memory_space<hbm>>
      %dma_start3A_45 = tpu.memref_squeeze %dma_start3A_44 : memref<1x128x128xf32, #tpu.memory_space<hbm>> -> memref<128x128xf32, #tpu.memory_space<hbm>>
      %dma_start3A_46 = arith.constant 0 : i32
      %dma_start3A_47 = tpu.memref_slice %arg6[%arg0, %add3A_42, %dma_start3A_46] : memref<2x131072x128xf32, #tpu.memory_space<hbm>> -> memref<1x128x128xf32, #tpu.memory_space<hbm>>
      %dma_start3A_48 = tpu.memref_squeeze %dma_start3A_47 : memref<1x128x128xf32, #tpu.memory_space<hbm>> -> memref<128x128xf32, #tpu.memory_space<hbm>>
      tpu.enqueue_dma source(%arg9 : memref<128x128xf32, #tpu.memory_space<vmem>>) target(%dma_start3A_48 : memref<128x128xf32, #tpu.memory_space<hbm>>) target_semaphore(%arg11 : memref<!tpu.dma_semaphore, #tpu.memory_space<semaphore_mem>>)
      %dma_wait3A_49 = arith.constant 0 : i32
      %dma_wait3A_50 = tpu.memref_slice %arg7[%add3A_26, %dma_wait3A_49] : memref<64x128xi32, #tpu.memory_space<vmem>> -> memref<1x128xi32, #tpu.memory_space<vmem>>
      %dma_wait3A_51 = tpu.memref_squeeze %dma_wait3A_50 : memref<1x128xi32, #tpu.memory_space<vmem>> -> memref<128xi32, #tpu.memory_space<vmem>>
      %dma_wait3A_52 = arith.constant 0 : i32
      %dma_wait3A_53 = arith.constant 0 : i32
      %dma_wait3A_54 = tpu.memref_slice %arg8[%dma_wait3A_52, %dma_wait3A_53] : memref<10240x128xf32, #tpu.memory_space<vmem_shared>> -> memref<10240x128xf32, #tpu.memory_space<vmem_shared>>
      tpu.wait_indirect_dma semaphore(%arg12 : memref<!tpu.dma_semaphore, #tpu.memory_space<semaphore_mem>>) src(%dma_wait3A_54 : memref<10240x128xf32, #tpu.memory_space<vmem_shared>>) dst(%arg10 : memref<128x128xf32, #tpu.memory_space<vmem>>)
      %add3A_55 = arith.constant 1 : i32
      %add3A_56 = arith.addi %mul3A_17, %add3A_55 : i32
      %mul3A_57 = arith.constant 128 : i32
      %mul3A_58 = arith.muli %add3A_56, %mul3A_57 : i32
      %add3A_59 = arith.addi %mul3A_0, %mul3A_58 : i32
      %dma_start3A_60 = arith.constant 0 : i32
      %dma_start3A_61 = tpu.memref_slice %arg6[%arg0, %add3A_59, %dma_start3A_60] : memref<2x131072x128xf32, #tpu.memory_space<hbm>> -> memref<1x128x128xf32, #tpu.memory_space<hbm>>
      %dma_start3A_62 = tpu.memref_squeeze %dma_start3A_61 : memref<1x128x128xf32, #tpu.memory_space<hbm>> -> memref<128x128xf32, #tpu.memory_space<hbm>>
      %dma_start3A_63 = arith.constant 0 : i32
      %dma_start3A_64 = tpu.memref_slice %arg6[%arg0, %add3A_59, %dma_start3A_63] : memref<2x131072x128xf32, #tpu.memory_space<hbm>> -> memref<1x128x128xf32, #tpu.memory_space<hbm>>
      %dma_start3A_65 = tpu.memref_squeeze %dma_start3A_64 : memref<1x128x128xf32, #tpu.memory_space<hbm>> -> memref<128x128xf32, #tpu.memory_space<hbm>>
      tpu.enqueue_dma source(%arg10 : memref<128x128xf32, #tpu.memory_space<vmem>>) target(%dma_start3A_65 : memref<128x128xf32, #tpu.memory_space<hbm>>) target_semaphore(%arg12 : memref<!tpu.dma_semaphore, #tpu.memory_space<semaphore_mem>>)
      %dma_wait3A_66 = arith.constant 0 : i32
      %dma_wait3A_67 = tpu.memref_slice %arg6[%arg0, %add3A_42, %dma_wait3A_66] : memref<2x131072x128xf32, #tpu.memory_space<hbm>> -> memref<1x128x128xf32, #tpu.memory_space<hbm>>
      %dma_wait3A_68 = tpu.memref_squeeze %dma_wait3A_67 : memref<1x128x128xf32, #tpu.memory_space<hbm>> -> memref<128x128xf32, #tpu.memory_space<hbm>>
      %dma_wait3A_69 = arith.constant 0 : i32
      %dma_wait3A_70 = tpu.memref_slice %arg6[%arg0, %add3A_42, %dma_wait3A_69] : memref<2x131072x128xf32, #tpu.memory_space<hbm>> -> memref<1x128x128xf32, #tpu.memory_space<hbm>>
      %dma_wait3A_71 = tpu.memref_squeeze %dma_wait3A_70 : memref<1x128x128xf32, #tpu.memory_space<hbm>> -> memref<128x128xf32, #tpu.memory_space<hbm>>
      tpu.wait_dma2 semaphore(%arg11 : memref<!tpu.dma_semaphore, #tpu.memory_space<semaphore_mem>>) src(%arg9 : memref<128x128xf32, #tpu.memory_space<vmem>>) dst(%dma_wait3A_71 : memref<128x128xf32, #tpu.memory_space<hbm>>)
      %dma_wait3A_72 = arith.constant 0 : i32
      %dma_wait3A_73 = tpu.memref_slice %arg6[%arg0, %add3A_59, %dma_wait3A_72] : memref<2x131072x128xf32, #tpu.memory_space<hbm>> -> memref<1x128x128xf32, #tpu.memory_space<hbm>>
      %dma_wait3A_74 = tpu.memref_squeeze %dma_wait3A_73 : memref<1x128x128xf32, #tpu.memory_space<hbm>> -> memref<128x128xf32, #tpu.memory_space<hbm>>
      %dma_wait3A_75 = arith.constant 0 : i32
      %dma_wait3A_76 = tpu.memref_slice %arg6[%arg0, %add3A_59, %dma_wait3A_75] : memref<2x131072x128xf32, #tpu.memory_space<hbm>> -> memref<1x128x128xf32, #tpu.memory_space<hbm>>
      %dma_wait3A_77 = tpu.memref_squeeze %dma_wait3A_76 : memref<1x128x128xf32, #tpu.memory_space<hbm>> -> memref<128x128xf32, #tpu.memory_space<hbm>>
      tpu.wait_dma2 semaphore(%arg12 : memref<!tpu.dma_semaphore, #tpu.memory_space<semaphore_mem>>) src(%arg10 : memref<128x128xf32, #tpu.memory_space<vmem>>) dst(%dma_wait3A_77 : memref<128x128xf32, #tpu.memory_space<hbm>>)
    }
    %scan3A_11 = arith.constant 32 : i32
    return
  }
}

#map = affine_map<(d0, d1) -> (0, 0)>
#map1 = affine_map<(d0, d1) -> (0, 0, 0)>
module attributes {stable_mosaic.version = 14 : i64} {
  func.func @k(%arg0: i32, %arg1: i32, %arg2: memref<131072x128xf32, #tpu.memory_space<hbm>>, %arg3: memref<32x32x128xi32, #tpu.memory_space<hbm>>, %arg4: memref<8192x128xf32, #tpu.memory_space<hbm>>, %arg5: memref<2x8192x128xf32, #tpu.memory_space<hbm>>, %arg6: memref<32x128xi32, #tpu.memory_space<vmem>>, %arg7: memref<8192x128xf32, #tpu.memory_space<vmem_shared>>, %arg8: memref<128x128xf32, #tpu.memory_space<vmem>>, %arg9: memref<128x128xf32, #tpu.memory_space<vmem>>, %arg10: memref<!tpu.dma_semaphore, #tpu.memory_space<semaphore_mem>>, %arg11: memref<!tpu.dma_semaphore, #tpu.memory_space<semaphore_mem>>) attributes {dimension_semantics = [#tpu.dimension_semantics<core_parallel>, #tpu.dimension_semantics<subcore_parallel>], iteration_bounds = array<i64: 2, 16>, scalar_prefetch = 0 : i64, scratch_operands = 6 : i64, tpu.core_type = #tpu.core_type<sc_vector_subcore>, window_params = [{transform_indices = #map}, {transform_indices = #map1}, {transform_indices = #map}, {transform_indices = #map1}]} {
    %mul3A = arith.constant 2 : i32
    %mul3A_0 = arith.muli %arg1, %mul3A : i32
    %add3A = arith.addi %mul3A_0, %arg0 : i32
    %mul3A_1 = arith.constant 4096 : i32
    %mul3A_2 = arith.muli %add3A, %mul3A_1 : i32
    "tpu.region"() ({
      %run_scoped3A = tpu.sem_alloc : memref<!tpu.dma_semaphore, #tpu.memory_space<semaphore_mem>>
      %dma_start3A = arith.constant 0 : i32
      %dma_start3A_16 = arith.constant 0 : i32
      %dma_start3A_17 = tpu.memref_slice %arg3[%add3A, %dma_start3A, %dma_start3A_16] : memref<32x32x128xi32, #tpu.memory_space<hbm>> -> memref<1x32x128xi32, #tpu.memory_space<hbm>>
      %dma_start3A_18 = tpu.memref_squeeze %dma_start3A_17 : memref<1x32x128xi32, #tpu.memory_space<hbm>> -> memref<32x128xi32, #tpu.memory_space<hbm>>
      %dma_start3A_19 = arith.constant 0 : i32
      %dma_start3A_20 = arith.constant 0 : i32
      %dma_start3A_21 = tpu.memref_slice %arg3[%add3A, %dma_start3A_19, %dma_start3A_20] : memref<32x32x128xi32, #tpu.memory_space<hbm>> -> memref<1x32x128xi32, #tpu.memory_space<hbm>>
      %dma_start3A_22 = tpu.memref_squeeze %dma_start3A_21 : memref<1x32x128xi32, #tpu.memory_space<hbm>> -> memref<32x128xi32, #tpu.memory_space<hbm>>
      tpu.enqueue_dma source(%dma_start3A_22 : memref<32x128xi32, #tpu.memory_space<hbm>>) target(%arg6 : memref<32x128xi32, #tpu.memory_space<vmem>>) target_semaphore(%run_scoped3A : memref<!tpu.dma_semaphore, #tpu.memory_space<semaphore_mem>>)
      %dma_wait3A = arith.constant 0 : i32
      %dma_wait3A_23 = arith.constant 0 : i32
      %dma_wait3A_24 = tpu.memref_slice %arg3[%add3A, %dma_wait3A, %dma_wait3A_23] : memref<32x32x128xi32, #tpu.memory_space<hbm>> -> memref<1x32x128xi32, #tpu.memory_space<hbm>>
      %dma_wait3A_25 = tpu.memref_squeeze %dma_wait3A_24 : memref<1x32x128xi32, #tpu.memory_space<hbm>> -> memref<32x128xi32, #tpu.memory_space<hbm>>
      %dma_wait3A_26 = arith.constant 0 : i32
      %dma_wait3A_27 = arith.constant 0 : i32
      %dma_wait3A_28 = tpu.memref_slice %arg3[%add3A, %dma_wait3A_26, %dma_wait3A_27] : memref<32x32x128xi32, #tpu.memory_space<hbm>> -> memref<1x32x128xi32, #tpu.memory_space<hbm>>
      %dma_wait3A_29 = tpu.memref_squeeze %dma_wait3A_28 : memref<1x32x128xi32, #tpu.memory_space<hbm>> -> memref<32x128xi32, #tpu.memory_space<hbm>>
      tpu.wait_dma2 semaphore(%run_scoped3A : memref<!tpu.dma_semaphore, #tpu.memory_space<semaphore_mem>>) src(%dma_wait3A_29 : memref<32x128xi32, #tpu.memory_space<hbm>>) dst(%arg6 : memref<32x128xi32, #tpu.memory_space<vmem>>)
      tpu.yield
    }) : () -> ()
    %mul3A_3 = arith.constant 512 : i32
    %mul3A_4 = arith.muli %arg1, %mul3A_3 : i32
    %mul3A_5 = arith.constant 512 : i32
    %mul3A_6 = arith.muli %arg1, %mul3A_5 : i32
    "tpu.region"() ({
      %run_scoped3A = tpu.sem_alloc : memref<!tpu.dma_semaphore, #tpu.memory_space<semaphore_mem>>
      %dma_start3A = arith.constant 0 : i32
      %dma_start3A_16 = tpu.memref_slice %arg7[%mul3A_6, %dma_start3A] : memref<8192x128xf32, #tpu.memory_space<vmem_shared>> -> memref<512x128xf32, #tpu.memory_space<vmem_shared>>
      %dma_start3A_17 = arith.constant 0 : i32
      %dma_start3A_18 = tpu.memref_slice %arg4[%mul3A_4, %dma_start3A_17] : memref<8192x128xf32, #tpu.memory_space<hbm>> -> memref<512x128xf32, #tpu.memory_space<hbm>>
      tpu.enqueue_dma source(%dma_start3A_18 : memref<512x128xf32, #tpu.memory_space<hbm>>) target(%dma_start3A_16 : memref<512x128xf32, #tpu.memory_space<vmem_shared>>) target_semaphore(%run_scoped3A : memref<!tpu.dma_semaphore, #tpu.memory_space<semaphore_mem>>)
      %dma_wait3A = arith.constant 0 : i32
      %dma_wait3A_19 = tpu.memref_slice %arg7[%mul3A_6, %dma_wait3A] : memref<8192x128xf32, #tpu.memory_space<vmem_shared>> -> memref<512x128xf32, #tpu.memory_space<vmem_shared>>
      %dma_wait3A_20 = arith.constant 0 : i32
      %dma_wait3A_21 = tpu.memref_slice %arg4[%mul3A_4, %dma_wait3A_20] : memref<8192x128xf32, #tpu.memory_space<hbm>> -> memref<512x128xf32, #tpu.memory_space<hbm>>
      tpu.wait_dma2 semaphore(%run_scoped3A : memref<!tpu.dma_semaphore, #tpu.memory_space<semaphore_mem>>) src(%dma_wait3A_21 : memref<512x128xf32, #tpu.memory_space<hbm>>) dst(%dma_wait3A_19 : memref<512x128xf32, #tpu.memory_space<vmem_shared>>)
      tpu.yield
    }) : () -> ()
    %barrier3A = arith.constant 0 : index
    tpu.barrier barrier_id(%barrier3A)
    %scan3A = arith.constant 0 : i32
    %scan3A_7 = arith.constant 16 : i32
    %scan3A_8 = arith.addi %scan3A, %scan3A_7 : i32
    %scan3A_9 = arith.constant 1 : i32
    scf.for %scan3A_16 = %scan3A to %scan3A_8 step %scan3A_9  : i32 {
      %mul3A_17 = arith.constant 1 : i32
      %mul3A_18 = arith.muli %scan3A_16, %mul3A_17 : i32
      %add3A_19 = arith.constant 0 : i32
      %add3A_20 = arith.addi %add3A_19, %mul3A_18 : i32
      %mul3A_21 = arith.constant 2 : i32
      %mul3A_22 = arith.muli %add3A_20, %mul3A_21 : i32
      %add3A_23 = arith.constant 0 : i32
      %add3A_24 = arith.addi %mul3A_22, %add3A_23 : i32
      %mul3A_25 = arith.constant 128 : i32
      %mul3A_26 = arith.muli %add3A_24, %mul3A_25 : i32
      %add3A_27 = arith.addi %mul3A_2, %mul3A_26 : i32
      %dma_start3A = arith.constant 0 : i32
      %dma_start3A_28 = tpu.memref_slice %arg2[%add3A_27, %dma_start3A] : memref<131072x128xf32, #tpu.memory_space<hbm>> -> memref<128x128xf32, #tpu.memory_space<hbm>>
      %dma_start3A_29 = arith.constant 0 : i32
      %dma_start3A_30 = tpu.memref_slice %arg2[%add3A_27, %dma_start3A_29] : memref<131072x128xf32, #tpu.memory_space<hbm>> -> memref<128x128xf32, #tpu.memory_space<hbm>>
      tpu.enqueue_dma source(%dma_start3A_30 : memref<128x128xf32, #tpu.memory_space<hbm>>) target(%arg8 : memref<128x128xf32, #tpu.memory_space<vmem>>) target_semaphore(%arg10 : memref<!tpu.dma_semaphore, #tpu.memory_space<semaphore_mem>>)
      %add3A_31 = arith.constant 1 : i32
      %add3A_32 = arith.addi %mul3A_22, %add3A_31 : i32
      %mul3A_33 = arith.constant 128 : i32
      %mul3A_34 = arith.muli %add3A_32, %mul3A_33 : i32
      %add3A_35 = arith.addi %mul3A_2, %mul3A_34 : i32
      %dma_start3A_36 = arith.constant 0 : i32
      %dma_start3A_37 = tpu.memref_slice %arg2[%add3A_35, %dma_start3A_36] : memref<131072x128xf32, #tpu.memory_space<hbm>> -> memref<128x128xf32, #tpu.memory_space<hbm>>
      %dma_start3A_38 = arith.constant 0 : i32
      %dma_start3A_39 = tpu.memref_slice %arg2[%add3A_35, %dma_start3A_38] : memref<131072x128xf32, #tpu.memory_space<hbm>> -> memref<128x128xf32, #tpu.memory_space<hbm>>
      tpu.enqueue_dma source(%dma_start3A_39 : memref<128x128xf32, #tpu.memory_space<hbm>>) target(%arg9 : memref<128x128xf32, #tpu.memory_space<vmem>>) target_semaphore(%arg11 : memref<!tpu.dma_semaphore, #tpu.memory_space<semaphore_mem>>)
      %dma_wait3A = arith.constant 0 : i32
      %dma_wait3A_40 = tpu.memref_slice %arg2[%add3A_27, %dma_wait3A] : memref<131072x128xf32, #tpu.memory_space<hbm>> -> memref<128x128xf32, #tpu.memory_space<hbm>>
      %dma_wait3A_41 = arith.constant 0 : i32
      %dma_wait3A_42 = tpu.memref_slice %arg2[%add3A_27, %dma_wait3A_41] : memref<131072x128xf32, #tpu.memory_space<hbm>> -> memref<128x128xf32, #tpu.memory_space<hbm>>
      tpu.wait_dma2 semaphore(%arg10 : memref<!tpu.dma_semaphore, #tpu.memory_space<semaphore_mem>>) src(%dma_wait3A_42 : memref<128x128xf32, #tpu.memory_space<hbm>>) dst(%arg8 : memref<128x128xf32, #tpu.memory_space<vmem>>)
      %add3A_43 = arith.constant 0 : i32
      %add3A_44 = arith.addi %mul3A_22, %add3A_43 : i32
      %dma_start3A_45 = arith.constant 0 : i32
      %dma_start3A_46 = tpu.memref_slice %arg6[%add3A_44, %dma_start3A_45] : memref<32x128xi32, #tpu.memory_space<vmem>> -> memref<1x128xi32, #tpu.memory_space<vmem>>
      %dma_start3A_47 = tpu.memref_squeeze %dma_start3A_46 : memref<1x128xi32, #tpu.memory_space<vmem>> -> memref<128xi32, #tpu.memory_space<vmem>>
      %dma_start3A_48 = arith.constant 0 : i32
      %dma_start3A_49 = arith.constant 0 : i32
      %dma_start3A_50 = tpu.memref_slice %arg7[%dma_start3A_48, %dma_start3A_49] : memref<8192x128xf32, #tpu.memory_space<vmem_shared>> -> memref<8192x128xf32, #tpu.memory_space<vmem_shared>>
      tpu.enqueue_indirect_dma source(%arg8 : memref<128x128xf32, #tpu.memory_space<vmem>>) target(%dma_start3A_50 : memref<8192x128xf32, #tpu.memory_space<vmem_shared>>) offsets(%dma_start3A_47 : memref<128xi32, #tpu.memory_space<vmem>>) semaphore(%arg10 : memref<!tpu.dma_semaphore, #tpu.memory_space<semaphore_mem>>) {add = true}
      %dma_wait3A_51 = arith.constant 0 : i32
      %dma_wait3A_52 = tpu.memref_slice %arg2[%add3A_35, %dma_wait3A_51] : memref<131072x128xf32, #tpu.memory_space<hbm>> -> memref<128x128xf32, #tpu.memory_space<hbm>>
      %dma_wait3A_53 = arith.constant 0 : i32
      %dma_wait3A_54 = tpu.memref_slice %arg2[%add3A_35, %dma_wait3A_53] : memref<131072x128xf32, #tpu.memory_space<hbm>> -> memref<128x128xf32, #tpu.memory_space<hbm>>
      tpu.wait_dma2 semaphore(%arg11 : memref<!tpu.dma_semaphore, #tpu.memory_space<semaphore_mem>>) src(%dma_wait3A_54 : memref<128x128xf32, #tpu.memory_space<hbm>>) dst(%arg9 : memref<128x128xf32, #tpu.memory_space<vmem>>)
      %add3A_55 = arith.constant 1 : i32
      %add3A_56 = arith.addi %mul3A_22, %add3A_55 : i32
      %dma_start3A_57 = arith.constant 0 : i32
      %dma_start3A_58 = tpu.memref_slice %arg6[%add3A_56, %dma_start3A_57] : memref<32x128xi32, #tpu.memory_space<vmem>> -> memref<1x128xi32, #tpu.memory_space<vmem>>
      %dma_start3A_59 = tpu.memref_squeeze %dma_start3A_58 : memref<1x128xi32, #tpu.memory_space<vmem>> -> memref<128xi32, #tpu.memory_space<vmem>>
      %dma_start3A_60 = arith.constant 0 : i32
      %dma_start3A_61 = arith.constant 0 : i32
      %dma_start3A_62 = tpu.memref_slice %arg7[%dma_start3A_60, %dma_start3A_61] : memref<8192x128xf32, #tpu.memory_space<vmem_shared>> -> memref<8192x128xf32, #tpu.memory_space<vmem_shared>>
      tpu.enqueue_indirect_dma source(%arg9 : memref<128x128xf32, #tpu.memory_space<vmem>>) target(%dma_start3A_62 : memref<8192x128xf32, #tpu.memory_space<vmem_shared>>) offsets(%dma_start3A_59 : memref<128xi32, #tpu.memory_space<vmem>>) semaphore(%arg11 : memref<!tpu.dma_semaphore, #tpu.memory_space<semaphore_mem>>) {add = true}
      %dma_wait3A_63 = arith.constant 0 : i32
      %dma_wait3A_64 = tpu.memref_slice %arg6[%add3A_44, %dma_wait3A_63] : memref<32x128xi32, #tpu.memory_space<vmem>> -> memref<1x128xi32, #tpu.memory_space<vmem>>
      %dma_wait3A_65 = tpu.memref_squeeze %dma_wait3A_64 : memref<1x128xi32, #tpu.memory_space<vmem>> -> memref<128xi32, #tpu.memory_space<vmem>>
      %dma_wait3A_66 = arith.constant 0 : i32
      %dma_wait3A_67 = arith.constant 0 : i32
      %dma_wait3A_68 = tpu.memref_slice %arg7[%dma_wait3A_66, %dma_wait3A_67] : memref<8192x128xf32, #tpu.memory_space<vmem_shared>> -> memref<8192x128xf32, #tpu.memory_space<vmem_shared>>
      tpu.wait_indirect_dma semaphore(%arg10 : memref<!tpu.dma_semaphore, #tpu.memory_space<semaphore_mem>>) src(%arg8 : memref<128x128xf32, #tpu.memory_space<vmem>>) dst(%dma_wait3A_68 : memref<8192x128xf32, #tpu.memory_space<vmem_shared>>)
      %dma_wait3A_69 = arith.constant 0 : i32
      %dma_wait3A_70 = tpu.memref_slice %arg6[%add3A_56, %dma_wait3A_69] : memref<32x128xi32, #tpu.memory_space<vmem>> -> memref<1x128xi32, #tpu.memory_space<vmem>>
      %dma_wait3A_71 = tpu.memref_squeeze %dma_wait3A_70 : memref<1x128xi32, #tpu.memory_space<vmem>> -> memref<128xi32, #tpu.memory_space<vmem>>
      %dma_wait3A_72 = arith.constant 0 : i32
      %dma_wait3A_73 = arith.constant 0 : i32
      %dma_wait3A_74 = tpu.memref_slice %arg7[%dma_wait3A_72, %dma_wait3A_73] : memref<8192x128xf32, #tpu.memory_space<vmem_shared>> -> memref<8192x128xf32, #tpu.memory_space<vmem_shared>>
      tpu.wait_indirect_dma semaphore(%arg11 : memref<!tpu.dma_semaphore, #tpu.memory_space<semaphore_mem>>) src(%arg9 : memref<128x128xf32, #tpu.memory_space<vmem>>) dst(%dma_wait3A_74 : memref<8192x128xf32, #tpu.memory_space<vmem_shared>>)
    }
    %scan3A_10 = arith.constant 16 : i32
    %barrier3A_11 = arith.constant 0 : index
    tpu.barrier barrier_id(%barrier3A_11)
    %mul3A_12 = arith.constant 512 : i32
    %mul3A_13 = arith.muli %arg1, %mul3A_12 : i32
    %mul3A_14 = arith.constant 512 : i32
    %mul3A_15 = arith.muli %arg1, %mul3A_14 : i32
    "tpu.region"() ({
      %run_scoped3A = tpu.sem_alloc : memref<!tpu.dma_semaphore, #tpu.memory_space<semaphore_mem>>
      %dma_start3A = arith.constant 0 : i32
      %dma_start3A_16 = tpu.memref_slice %arg5[%arg0, %mul3A_15, %dma_start3A] : memref<2x8192x128xf32, #tpu.memory_space<hbm>> -> memref<1x512x128xf32, #tpu.memory_space<hbm>>
      %dma_start3A_17 = tpu.memref_squeeze %dma_start3A_16 : memref<1x512x128xf32, #tpu.memory_space<hbm>> -> memref<512x128xf32, #tpu.memory_space<hbm>>
      %dma_start3A_18 = arith.constant 0 : i32
      %dma_start3A_19 = tpu.memref_slice %arg7[%mul3A_13, %dma_start3A_18] : memref<8192x128xf32, #tpu.memory_space<vmem_shared>> -> memref<512x128xf32, #tpu.memory_space<vmem_shared>>
      tpu.enqueue_dma source(%dma_start3A_19 : memref<512x128xf32, #tpu.memory_space<vmem_shared>>) target(%dma_start3A_17 : memref<512x128xf32, #tpu.memory_space<hbm>>) target_semaphore(%run_scoped3A : memref<!tpu.dma_semaphore, #tpu.memory_space<semaphore_mem>>)
      %dma_wait3A = arith.constant 0 : i32
      %dma_wait3A_20 = tpu.memref_slice %arg5[%arg0, %mul3A_15, %dma_wait3A] : memref<2x8192x128xf32, #tpu.memory_space<hbm>> -> memref<1x512x128xf32, #tpu.memory_space<hbm>>
      %dma_wait3A_21 = tpu.memref_squeeze %dma_wait3A_20 : memref<1x512x128xf32, #tpu.memory_space<hbm>> -> memref<512x128xf32, #tpu.memory_space<hbm>>
      %dma_wait3A_22 = arith.constant 0 : i32
      %dma_wait3A_23 = tpu.memref_slice %arg7[%mul3A_13, %dma_wait3A_22] : memref<8192x128xf32, #tpu.memory_space<vmem_shared>> -> memref<512x128xf32, #tpu.memory_space<vmem_shared>>
      tpu.wait_dma2 semaphore(%run_scoped3A : memref<!tpu.dma_semaphore, #tpu.memory_space<semaphore_mem>>) src(%dma_wait3A_23 : memref<512x128xf32, #tpu.memory_space<vmem_shared>>) dst(%dma_wait3A_21 : memref<512x128xf32, #tpu.memory_space<hbm>>)
      tpu.yield
    }) : () -> ()
    return
  }
}

#map = affine_map<(d0, d1) -> (0, 0)>
#map1 = affine_map<(d0, d1) -> (0, 0, 0)>
module attributes {stable_mosaic.version = 14 : i64} {
  func.func @k(%arg0: i32, %arg1: i32, %arg2: memref<10240x128xf32, #tpu.memory_space<hbm>>, %arg3: memref<8192x128xf32, #tpu.memory_space<hbm>>, %arg4: memref<16x64x128xi32, #tpu.memory_space<hbm>>, %arg5: memref<16x64x128xi32, #tpu.memory_space<hbm>>, %arg6: memref<2x131072x128xf32, #tpu.memory_space<hbm>>, %arg7: memref<64x128xi32, #tpu.memory_space<vmem>>, %arg8: memref<10240x128xf32, #tpu.memory_space<vmem_shared>>, %arg9: memref<128x128xf32, #tpu.memory_space<vmem>>, %arg10: memref<128x128xf32, #tpu.memory_space<vmem>>, %arg11: memref<!tpu.dma_semaphore, #tpu.memory_space<semaphore_mem>>, %arg12: memref<!tpu.dma_semaphore, #tpu.memory_space<semaphore_mem>>) attributes {dimension_semantics = [#tpu.dimension_semantics<core_parallel>, #tpu.dimension_semantics<subcore_parallel>], iteration_bounds = array<i64: 2, 16>, scalar_prefetch = 0 : i64, scratch_operands = 6 : i64, tpu.core_type = #tpu.core_type<sc_vector_subcore>, window_params = [{transform_indices = #map}, {transform_indices = #map}, {transform_indices = #map1}, {transform_indices = #map1}, {transform_indices = #map1}]} {
    %mul3A = arith.constant 8192 : i32
    %mul3A_0 = arith.muli %arg1, %mul3A : i32
    %eq3A = arith.constant 0 : i32
    %eq3A_1 = arith.cmpi eq, %arg0, %eq3A : i32
    %convert_element_type3A = arith.extui %eq3A_1 : i1 to i32
    %cond3A = arith.constant 0 : i32
    %cond3A_2 = arith.cmpi ne, %convert_element_type3A, %cond3A : i32
    scf.if %cond3A_2 {
      "tpu.region"() ({
        %run_scoped3A = tpu.sem_alloc : memref<!tpu.dma_semaphore, #tpu.memory_space<semaphore_mem>>
        %dma_start3A = arith.constant 0 : i32
        %dma_start3A_16 = arith.constant 0 : i32
        %dma_start3A_17 = tpu.memref_slice %arg4[%arg1, %dma_start3A, %dma_start3A_16] : memref<16x64x128xi32, #tpu.memory_space<hbm>> -> memref<1x64x128xi32, #tpu.memory_space<hbm>>
        %dma_start3A_18 = tpu.memref_squeeze %dma_start3A_17 : memref<1x64x128xi32, #tpu.memory_space<hbm>> -> memref<64x128xi32, #tpu.memory_space<hbm>>
        %dma_start3A_19 = arith.constant 0 : i32
        %dma_start3A_20 = arith.constant 0 : i32
        %dma_start3A_21 = tpu.memref_slice %arg4[%arg1, %dma_start3A_19, %dma_start3A_20] : memref<16x64x128xi32, #tpu.memory_space<hbm>> -> memref<1x64x128xi32, #tpu.memory_space<hbm>>
        %dma_start3A_22 = tpu.memref_squeeze %dma_start3A_21 : memref<1x64x128xi32, #tpu.memory_space<hbm>> -> memref<64x128xi32, #tpu.memory_space<hbm>>
        tpu.enqueue_dma source(%dma_start3A_22 : memref<64x128xi32, #tpu.memory_space<hbm>>) target(%arg7 : memref<64x128xi32, #tpu.memory_space<vmem>>) target_semaphore(%run_scoped3A : memref<!tpu.dma_semaphore, #tpu.memory_space<semaphore_mem>>)
        %dma_wait3A = arith.constant 0 : i32
        %dma_wait3A_23 = arith.constant 0 : i32
        %dma_wait3A_24 = tpu.memref_slice %arg4[%arg1, %dma_wait3A, %dma_wait3A_23] : memref<16x64x128xi32, #tpu.memory_space<hbm>> -> memref<1x64x128xi32, #tpu.memory_space<hbm>>
        %dma_wait3A_25 = tpu.memref_squeeze %dma_wait3A_24 : memref<1x64x128xi32, #tpu.memory_space<hbm>> -> memref<64x128xi32, #tpu.memory_space<hbm>>
        %dma_wait3A_26 = arith.constant 0 : i32
        %dma_wait3A_27 = arith.constant 0 : i32
        %dma_wait3A_28 = tpu.memref_slice %arg4[%arg1, %dma_wait3A_26, %dma_wait3A_27] : memref<16x64x128xi32, #tpu.memory_space<hbm>> -> memref<1x64x128xi32, #tpu.memory_space<hbm>>
        %dma_wait3A_29 = tpu.memref_squeeze %dma_wait3A_28 : memref<1x64x128xi32, #tpu.memory_space<hbm>> -> memref<64x128xi32, #tpu.memory_space<hbm>>
        tpu.wait_dma2 semaphore(%run_scoped3A : memref<!tpu.dma_semaphore, #tpu.memory_space<semaphore_mem>>) src(%dma_wait3A_29 : memref<64x128xi32, #tpu.memory_space<hbm>>) dst(%arg7 : memref<64x128xi32, #tpu.memory_space<vmem>>)
        tpu.yield
      }) : () -> ()
      %mul3A_12 = arith.constant 640 : i32
      %mul3A_13 = arith.muli %arg1, %mul3A_12 : i32
      %mul3A_14 = arith.constant 640 : i32
      %mul3A_15 = arith.muli %arg1, %mul3A_14 : i32
      "tpu.region"() ({
        %run_scoped3A = tpu.sem_alloc : memref<!tpu.dma_semaphore, #tpu.memory_space<semaphore_mem>>
        %dma_start3A = arith.constant 0 : i32
        %dma_start3A_16 = tpu.memref_slice %arg8[%mul3A_15, %dma_start3A] : memref<10240x128xf32, #tpu.memory_space<vmem_shared>> -> memref<640x128xf32, #tpu.memory_space<vmem_shared>>
        %dma_start3A_17 = arith.constant 0 : i32
        %dma_start3A_18 = tpu.memref_slice %arg2[%mul3A_13, %dma_start3A_17] : memref<10240x128xf32, #tpu.memory_space<hbm>> -> memref<640x128xf32, #tpu.memory_space<hbm>>
        tpu.enqueue_dma source(%dma_start3A_18 : memref<640x128xf32, #tpu.memory_space<hbm>>) target(%dma_start3A_16 : memref<640x128xf32, #tpu.memory_space<vmem_shared>>) target_semaphore(%run_scoped3A : memref<!tpu.dma_semaphore, #tpu.memory_space<semaphore_mem>>)
        %dma_wait3A = arith.constant 0 : i32
        %dma_wait3A_19 = tpu.memref_slice %arg8[%mul3A_15, %dma_wait3A] : memref<10240x128xf32, #tpu.memory_space<vmem_shared>> -> memref<640x128xf32, #tpu.memory_space<vmem_shared>>
        %dma_wait3A_20 = arith.constant 0 : i32
        %dma_wait3A_21 = tpu.memref_slice %arg2[%mul3A_13, %dma_wait3A_20] : memref<10240x128xf32, #tpu.memory_space<hbm>> -> memref<640x128xf32, #tpu.memory_space<hbm>>
        tpu.wait_dma2 semaphore(%run_scoped3A : memref<!tpu.dma_semaphore, #tpu.memory_space<semaphore_mem>>) src(%dma_wait3A_21 : memref<640x128xf32, #tpu.memory_space<hbm>>) dst(%dma_wait3A_19 : memref<640x128xf32, #tpu.memory_space<vmem_shared>>)
        tpu.yield
      }) : () -> ()
    } else {
    }
    %eq3A_3 = arith.constant 1 : i32
    %eq3A_4 = arith.cmpi eq, %arg0, %eq3A_3 : i32
    %convert_element_type3A_5 = arith.extui %eq3A_4 : i1 to i32
    %cond3A_6 = arith.constant 0 : i32
    %cond3A_7 = arith.cmpi ne, %convert_element_type3A_5, %cond3A_6 : i32
    scf.if %cond3A_7 {
      "tpu.region"() ({
        %run_scoped3A = tpu.sem_alloc : memref<!tpu.dma_semaphore, #tpu.memory_space<semaphore_mem>>
        %dma_start3A = arith.constant 0 : i32
        %dma_start3A_16 = arith.constant 0 : i32
        %dma_start3A_17 = tpu.memref_slice %arg5[%arg1, %dma_start3A, %dma_start3A_16] : memref<16x64x128xi32, #tpu.memory_space<hbm>> -> memref<1x64x128xi32, #tpu.memory_space<hbm>>
        %dma_start3A_18 = tpu.memref_squeeze %dma_start3A_17 : memref<1x64x128xi32, #tpu.memory_space<hbm>> -> memref<64x128xi32, #tpu.memory_space<hbm>>
        %dma_start3A_19 = arith.constant 0 : i32
        %dma_start3A_20 = arith.constant 0 : i32
        %dma_start3A_21 = tpu.memref_slice %arg5[%arg1, %dma_start3A_19, %dma_start3A_20] : memref<16x64x128xi32, #tpu.memory_space<hbm>> -> memref<1x64x128xi32, #tpu.memory_space<hbm>>
        %dma_start3A_22 = tpu.memref_squeeze %dma_start3A_21 : memref<1x64x128xi32, #tpu.memory_space<hbm>> -> memref<64x128xi32, #tpu.memory_space<hbm>>
        tpu.enqueue_dma source(%dma_start3A_22 : memref<64x128xi32, #tpu.memory_space<hbm>>) target(%arg7 : memref<64x128xi32, #tpu.memory_space<vmem>>) target_semaphore(%run_scoped3A : memref<!tpu.dma_semaphore, #tpu.memory_space<semaphore_mem>>)
        %dma_wait3A = arith.constant 0 : i32
        %dma_wait3A_23 = arith.constant 0 : i32
        %dma_wait3A_24 = tpu.memref_slice %arg5[%arg1, %dma_wait3A, %dma_wait3A_23] : memref<16x64x128xi32, #tpu.memory_space<hbm>> -> memref<1x64x128xi32, #tpu.memory_space<hbm>>
        %dma_wait3A_25 = tpu.memref_squeeze %dma_wait3A_24 : memref<1x64x128xi32, #tpu.memory_space<hbm>> -> memref<64x128xi32, #tpu.memory_space<hbm>>
        %dma_wait3A_26 = arith.constant 0 : i32
        %dma_wait3A_27 = arith.constant 0 : i32
        %dma_wait3A_28 = tpu.memref_slice %arg5[%arg1, %dma_wait3A_26, %dma_wait3A_27] : memref<16x64x128xi32, #tpu.memory_space<hbm>> -> memref<1x64x128xi32, #tpu.memory_space<hbm>>
        %dma_wait3A_29 = tpu.memref_squeeze %dma_wait3A_28 : memref<1x64x128xi32, #tpu.memory_space<hbm>> -> memref<64x128xi32, #tpu.memory_space<hbm>>
        tpu.wait_dma2 semaphore(%run_scoped3A : memref<!tpu.dma_semaphore, #tpu.memory_space<semaphore_mem>>) src(%dma_wait3A_29 : memref<64x128xi32, #tpu.memory_space<hbm>>) dst(%arg7 : memref<64x128xi32, #tpu.memory_space<vmem>>)
        tpu.yield
      }) : () -> ()
      %mul3A_12 = arith.constant 512 : i32
      %mul3A_13 = arith.muli %arg1, %mul3A_12 : i32
      %mul3A_14 = arith.constant 512 : i32
      %mul3A_15 = arith.muli %arg1, %mul3A_14 : i32
      "tpu.region"() ({
        %run_scoped3A = tpu.sem_alloc : memref<!tpu.dma_semaphore, #tpu.memory_space<semaphore_mem>>
        %dma_start3A = arith.constant 0 : i32
        %dma_start3A_16 = tpu.memref_slice %arg8[%mul3A_15, %dma_start3A] : memref<10240x128xf32, #tpu.memory_space<vmem_shared>> -> memref<512x128xf32, #tpu.memory_space<vmem_shared>>
        %dma_start3A_17 = arith.constant 0 : i32
        %dma_start3A_18 = tpu.memref_slice %arg3[%mul3A_13, %dma_start3A_17] : memref<8192x128xf32, #tpu.memory_space<hbm>> -> memref<512x128xf32, #tpu.memory_space<hbm>>
        tpu.enqueue_dma source(%dma_start3A_18 : memref<512x128xf32, #tpu.memory_space<hbm>>) target(%dma_start3A_16 : memref<512x128xf32, #tpu.memory_space<vmem_shared>>) target_semaphore(%run_scoped3A : memref<!tpu.dma_semaphore, #tpu.memory_space<semaphore_mem>>)
        %dma_wait3A = arith.constant 0 : i32
        %dma_wait3A_19 = tpu.memref_slice %arg8[%mul3A_15, %dma_wait3A] : memref<10240x128xf32, #tpu.memory_space<vmem_shared>> -> memref<512x128xf32, #tpu.memory_space<vmem_shared>>
        %dma_wait3A_20 = arith.constant 0 : i32
        %dma_wait3A_21 = tpu.memref_slice %arg3[%mul3A_13, %dma_wait3A_20] : memref<8192x128xf32, #tpu.memory_space<hbm>> -> memref<512x128xf32, #tpu.memory_space<hbm>>
        tpu.wait_dma2 semaphore(%run_scoped3A : memref<!tpu.dma_semaphore, #tpu.memory_space<semaphore_mem>>) src(%dma_wait3A_21 : memref<512x128xf32, #tpu.memory_space<hbm>>) dst(%dma_wait3A_19 : memref<512x128xf32, #tpu.memory_space<vmem_shared>>)
        tpu.yield
      }) : () -> ()
    } else {
    }
    %barrier3A = arith.constant 0 : index
    tpu.barrier barrier_id(%barrier3A)
    %scan3A = arith.constant 0 : i32
    %scan3A_8 = arith.constant 32 : i32
    %scan3A_9 = arith.addi %scan3A, %scan3A_8 : i32
    %scan3A_10 = arith.constant 1 : i32
    scf.for %scan3A_12 = %scan3A to %scan3A_9 step %scan3A_10  : i32 {
      %mul3A_13 = arith.constant 1 : i32
      %mul3A_14 = arith.muli %scan3A_12, %mul3A_13 : i32
      %add3A = arith.constant 0 : i32
      %add3A_15 = arith.addi %add3A, %mul3A_14 : i32
      %mul3A_16 = arith.constant 2 : i32
      %mul3A_17 = arith.muli %add3A_15, %mul3A_16 : i32
      %add3A_18 = arith.constant 0 : i32
      %add3A_19 = arith.addi %mul3A_17, %add3A_18 : i32
      %dma_start3A = arith.constant 0 : i32
      %dma_start3A_20 = tpu.memref_slice %arg7[%add3A_19, %dma_start3A] : memref<64x128xi32, #tpu.memory_space<vmem>> -> memref<1x128xi32, #tpu.memory_space<vmem>>
      %dma_start3A_21 = tpu.memref_squeeze %dma_start3A_20 : memref<1x128xi32, #tpu.memory_space<vmem>> -> memref<128xi32, #tpu.memory_space<vmem>>
      %dma_start3A_22 = arith.constant 0 : i32
      %dma_start3A_23 = arith.constant 0 : i32
      %dma_start3A_24 = tpu.memref_slice %arg8[%dma_start3A_22, %dma_start3A_23] : memref<10240x128xf32, #tpu.memory_space<vmem_shared>> -> memref<10240x128xf32, #tpu.memory_space<vmem_shared>>
      tpu.enqueue_indirect_dma source(%dma_start3A_24 : memref<10240x128xf32, #tpu.memory_space<vmem_shared>>) target(%arg9 : memref<128x128xf32, #tpu.memory_space<vmem>>) offsets(%dma_start3A_21 : memref<128xi32, #tpu.memory_space<vmem>>) semaphore(%arg11 : memref<!tpu.dma_semaphore, #tpu.memory_space<semaphore_mem>>)
      %add3A_25 = arith.constant 1 : i32
      %add3A_26 = arith.addi %mul3A_17, %add3A_25 : i32
      %dma_start3A_27 = arith.constant 0 : i32
      %dma_start3A_28 = tpu.memref_slice %arg7[%add3A_26, %dma_start3A_27] : memref<64x128xi32, #tpu.memory_space<vmem>> -> memref<1x128xi32, #tpu.memory_space<vmem>>
      %dma_start3A_29 = tpu.memref_squeeze %dma_start3A_28 : memref<1x128xi32, #tpu.memory_space<vmem>> -> memref<128xi32, #tpu.memory_space<vmem>>
      %dma_start3A_30 = arith.constant 0 : i32
      %dma_start3A_31 = arith.constant 0 : i32
      %dma_start3A_32 = tpu.memref_slice %arg8[%dma_start3A_30, %dma_start3A_31] : memref<10240x128xf32, #tpu.memory_space<vmem_shared>> -> memref<10240x128xf32, #tpu.memory_space<vmem_shared>>
      tpu.enqueue_indirect_dma source(%dma_start3A_32 : memref<10240x128xf32, #tpu.memory_space<vmem_shared>>) target(%arg10 : memref<128x128xf32, #tpu.memory_space<vmem>>) offsets(%dma_start3A_29 : memref<128xi32, #tpu.memory_space<vmem>>) semaphore(%arg12 : memref<!tpu.dma_semaphore, #tpu.memory_space<semaphore_mem>>)
      %dma_wait3A = arith.constant 0 : i32
      %dma_wait3A_33 = tpu.memref_slice %arg7[%add3A_19, %dma_wait3A] : memref<64x128xi32, #tpu.memory_space<vmem>> -> memref<1x128xi32, #tpu.memory_space<vmem>>
      %dma_wait3A_34 = tpu.memref_squeeze %dma_wait3A_33 : memref<1x128xi32, #tpu.memory_space<vmem>> -> memref<128xi32, #tpu.memory_space<vmem>>
      %dma_wait3A_35 = arith.constant 0 : i32
      %dma_wait3A_36 = arith.constant 0 : i32
      %dma_wait3A_37 = tpu.memref_slice %arg8[%dma_wait3A_35, %dma_wait3A_36] : memref<10240x128xf32, #tpu.memory_space<vmem_shared>> -> memref<10240x128xf32, #tpu.memory_space<vmem_shared>>
      tpu.wait_indirect_dma semaphore(%arg11 : memref<!tpu.dma_semaphore, #tpu.memory_space<semaphore_mem>>) src(%dma_wait3A_37 : memref<10240x128xf32, #tpu.memory_space<vmem_shared>>) dst(%arg9 : memref<128x128xf32, #tpu.memory_space<vmem>>)
      %add3A_38 = arith.constant 0 : i32
      %add3A_39 = arith.addi %mul3A_17, %add3A_38 : i32
      %mul3A_40 = arith.constant 128 : i32
      %mul3A_41 = arith.muli %add3A_39, %mul3A_40 : i32
      %add3A_42 = arith.addi %mul3A_0, %mul3A_41 : i32
      %dma_start3A_43 = arith.constant 0 : i32
      %dma_start3A_44 = tpu.memref_slice %arg6[%arg0, %add3A_42, %dma_start3A_43] : memref<2x131072x128xf32, #tpu.memory_space<hbm>> -> memref<1x128x128xf32, #tpu.memory_space<hbm>>
      %dma_start3A_45 = tpu.memref_squeeze %dma_start3A_44 : memref<1x128x128xf32, #tpu.memory_space<hbm>> -> memref<128x128xf32, #tpu.memory_space<hbm>>
      %dma_start3A_46 = arith.constant 0 : i32
      %dma_start3A_47 = tpu.memref_slice %arg6[%arg0, %add3A_42, %dma_start3A_46] : memref<2x131072x128xf32, #tpu.memory_space<hbm>> -> memref<1x128x128xf32, #tpu.memory_space<hbm>>
      %dma_start3A_48 = tpu.memref_squeeze %dma_start3A_47 : memref<1x128x128xf32, #tpu.memory_space<hbm>> -> memref<128x128xf32, #tpu.memory_space<hbm>>
      tpu.enqueue_dma source(%arg9 : memref<128x128xf32, #tpu.memory_space<vmem>>) target(%dma_start3A_48 : memref<128x128xf32, #tpu.memory_space<hbm>>) target_semaphore(%arg11 : memref<!tpu.dma_semaphore, #tpu.memory_space<semaphore_mem>>)
      %dma_wait3A_49 = arith.constant 0 : i32
      %dma_wait3A_50 = tpu.memref_slice %arg7[%add3A_26, %dma_wait3A_49] : memref<64x128xi32, #tpu.memory_space<vmem>> -> memref<1x128xi32, #tpu.memory_space<vmem>>
      %dma_wait3A_51 = tpu.memref_squeeze %dma_wait3A_50 : memref<1x128xi32, #tpu.memory_space<vmem>> -> memref<128xi32, #tpu.memory_space<vmem>>
      %dma_wait3A_52 = arith.constant 0 : i32
      %dma_wait3A_53 = arith.constant 0 : i32
      %dma_wait3A_54 = tpu.memref_slice %arg8[%dma_wait3A_52, %dma_wait3A_53] : memref<10240x128xf32, #tpu.memory_space<vmem_shared>> -> memref<10240x128xf32, #tpu.memory_space<vmem_shared>>
      tpu.wait_indirect_dma semaphore(%arg12 : memref<!tpu.dma_semaphore, #tpu.memory_space<semaphore_mem>>) src(%dma_wait3A_54 : memref<10240x128xf32, #tpu.memory_space<vmem_shared>>) dst(%arg10 : memref<128x128xf32, #tpu.memory_space<vmem>>)
      %add3A_55 = arith.constant 1 : i32
      %add3A_56 = arith.addi %mul3A_17, %add3A_55 : i32
      %mul3A_57 = arith.constant 128 : i32
      %mul3A_58 = arith.muli %add3A_56, %mul3A_57 : i32
      %add3A_59 = arith.addi %mul3A_0, %mul3A_58 : i32
      %dma_start3A_60 = arith.constant 0 : i32
      %dma_start3A_61 = tpu.memref_slice %arg6[%arg0, %add3A_59, %dma_start3A_60] : memref<2x131072x128xf32, #tpu.memory_space<hbm>> -> memref<1x128x128xf32, #tpu.memory_space<hbm>>
      %dma_start3A_62 = tpu.memref_squeeze %dma_start3A_61 : memref<1x128x128xf32, #tpu.memory_space<hbm>> -> memref<128x128xf32, #tpu.memory_space<hbm>>
      %dma_start3A_63 = arith.constant 0 : i32
      %dma_start3A_64 = tpu.memref_slice %arg6[%arg0, %add3A_59, %dma_start3A_63] : memref<2x131072x128xf32, #tpu.memory_space<hbm>> -> memref<1x128x128xf32, #tpu.memory_space<hbm>>
      %dma_start3A_65 = tpu.memref_squeeze %dma_start3A_64 : memref<1x128x128xf32, #tpu.memory_space<hbm>> -> memref<128x128xf32, #tpu.memory_space<hbm>>
      tpu.enqueue_dma source(%arg10 : memref<128x128xf32, #tpu.memory_space<vmem>>) target(%dma_start3A_65 : memref<128x128xf32, #tpu.memory_space<hbm>>) target_semaphore(%arg12 : memref<!tpu.dma_semaphore, #tpu.memory_space<semaphore_mem>>)
      %dma_wait3A_66 = arith.constant 0 : i32
      %dma_wait3A_67 = tpu.memref_slice %arg6[%arg0, %add3A_42, %dma_wait3A_66] : memref<2x131072x128xf32, #tpu.memory_space<hbm>> -> memref<1x128x128xf32, #tpu.memory_space<hbm>>
      %dma_wait3A_68 = tpu.memref_squeeze %dma_wait3A_67 : memref<1x128x128xf32, #tpu.memory_space<hbm>> -> memref<128x128xf32, #tpu.memory_space<hbm>>
      %dma_wait3A_69 = arith.constant 0 : i32
      %dma_wait3A_70 = tpu.memref_slice %arg6[%arg0, %add3A_42, %dma_wait3A_69] : memref<2x131072x128xf32, #tpu.memory_space<hbm>> -> memref<1x128x128xf32, #tpu.memory_space<hbm>>
      %dma_wait3A_71 = tpu.memref_squeeze %dma_wait3A_70 : memref<1x128x128xf32, #tpu.memory_space<hbm>> -> memref<128x128xf32, #tpu.memory_space<hbm>>
      tpu.wait_dma2 semaphore(%arg11 : memref<!tpu.dma_semaphore, #tpu.memory_space<semaphore_mem>>) src(%arg9 : memref<128x128xf32, #tpu.memory_space<vmem>>) dst(%dma_wait3A_71 : memref<128x128xf32, #tpu.memory_space<hbm>>)
      %dma_wait3A_72 = arith.constant 0 : i32
      %dma_wait3A_73 = tpu.memref_slice %arg6[%arg0, %add3A_59, %dma_wait3A_72] : memref<2x131072x128xf32, #tpu.memory_space<hbm>> -> memref<1x128x128xf32, #tpu.memory_space<hbm>>
      %dma_wait3A_74 = tpu.memref_squeeze %dma_wait3A_73 : memref<1x128x128xf32, #tpu.memory_space<hbm>> -> memref<128x128xf32, #tpu.memory_space<hbm>>
      %dma_wait3A_75 = arith.constant 0 : i32
      %dma_wait3A_76 = tpu.memref_slice %arg6[%arg0, %add3A_59, %dma_wait3A_75] : memref<2x131072x128xf32, #tpu.memory_space<hbm>> -> memref<1x128x128xf32, #tpu.memory_space<hbm>>
      %dma_wait3A_77 = tpu.memref_squeeze %dma_wait3A_76 : memref<1x128x128xf32, #tpu.memory_space<hbm>> -> memref<128x128xf32, #tpu.memory_space<hbm>>
      tpu.wait_dma2 semaphore(%arg12 : memref<!tpu.dma_semaphore, #tpu.memory_space<semaphore_mem>>) src(%arg10 : memref<128x128xf32, #tpu.memory_space<vmem>>) dst(%dma_wait3A_77 : memref<128x128xf32, #tpu.memory_space<hbm>>)
    }
    %scan3A_11 = arith.constant 32 : i32
    return
  }
}

#map = affine_map<(d0, d1) -> (0, 0)>
#map1 = affine_map<(d0, d1) -> (0, 0, 0)>
module attributes {stable_mosaic.version = 14 : i64} {
  func.func @k(%arg0: i32, %arg1: i32, %arg2: memref<131072x128xf32, #tpu.memory_space<hbm>>, %arg3: memref<32x32x128xi32, #tpu.memory_space<hbm>>, %arg4: memref<8192x128xf32, #tpu.memory_space<hbm>>, %arg5: memref<2x8192x128xf32, #tpu.memory_space<hbm>>, %arg6: memref<32x128xi32, #tpu.memory_space<vmem>>, %arg7: memref<8192x128xf32, #tpu.memory_space<vmem_shared>>, %arg8: memref<128x128xf32, #tpu.memory_space<vmem>>, %arg9: memref<128x128xf32, #tpu.memory_space<vmem>>, %arg10: memref<!tpu.dma_semaphore, #tpu.memory_space<semaphore_mem>>, %arg11: memref<!tpu.dma_semaphore, #tpu.memory_space<semaphore_mem>>) attributes {dimension_semantics = [#tpu.dimension_semantics<core_parallel>, #tpu.dimension_semantics<subcore_parallel>], iteration_bounds = array<i64: 2, 16>, scalar_prefetch = 0 : i64, scratch_operands = 6 : i64, tpu.core_type = #tpu.core_type<sc_vector_subcore>, window_params = [{transform_indices = #map}, {transform_indices = #map1}, {transform_indices = #map}, {transform_indices = #map1}]} {
    %mul3A = arith.constant 2 : i32
    %mul3A_0 = arith.muli %arg1, %mul3A : i32
    %add3A = arith.addi %mul3A_0, %arg0 : i32
    %mul3A_1 = arith.constant 4096 : i32
    %mul3A_2 = arith.muli %add3A, %mul3A_1 : i32
    "tpu.region"() ({
      %run_scoped3A = tpu.sem_alloc : memref<!tpu.dma_semaphore, #tpu.memory_space<semaphore_mem>>
      %dma_start3A = arith.constant 0 : i32
      %dma_start3A_16 = arith.constant 0 : i32
      %dma_start3A_17 = tpu.memref_slice %arg3[%add3A, %dma_start3A, %dma_start3A_16] : memref<32x32x128xi32, #tpu.memory_space<hbm>> -> memref<1x32x128xi32, #tpu.memory_space<hbm>>
      %dma_start3A_18 = tpu.memref_squeeze %dma_start3A_17 : memref<1x32x128xi32, #tpu.memory_space<hbm>> -> memref<32x128xi32, #tpu.memory_space<hbm>>
      %dma_start3A_19 = arith.constant 0 : i32
      %dma_start3A_20 = arith.constant 0 : i32
      %dma_start3A_21 = tpu.memref_slice %arg3[%add3A, %dma_start3A_19, %dma_start3A_20] : memref<32x32x128xi32, #tpu.memory_space<hbm>> -> memref<1x32x128xi32, #tpu.memory_space<hbm>>
      %dma_start3A_22 = tpu.memref_squeeze %dma_start3A_21 : memref<1x32x128xi32, #tpu.memory_space<hbm>> -> memref<32x128xi32, #tpu.memory_space<hbm>>
      tpu.enqueue_dma source(%dma_start3A_22 : memref<32x128xi32, #tpu.memory_space<hbm>>) target(%arg6 : memref<32x128xi32, #tpu.memory_space<vmem>>) target_semaphore(%run_scoped3A : memref<!tpu.dma_semaphore, #tpu.memory_space<semaphore_mem>>)
      %dma_wait3A = arith.constant 0 : i32
      %dma_wait3A_23 = arith.constant 0 : i32
      %dma_wait3A_24 = tpu.memref_slice %arg3[%add3A, %dma_wait3A, %dma_wait3A_23] : memref<32x32x128xi32, #tpu.memory_space<hbm>> -> memref<1x32x128xi32, #tpu.memory_space<hbm>>
      %dma_wait3A_25 = tpu.memref_squeeze %dma_wait3A_24 : memref<1x32x128xi32, #tpu.memory_space<hbm>> -> memref<32x128xi32, #tpu.memory_space<hbm>>
      %dma_wait3A_26 = arith.constant 0 : i32
      %dma_wait3A_27 = arith.constant 0 : i32
      %dma_wait3A_28 = tpu.memref_slice %arg3[%add3A, %dma_wait3A_26, %dma_wait3A_27] : memref<32x32x128xi32, #tpu.memory_space<hbm>> -> memref<1x32x128xi32, #tpu.memory_space<hbm>>
      %dma_wait3A_29 = tpu.memref_squeeze %dma_wait3A_28 : memref<1x32x128xi32, #tpu.memory_space<hbm>> -> memref<32x128xi32, #tpu.memory_space<hbm>>
      tpu.wait_dma2 semaphore(%run_scoped3A : memref<!tpu.dma_semaphore, #tpu.memory_space<semaphore_mem>>) src(%dma_wait3A_29 : memref<32x128xi32, #tpu.memory_space<hbm>>) dst(%arg6 : memref<32x128xi32, #tpu.memory_space<vmem>>)
      tpu.yield
    }) : () -> ()
    %mul3A_3 = arith.constant 512 : i32
    %mul3A_4 = arith.muli %arg1, %mul3A_3 : i32
    %mul3A_5 = arith.constant 512 : i32
    %mul3A_6 = arith.muli %arg1, %mul3A_5 : i32
    "tpu.region"() ({
      %run_scoped3A = tpu.sem_alloc : memref<!tpu.dma_semaphore, #tpu.memory_space<semaphore_mem>>
      %dma_start3A = arith.constant 0 : i32
      %dma_start3A_16 = tpu.memref_slice %arg7[%mul3A_6, %dma_start3A] : memref<8192x128xf32, #tpu.memory_space<vmem_shared>> -> memref<512x128xf32, #tpu.memory_space<vmem_shared>>
      %dma_start3A_17 = arith.constant 0 : i32
      %dma_start3A_18 = tpu.memref_slice %arg4[%mul3A_4, %dma_start3A_17] : memref<8192x128xf32, #tpu.memory_space<hbm>> -> memref<512x128xf32, #tpu.memory_space<hbm>>
      tpu.enqueue_dma source(%dma_start3A_18 : memref<512x128xf32, #tpu.memory_space<hbm>>) target(%dma_start3A_16 : memref<512x128xf32, #tpu.memory_space<vmem_shared>>) target_semaphore(%run_scoped3A : memref<!tpu.dma_semaphore, #tpu.memory_space<semaphore_mem>>)
      %dma_wait3A = arith.constant 0 : i32
      %dma_wait3A_19 = tpu.memref_slice %arg7[%mul3A_6, %dma_wait3A] : memref<8192x128xf32, #tpu.memory_space<vmem_shared>> -> memref<512x128xf32, #tpu.memory_space<vmem_shared>>
      %dma_wait3A_20 = arith.constant 0 : i32
      %dma_wait3A_21 = tpu.memref_slice %arg4[%mul3A_4, %dma_wait3A_20] : memref<8192x128xf32, #tpu.memory_space<hbm>> -> memref<512x128xf32, #tpu.memory_space<hbm>>
      tpu.wait_dma2 semaphore(%run_scoped3A : memref<!tpu.dma_semaphore, #tpu.memory_space<semaphore_mem>>) src(%dma_wait3A_21 : memref<512x128xf32, #tpu.memory_space<hbm>>) dst(%dma_wait3A_19 : memref<512x128xf32, #tpu.memory_space<vmem_shared>>)
      tpu.yield
    }) : () -> ()
    %barrier3A = arith.constant 0 : index
    tpu.barrier barrier_id(%barrier3A)
    %scan3A = arith.constant 0 : i32
    %scan3A_7 = arith.constant 16 : i32
    %scan3A_8 = arith.addi %scan3A, %scan3A_7 : i32
    %scan3A_9 = arith.constant 1 : i32
    scf.for %scan3A_16 = %scan3A to %scan3A_8 step %scan3A_9  : i32 {
      %mul3A_17 = arith.constant 1 : i32
      %mul3A_18 = arith.muli %scan3A_16, %mul3A_17 : i32
      %add3A_19 = arith.constant 0 : i32
      %add3A_20 = arith.addi %add3A_19, %mul3A_18 : i32
      %mul3A_21 = arith.constant 2 : i32
      %mul3A_22 = arith.muli %add3A_20, %mul3A_21 : i32
      %add3A_23 = arith.constant 0 : i32
      %add3A_24 = arith.addi %mul3A_22, %add3A_23 : i32
      %mul3A_25 = arith.constant 128 : i32
      %mul3A_26 = arith.muli %add3A_24, %mul3A_25 : i32
      %add3A_27 = arith.addi %mul3A_2, %mul3A_26 : i32
      %dma_start3A = arith.constant 0 : i32
      %dma_start3A_28 = tpu.memref_slice %arg2[%add3A_27, %dma_start3A] : memref<131072x128xf32, #tpu.memory_space<hbm>> -> memref<128x128xf32, #tpu.memory_space<hbm>>
      %dma_start3A_29 = arith.constant 0 : i32
      %dma_start3A_30 = tpu.memref_slice %arg2[%add3A_27, %dma_start3A_29] : memref<131072x128xf32, #tpu.memory_space<hbm>> -> memref<128x128xf32, #tpu.memory_space<hbm>>
      tpu.enqueue_dma source(%dma_start3A_30 : memref<128x128xf32, #tpu.memory_space<hbm>>) target(%arg8 : memref<128x128xf32, #tpu.memory_space<vmem>>) target_semaphore(%arg10 : memref<!tpu.dma_semaphore, #tpu.memory_space<semaphore_mem>>)
      %add3A_31 = arith.constant 1 : i32
      %add3A_32 = arith.addi %mul3A_22, %add3A_31 : i32
      %mul3A_33 = arith.constant 128 : i32
      %mul3A_34 = arith.muli %add3A_32, %mul3A_33 : i32
      %add3A_35 = arith.addi %mul3A_2, %mul3A_34 : i32
      %dma_start3A_36 = arith.constant 0 : i32
      %dma_start3A_37 = tpu.memref_slice %arg2[%add3A_35, %dma_start3A_36] : memref<131072x128xf32, #tpu.memory_space<hbm>> -> memref<128x128xf32, #tpu.memory_space<hbm>>
      %dma_start3A_38 = arith.constant 0 : i32
      %dma_start3A_39 = tpu.memref_slice %arg2[%add3A_35, %dma_start3A_38] : memref<131072x128xf32, #tpu.memory_space<hbm>> -> memref<128x128xf32, #tpu.memory_space<hbm>>
      tpu.enqueue_dma source(%dma_start3A_39 : memref<128x128xf32, #tpu.memory_space<hbm>>) target(%arg9 : memref<128x128xf32, #tpu.memory_space<vmem>>) target_semaphore(%arg11 : memref<!tpu.dma_semaphore, #tpu.memory_space<semaphore_mem>>)
      %dma_wait3A = arith.constant 0 : i32
      %dma_wait3A_40 = tpu.memref_slice %arg2[%add3A_27, %dma_wait3A] : memref<131072x128xf32, #tpu.memory_space<hbm>> -> memref<128x128xf32, #tpu.memory_space<hbm>>
      %dma_wait3A_41 = arith.constant 0 : i32
      %dma_wait3A_42 = tpu.memref_slice %arg2[%add3A_27, %dma_wait3A_41] : memref<131072x128xf32, #tpu.memory_space<hbm>> -> memref<128x128xf32, #tpu.memory_space<hbm>>
      tpu.wait_dma2 semaphore(%arg10 : memref<!tpu.dma_semaphore, #tpu.memory_space<semaphore_mem>>) src(%dma_wait3A_42 : memref<128x128xf32, #tpu.memory_space<hbm>>) dst(%arg8 : memref<128x128xf32, #tpu.memory_space<vmem>>)
      %add3A_43 = arith.constant 0 : i32
      %add3A_44 = arith.addi %mul3A_22, %add3A_43 : i32
      %dma_start3A_45 = arith.constant 0 : i32
      %dma_start3A_46 = tpu.memref_slice %arg6[%add3A_44, %dma_start3A_45] : memref<32x128xi32, #tpu.memory_space<vmem>> -> memref<1x128xi32, #tpu.memory_space<vmem>>
      %dma_start3A_47 = tpu.memref_squeeze %dma_start3A_46 : memref<1x128xi32, #tpu.memory_space<vmem>> -> memref<128xi32, #tpu.memory_space<vmem>>
      %dma_start3A_48 = arith.constant 0 : i32
      %dma_start3A_49 = arith.constant 0 : i32
      %dma_start3A_50 = tpu.memref_slice %arg7[%dma_start3A_48, %dma_start3A_49] : memref<8192x128xf32, #tpu.memory_space<vmem_shared>> -> memref<8192x128xf32, #tpu.memory_space<vmem_shared>>
      tpu.enqueue_indirect_dma source(%arg8 : memref<128x128xf32, #tpu.memory_space<vmem>>) target(%dma_start3A_50 : memref<8192x128xf32, #tpu.memory_space<vmem_shared>>) offsets(%dma_start3A_47 : memref<128xi32, #tpu.memory_space<vmem>>) semaphore(%arg10 : memref<!tpu.dma_semaphore, #tpu.memory_space<semaphore_mem>>) {add = true}
      %dma_wait3A_51 = arith.constant 0 : i32
      %dma_wait3A_52 = tpu.memref_slice %arg2[%add3A_35, %dma_wait3A_51] : memref<131072x128xf32, #tpu.memory_space<hbm>> -> memref<128x128xf32, #tpu.memory_space<hbm>>
      %dma_wait3A_53 = arith.constant 0 : i32
      %dma_wait3A_54 = tpu.memref_slice %arg2[%add3A_35, %dma_wait3A_53] : memref<131072x128xf32, #tpu.memory_space<hbm>> -> memref<128x128xf32, #tpu.memory_space<hbm>>
      tpu.wait_dma2 semaphore(%arg11 : memref<!tpu.dma_semaphore, #tpu.memory_space<semaphore_mem>>) src(%dma_wait3A_54 : memref<128x128xf32, #tpu.memory_space<hbm>>) dst(%arg9 : memref<128x128xf32, #tpu.memory_space<vmem>>)
      %add3A_55 = arith.constant 1 : i32
      %add3A_56 = arith.addi %mul3A_22, %add3A_55 : i32
      %dma_start3A_57 = arith.constant 0 : i32
      %dma_start3A_58 = tpu.memref_slice %arg6[%add3A_56, %dma_start3A_57] : memref<32x128xi32, #tpu.memory_space<vmem>> -> memref<1x128xi32, #tpu.memory_space<vmem>>
      %dma_start3A_59 = tpu.memref_squeeze %dma_start3A_58 : memref<1x128xi32, #tpu.memory_space<vmem>> -> memref<128xi32, #tpu.memory_space<vmem>>
      %dma_start3A_60 = arith.constant 0 : i32
      %dma_start3A_61 = arith.constant 0 : i32
      %dma_start3A_62 = tpu.memref_slice %arg7[%dma_start3A_60, %dma_start3A_61] : memref<8192x128xf32, #tpu.memory_space<vmem_shared>> -> memref<8192x128xf32, #tpu.memory_space<vmem_shared>>
      tpu.enqueue_indirect_dma source(%arg9 : memref<128x128xf32, #tpu.memory_space<vmem>>) target(%dma_start3A_62 : memref<8192x128xf32, #tpu.memory_space<vmem_shared>>) offsets(%dma_start3A_59 : memref<128xi32, #tpu.memory_space<vmem>>) semaphore(%arg11 : memref<!tpu.dma_semaphore, #tpu.memory_space<semaphore_mem>>) {add = true}
      %dma_wait3A_63 = arith.constant 0 : i32
      %dma_wait3A_64 = tpu.memref_slice %arg6[%add3A_44, %dma_wait3A_63] : memref<32x128xi32, #tpu.memory_space<vmem>> -> memref<1x128xi32, #tpu.memory_space<vmem>>
      %dma_wait3A_65 = tpu.memref_squeeze %dma_wait3A_64 : memref<1x128xi32, #tpu.memory_space<vmem>> -> memref<128xi32, #tpu.memory_space<vmem>>
      %dma_wait3A_66 = arith.constant 0 : i32
      %dma_wait3A_67 = arith.constant 0 : i32
      %dma_wait3A_68 = tpu.memref_slice %arg7[%dma_wait3A_66, %dma_wait3A_67] : memref<8192x128xf32, #tpu.memory_space<vmem_shared>> -> memref<8192x128xf32, #tpu.memory_space<vmem_shared>>
      tpu.wait_indirect_dma semaphore(%arg10 : memref<!tpu.dma_semaphore, #tpu.memory_space<semaphore_mem>>) src(%arg8 : memref<128x128xf32, #tpu.memory_space<vmem>>) dst(%dma_wait3A_68 : memref<8192x128xf32, #tpu.memory_space<vmem_shared>>)
      %dma_wait3A_69 = arith.constant 0 : i32
      %dma_wait3A_70 = tpu.memref_slice %arg6[%add3A_56, %dma_wait3A_69] : memref<32x128xi32, #tpu.memory_space<vmem>> -> memref<1x128xi32, #tpu.memory_space<vmem>>
      %dma_wait3A_71 = tpu.memref_squeeze %dma_wait3A_70 : memref<1x128xi32, #tpu.memory_space<vmem>> -> memref<128xi32, #tpu.memory_space<vmem>>
      %dma_wait3A_72 = arith.constant 0 : i32
      %dma_wait3A_73 = arith.constant 0 : i32
      %dma_wait3A_74 = tpu.memref_slice %arg7[%dma_wait3A_72, %dma_wait3A_73] : memref<8192x128xf32, #tpu.memory_space<vmem_shared>> -> memref<8192x128xf32, #tpu.memory_space<vmem_shared>>
      tpu.wait_indirect_dma semaphore(%arg11 : memref<!tpu.dma_semaphore, #tpu.memory_space<semaphore_mem>>) src(%arg9 : memref<128x128xf32, #tpu.memory_space<vmem>>) dst(%dma_wait3A_74 : memref<8192x128xf32, #tpu.memory_space<vmem_shared>>)
    }
    %scan3A_10 = arith.constant 16 : i32
    %barrier3A_11 = arith.constant 0 : index
    tpu.barrier barrier_id(%barrier3A_11)
    %mul3A_12 = arith.constant 512 : i32
    %mul3A_13 = arith.muli %arg1, %mul3A_12 : i32
    %mul3A_14 = arith.constant 512 : i32
    %mul3A_15 = arith.muli %arg1, %mul3A_14 : i32
    "tpu.region"() ({
      %run_scoped3A = tpu.sem_alloc : memref<!tpu.dma_semaphore, #tpu.memory_space<semaphore_mem>>
      %dma_start3A = arith.constant 0 : i32
      %dma_start3A_16 = tpu.memref_slice %arg5[%arg0, %mul3A_15, %dma_start3A] : memref<2x8192x128xf32, #tpu.memory_space<hbm>> -> memref<1x512x128xf32, #tpu.memory_space<hbm>>
      %dma_start3A_17 = tpu.memref_squeeze %dma_start3A_16 : memref<1x512x128xf32, #tpu.memory_space<hbm>> -> memref<512x128xf32, #tpu.memory_space<hbm>>
      %dma_start3A_18 = arith.constant 0 : i32
      %dma_start3A_19 = tpu.memref_slice %arg7[%mul3A_13, %dma_start3A_18] : memref<8192x128xf32, #tpu.memory_space<vmem_shared>> -> memref<512x128xf32, #tpu.memory_space<vmem_shared>>
      tpu.enqueue_dma source(%dma_start3A_19 : memref<512x128xf32, #tpu.memory_space<vmem_shared>>) target(%dma_start3A_17 : memref<512x128xf32, #tpu.memory_space<hbm>>) target_semaphore(%run_scoped3A : memref<!tpu.dma_semaphore, #tpu.memory_space<semaphore_mem>>)
      %dma_wait3A = arith.constant 0 : i32
      %dma_wait3A_20 = tpu.memref_slice %arg5[%arg0, %mul3A_15, %dma_wait3A] : memref<2x8192x128xf32, #tpu.memory_space<hbm>> -> memref<1x512x128xf32, #tpu.memory_space<hbm>>
      %dma_wait3A_21 = tpu.memref_squeeze %dma_wait3A_20 : memref<1x512x128xf32, #tpu.memory_space<hbm>> -> memref<512x128xf32, #tpu.memory_space<hbm>>
      %dma_wait3A_22 = arith.constant 0 : i32
      %dma_wait3A_23 = tpu.memref_slice %arg7[%mul3A_13, %dma_wait3A_22] : memref<8192x128xf32, #tpu.memory_space<vmem_shared>> -> memref<512x128xf32, #tpu.memory_space<vmem_shared>>
      tpu.wait_dma2 semaphore(%run_scoped3A : memref<!tpu.dma_semaphore, #tpu.memory_space<semaphore_mem>>) src(%dma_wait3A_23 : memref<512x128xf32, #tpu.memory_space<vmem_shared>>) dst(%dma_wait3A_21 : memref<512x128xf32, #tpu.memory_space<hbm>>)
      tpu.yield
    }) : () -> ()
    return
  }
}

module attributes {stable_mosaic.version = 14 : i64} {
  func.func @_pre_body(%arg0: i32, %arg1: memref<1x10240x128xf32, #tpu.memory_space<vmem>>, %arg2: memref<1x128x128xf32, #tpu.memory_space<vmem>>, %arg3: memref<1x10240x128xf32, #tpu.memory_space<vmem>>) attributes {dimension_semantics = [#tpu.dimension_semantics<arbitrary>], iteration_bounds = array<i64: 3>, scalar_prefetch = 0 : i64, scratch_operands = 0 : i64, tpu.core_type = #tpu.core_type<tc>, window_params = [{transform_indices = @transform_0, window_bounds = array<i64: 1, 10240, 128>}, {transform_indices = @transform_1, window_bounds = array<i64: 1, 128, 128>}, {transform_indices = @transform_2, window_bounds = array<i64: 1, 10240, 128>}]} {
    %get3A = arith.constant 0 : index
    %get3A_0 = arith.constant 0 : index
    %get3A_1 = arith.constant 0 : index
    %get3A_2 = vector.load %arg1[%get3A, %get3A_0, %get3A_1] : memref<1x10240x128xf32, #tpu.memory_space<vmem>>, vector<1x10240x128xf32>
    %get3A_3 = vector.shape_cast %get3A_2 : vector<1x10240x128xf32> to vector<10240x128xf32>
    %get3A_4 = arith.constant 0 : index
    %get3A_5 = arith.constant 0 : index
    %get3A_6 = arith.constant 0 : index
    %get3A_7 = vector.load %arg2[%get3A_4, %get3A_5, %get3A_6] : memref<1x128x128xf32, #tpu.memory_space<vmem>>, vector<1x128x128xf32>
    %get3A_8 = vector.shape_cast %get3A_7 : vector<1x128x128xf32> to vector<128x128xf32>
    %dot_general3A = arith.constant dense<0.000000e+00> : vector<10240x128xf32>
    %dot_general3A_9 = tpu.matmul %get3A_3, %get3A_8, %dot_general3A {dimension_numbers = #tpu.dot_dimension_numbers<[1], [0], [0], [1], [0, 0, 1, 1], [], []>, transpose_lhs_hint = false} : vector<10240x128xf32>, vector<128x128xf32>, vector<10240x128xf32> -> vector<10240x128xf32>
    %swap3A = arith.constant 0 : index
    %swap3A_10 = arith.constant 0 : index
    %swap3A_11 = arith.constant 0 : index
    %swap3A_12 = vector.load %arg3[%swap3A, %swap3A_10, %swap3A_11] : memref<1x10240x128xf32, #tpu.memory_space<vmem>>, vector<1x10240x128xf32>
    %swap3A_13 = vector.shape_cast %swap3A_12 : vector<1x10240x128xf32> to vector<10240x128xf32>
    %swap3A_14 = vector.shape_cast %dot_general3A_9 : vector<10240x128xf32> to vector<1x10240x128xf32>
    tpu.vector_store %arg3[%swap3A, %swap3A_10, %swap3A_11], %swap3A_14 {strides = array<i32>} : memref<1x10240x128xf32, #tpu.memory_space<vmem>>, vector<1x10240x128xf32>,
    return
  }
  func.func @transform_0(%arg0: i32) -> (i32, i32, i32) {
    %c0_i32 = arith.constant 0 : i32
    %c0_i32_0 = arith.constant 0 : i32
    %c0_i32_1 = arith.constant 0 : i32
    return %arg0, %c0_i32, %c0_i32_0 : i32, i32, i32
  }
  func.func @transform_1(%arg0: i32) -> (i32, i32, i32) {
    %c0_i32 = arith.constant 0 : i32
    %c0_i32_0 = arith.constant 0 : i32
    %c0_i32_1 = arith.constant 0 : i32
    return %arg0, %c0_i32, %c0_i32_0 : i32, i32, i32
  }
  func.func @transform_2(%arg0: i32) -> (i32, i32, i32) {
    %c0_i32 = arith.constant 0 : i32
    %c0_i32_0 = arith.constant 0 : i32
    %c0_i32_1 = arith.constant 0 : i32
    return %arg0, %c0_i32, %c0_i32_0 : i32, i32, i32
  }
}

module attributes {stable_mosaic.version = 14 : i64} {
  func.func @_cc_body(%arg0: memref<1024x128xf32, #tpu.memory_space<vmem>>, %arg1: memref<1024x128xf32, #tpu.memory_space<vmem>>) attributes {dimension_semantics = [], scalar_prefetch = 0 : i64, scratch_operands = 0 : i64, tpu.core_type = #tpu.core_type<tc>} {
    %get3A = arith.constant 0 : index
    %get3A_0 = arith.constant 0 : index
    %get3A_1 = vector.load %arg0[%get3A, %get3A_0] : memref<1024x128xf32, #tpu.memory_space<vmem>>, vector<1024x128xf32>
    %lt3A = arith.constant 5.000000e+00 : f32
    %lt3A_2 = vector.broadcast %lt3A : f32 to vector<1024x128xf32>
    %lt3A_3 = arith.cmpf olt, %get3A_1, %lt3A_2 : vector<1024x128xf32>
    %mul3A = arith.constant 0.628318548 : f32
    %mul3A_4 = vector.broadcast %mul3A : f32 to vector<1024x128xf32>
    %mul3A_5 = arith.mulf %mul3A_4, %get3A_1 : vector<1024x128xf32>
    %cos3A = math.cos %mul3A_5 : vector<1024x128xf32>
    %add3A = arith.constant 1.000000e+00 : f32
    %add3A_6 = vector.broadcast %add3A : f32 to vector<1024x128xf32>
    %add3A_7 = arith.addf %cos3A, %add3A_6 : vector<1024x128xf32>
    %mul3A_8 = arith.constant 5.000000e-01 : f32
    %mul3A_9 = vector.broadcast %mul3A_8 : f32 to vector<1024x128xf32>
    %mul3A_10 = arith.mulf %mul3A_9, %add3A_7 : vector<1024x128xf32>
    %jit3A = arith.constant 0.000000e+00 : f32
    %broadcast_in_dim3A = vector.broadcast %jit3A : f32 to vector<1024x128xf32>
    %select_n3A = arith.select %lt3A_3, %mul3A_10, %broadcast_in_dim3A : vector<1024x128xi1>, vector<1024x128xf32>
    %swap3A = arith.constant 0 : index
    %swap3A_11 = arith.constant 0 : index
    %swap3A_12 = vector.load %arg1[%swap3A, %swap3A_11] : memref<1024x128xf32, #tpu.memory_space<vmem>>, vector<1024x128xf32>
    tpu.vector_store %arg1[%swap3A, %swap3A_11], %select_n3A {strides = array<i32>} : memref<1024x128xf32, #tpu.memory_space<vmem>>, vector<1024x128xf32>,
    return
  }
}

module attributes {stable_mosaic.version = 14 : i64} {
  func.func @_edge_body1(%arg0: i32, %arg1: memref<2048x128xf32, #tpu.memory_space<vmem>>, %arg2: memref<2048x1xf32, #tpu.memory_space<vmem>>, %arg3: memref<2048x1xf32, #tpu.memory_space<vmem>>, %arg4: memref<1x128xf32, #tpu.memory_space<vmem>>, %arg5: memref<1x128xf32, #tpu.memory_space<vmem>>, %arg6: memref<128x128xf32, #tpu.memory_space<vmem>>, %arg7: memref<1x128xf32, #tpu.memory_space<vmem>>, %arg8: memref<64x128xf32, #tpu.memory_space<vmem>>, %arg9: memref<1x128xf32, #tpu.memory_space<vmem>>, %arg10: memref<128x128xf32, #tpu.memory_space<vmem>>, %arg11: memref<1x128xf32, #tpu.memory_space<vmem>>, %arg12: memref<1x64xf32, #tpu.memory_space<vmem>>, %arg13: memref<2048x128xf32, #tpu.memory_space<vmem>>) attributes {dimension_semantics = [#tpu.dimension_semantics<arbitrary>], iteration_bounds = array<i64: 64>, scalar_prefetch = 0 : i64, scratch_operands = 0 : i64, tpu.core_type = #tpu.core_type<tc>, window_params = [{transform_indices = @transform_0, window_bounds = array<i64: 2048, 128>}, {transform_indices = @transform_1, window_bounds = array<i64: 2048, 1>}, {transform_indices = @transform_2, window_bounds = array<i64: 2048, 1>}, {pipeline_mode = #tpu.pipeline_mode<synchronous>, transform_indices = @transform_3, window_bounds = array<i64: 1, 128>}, {pipeline_mode = #tpu.pipeline_mode<synchronous>, transform_indices = @transform_4, window_bounds = array<i64: 1, 128>}, {pipeline_mode = #tpu.pipeline_mode<synchronous>, transform_indices = @transform_5, window_bounds = array<i64: 128, 128>}, {pipeline_mode = #tpu.pipeline_mode<synchronous>, transform_indices = @transform_6, window_bounds = array<i64: 1, 128>}, {pipeline_mode = #tpu.pipeline_mode<synchronous>, transform_indices = @transform_7, window_bounds = array<i64: 64, 128>}, {pipeline_mode = #tpu.pipeline_mode<synchronous>, transform_indices = @transform_8, window_bounds = array<i64: 1, 128>}, {pipeline_mode = #tpu.pipeline_mode<synchronous>, transform_indices = @transform_9, window_bounds = array<i64: 128, 128>}, {pipeline_mode = #tpu.pipeline_mode<synchronous>, transform_indices = @transform_10, window_bounds = array<i64: 1, 128>}, {pipeline_mode = #tpu.pipeline_mode<synchronous>, transform_indices = @transform_11, window_bounds = array<i64: 1, 64>}, {transform_indices = @transform_12, window_bounds = array<i64: 2048, 128>}]} {
    %get3A = arith.constant 0 : index
    %get3A_0 = arith.constant 0 : index
    %get3A_1 = vector.load %arg1[%get3A, %get3A_0] : memref<2048x128xf32, #tpu.memory_space<vmem>>, vector<2048x128xf32>
    %get3A_2 = arith.constant 0 : index
    %get3A_3 = arith.constant 0 : index
    %get3A_4 = vector.load %arg2[%get3A_2, %get3A_3] : memref<2048x1xf32, #tpu.memory_space<vmem>>, vector<2048x1xf32>
    %get3A_5 = arith.constant 0 : index
    %get3A_6 = arith.constant 0 : index
    %get3A_7 = vector.load %arg3[%get3A_5, %get3A_6] : memref<2048x1xf32, #tpu.memory_space<vmem>>, vector<2048x1xf32>
    %get3A_8 = arith.constant 0 : index
    %get3A_9 = arith.constant 0 : index
    %get3A_10 = vector.load %arg4[%get3A_8, %get3A_9] : memref<1x128xf32, #tpu.memory_space<vmem>>, vector<1x128xf32>
    %get3A_11 = arith.constant 0 : index
    %get3A_12 = arith.constant 0 : index
    %get3A_13 = vector.load %arg5[%get3A_11, %get3A_12] : memref<1x128xf32, #tpu.memory_space<vmem>>, vector<1x128xf32>
    %get3A_14 = arith.constant 0 : index
    %get3A_15 = arith.constant 0 : index
    %get3A_16 = vector.load %arg6[%get3A_14, %get3A_15] : memref<128x128xf32, #tpu.memory_space<vmem>>, vector<128x128xf32>
    %get3A_17 = arith.constant 0 : index
    %get3A_18 = arith.constant 0 : index
    %get3A_19 = vector.load %arg7[%get3A_17, %get3A_18] : memref<1x128xf32, #tpu.memory_space<vmem>>, vector<1x128xf32>
    %get3A_20 = arith.constant 0 : index
    %get3A_21 = arith.constant 0 : index
    %get3A_22 = vector.load %arg8[%get3A_20, %get3A_21] : memref<64x128xf32, #tpu.memory_space<vmem>>, vector<64x128xf32>
    %get3A_23 = arith.constant 0 : index
    %get3A_24 = arith.constant 0 : index
    %get3A_25 = vector.load %arg9[%get3A_23, %get3A_24] : memref<1x128xf32, #tpu.memory_space<vmem>>, vector<1x128xf32>
    %get3A_26 = arith.constant 0 : index
    %get3A_27 = arith.constant 0 : index
    %get3A_28 = vector.load %arg10[%get3A_26, %get3A_27] : memref<128x128xf32, #tpu.memory_space<vmem>>, vector<128x128xf32>
    %get3A_29 = arith.constant 0 : index
    %get3A_30 = arith.constant 0 : index
    %get3A_31 = vector.load %arg11[%get3A_29, %get3A_30] : memref<1x128xf32, #tpu.memory_space<vmem>>, vector<1x128xf32>
    %get3A_32 = arith.constant 0 : index
    %get3A_33 = arith.constant 0 : index
    %get3A_34 = vector.load %arg12[%get3A_32, %get3A_33] : memref<1x64xf32, #tpu.memory_space<vmem>>, vector<1x64xf32>
    %dot_general3A = arith.constant dense<0.000000e+00> : vector<2048x128xf32>
    %dot_general3A_35 = tpu.matmul %get3A_7, %get3A_10, %dot_general3A {dimension_numbers = #tpu.dot_dimension_numbers<[1], [0], [0], [1], [0, 0, 1, 1], [], []>, transpose_lhs_hint = false} : vector<2048x1xf32>, vector<1x128xf32>, vector<2048x128xf32> -> vector<2048x128xf32>
    %slice3A = vector.extract_strided_slice %get3A_10 {offsets = [0, 0], sizes = [1, 64], strides = [1, 1]} : vector<1x128xf32> to vector<1x64xf32>
    %dot_general3A_36 = arith.constant dense<0.000000e+00> : vector<2048x64xf32>
    %dot_general3A_37 = tpu.matmul %get3A_4, %slice3A, %dot_general3A_36 {dimension_numbers = #tpu.dot_dimension_numbers<[1], [0], [0], [1], [0, 0, 1, 1], [], []>, transpose_lhs_hint = false} : vector<2048x1xf32>, vector<1x64xf32>, vector<2048x64xf32> -> vector<2048x64xf32>
    %add3A = vector.broadcast %get3A_13 : vector<1x128xf32> to vector<2048x128xf32>
    %add3A_38 = arith.addf %get3A_1, %add3A : vector<2048x128xf32>
    %custom_jvp_call3A = arith.constant 0.000000e+00 : f32
    %max3A = vector.broadcast %custom_jvp_call3A : f32 to vector<2048x128xf32>
    %max3A_39 = arith.maximumf %add3A_38, %max3A : vector<2048x128xf32>
    %sub3A = vector.broadcast %custom_jvp_call3A : f32 to vector<2048x128xf32>
    %sub3A_40 = arith.subf %add3A_38, %sub3A : vector<2048x128xf32>
    %ne3A = arith.cmpf one, %sub3A_40, %sub3A_40 : vector<2048x128xf32>
    %add3A_41 = vector.broadcast %custom_jvp_call3A : f32 to vector<2048x128xf32>
    %add3A_42 = arith.addf %add3A_38, %add3A_41 : vector<2048x128xf32>
    %abs3A = math.absf %sub3A_40 : vector<2048x128xf32>
    %neg3A = arith.constant 0.000000e+00 : f32
    %neg3A_43 = vector.broadcast %neg3A : f32 to vector<2048x128xf32>
    %neg3A_44 = arith.subf %neg3A_43, %abs3A : vector<2048x128xf32>
    %exp3A = math.exp %neg3A_44 : vector<2048x128xf32>
    %log1p3A = math.log1p %exp3A : vector<2048x128xf32>
    %add3A_45 = arith.addf %max3A_39, %log1p3A : vector<2048x128xf32>
    %select_n3A = arith.select %ne3A, %add3A_42, %add3A_45 : vector<2048x128xi1>, vector<2048x128xf32>
    %log3A = arith.constant 2.000000e+00 : f32
    %log3A_46 = math.log %log3A : f32
    %sub3A_47 = vector.broadcast %log3A_46 : f32 to vector<2048x128xf32>
    %sub3A_48 = arith.subf %select_n3A, %sub3A_47 : vector<2048x128xf32>
    %dot_general3A_49 = arith.constant dense<0.000000e+00> : vector<2048x128xf32>
    %dot_general3A_50 = tpu.matmul %sub3A_48, %get3A_16, %dot_general3A_49 {dimension_numbers = #tpu.dot_dimension_numbers<[1], [0], [0], [1], [0, 0, 1, 1], [], []>, transpose_lhs_hint = false} : vector<2048x128xf32>, vector<128x128xf32>, vector<2048x128xf32> -> vector<2048x128xf32>
    %add3A_51 = vector.broadcast %get3A_19 : vector<1x128xf32> to vector<2048x128xf32>
    %add3A_52 = arith.addf %dot_general3A_50, %add3A_51 : vector<2048x128xf32>
    %sub3A_53 = vector.broadcast %get3A_34 : vector<1x64xf32> to vector<2048x64xf32>
    %sub3A_54 = arith.subf %dot_general3A_37, %sub3A_53 : vector<2048x64xf32>
    %integer_pow3A = arith.mulf %sub3A_54, %sub3A_54 : vector<2048x64xf32>
    %mul3A = arith.constant -5.000000e+01 : f32
    %mul3A_55 = vector.broadcast %mul3A : f32 to vector<2048x64xf32>
    %mul3A_56 = arith.mulf %mul3A_55, %integer_pow3A : vector<2048x64xf32>
    %exp3A_57 = math.exp %mul3A_56 : vector<2048x64xf32>
    %dot_general3A_58 = arith.constant dense<0.000000e+00> : vector<2048x128xf32>
    %dot_general3A_59 = tpu.matmul %exp3A_57, %get3A_22, %dot_general3A_58 {dimension_numbers = #tpu.dot_dimension_numbers<[1], [0], [0], [1], [0, 0, 1, 1], [], []>, transpose_lhs_hint = false} : vector<2048x64xf32>, vector<64x128xf32>, vector<2048x128xf32> -> vector<2048x128xf32>
    %add3A_60 = vector.broadcast %get3A_25 : vector<1x128xf32> to vector<2048x128xf32>
    %add3A_61 = arith.addf %dot_general3A_59, %add3A_60 : vector<2048x128xf32>
    %custom_jvp_call3A_62 = arith.constant 0.000000e+00 : f32
    %max3A_63 = vector.broadcast %custom_jvp_call3A_62 : f32 to vector<2048x128xf32>
    %max3A_64 = arith.maximumf %add3A_61, %max3A_63 : vector<2048x128xf32>
    %sub3A_65 = vector.broadcast %custom_jvp_call3A_62 : f32 to vector<2048x128xf32>
    %sub3A_66 = arith.subf %add3A_61, %sub3A_65 : vector<2048x128xf32>
    %ne3A_67 = arith.cmpf one, %sub3A_66, %sub3A_66 : vector<2048x128xf32>
    %add3A_68 = vector.broadcast %custom_jvp_call3A_62 : f32 to vector<2048x128xf32>
    %add3A_69 = arith.addf %add3A_61, %add3A_68 : vector<2048x128xf32>
    %abs3A_70 = math.absf %sub3A_66 : vector<2048x128xf32>
    %neg3A_71 = arith.constant 0.000000e+00 : f32
    %neg3A_72 = vector.broadcast %neg3A_71 : f32 to vector<2048x128xf32>
    %neg3A_73 = arith.subf %neg3A_72, %abs3A_70 : vector<2048x128xf32>
    %exp3A_74 = math.exp %neg3A_73 : vector<2048x128xf32>
    %log1p3A_75 = math.log1p %exp3A_74 : vector<2048x128xf32>
    %add3A_76 = arith.addf %max3A_64, %log1p3A_75 : vector<2048x128xf32>
    %select_n3A_77 = arith.select %ne3A_67, %add3A_69, %add3A_76 : vector<2048x128xi1>, vector<2048x128xf32>
    %log3A_78 = arith.constant 2.000000e+00 : f32
    %log3A_79 = math.log %log3A_78 : f32
    %sub3A_80 = vector.broadcast %log3A_79 : f32 to vector<2048x128xf32>
    %sub3A_81 = arith.subf %select_n3A_77, %sub3A_80 : vector<2048x128xf32>
    %dot_general3A_82 = arith.constant dense<0.000000e+00> : vector<2048x128xf32>
    %dot_general3A_83 = tpu.matmul %sub3A_81, %get3A_28, %dot_general3A_82 {dimension_numbers = #tpu.dot_dimension_numbers<[1], [0], [0], [1], [0, 0, 1, 1], [], []>, transpose_lhs_hint = false} : vector<2048x128xf32>, vector<128x128xf32>, vector<2048x128xf32> -> vector<2048x128xf32>
    %add3A_84 = vector.broadcast %get3A_31 : vector<1x128xf32> to vector<2048x128xf32>
    %add3A_85 = arith.addf %dot_general3A_83, %add3A_84 : vector<2048x128xf32>
    %mul3A_86 = arith.mulf %add3A_85, %dot_general3A_35 : vector<2048x128xf32>
    %mul3A_87 = arith.mulf %add3A_52, %mul3A_86 : vector<2048x128xf32>
    %swap3A = arith.constant 0 : index
    %swap3A_88 = arith.constant 0 : index
    %swap3A_89 = vector.load %arg13[%swap3A, %swap3A_88] : memref<2048x128xf32, #tpu.memory_space<vmem>>, vector<2048x128xf32>
    tpu.vector_store %arg13[%swap3A, %swap3A_88], %mul3A_87 {strides = array<i32>} : memref<2048x128xf32, #tpu.memory_space<vmem>>, vector<2048x128xf32>,
    return
  }
  func.func @transform_0(%arg0: i32) -> (i32, i32) {
    %c0_i32 = arith.constant 0 : i32
    %c0_i32_0 = arith.constant 0 : i32
    return %arg0, %c0_i32 : i32, i32
  }
  func.func @transform_1(%arg0: i32) -> (i32, i32) {
    %c0_i32 = arith.constant 0 : i32
    %c0_i32_0 = arith.constant 0 : i32
    return %arg0, %c0_i32 : i32, i32
  }
  func.func @transform_2(%arg0: i32) -> (i32, i32) {
    %c0_i32 = arith.constant 0 : i32
    %c0_i32_0 = arith.constant 0 : i32
    return %arg0, %c0_i32 : i32, i32
  }
  func.func @transform_3(%arg0: i32) -> (i32, i32) {
    %c0_i32 = arith.constant 0 : i32
    %c0_i32_0 = arith.constant 0 : i32
    %c0_i32_1 = arith.constant 0 : i32
    return %c0_i32, %c0_i32_0 : i32, i32
  }
  func.func @transform_4(%arg0: i32) -> (i32, i32) {
    %c0_i32 = arith.constant 0 : i32
    %c0_i32_0 = arith.constant 0 : i32
    %c0_i32_1 = arith.constant 0 : i32
    return %c0_i32, %c0_i32_0 : i32, i32
  }
  func.func @transform_5(%arg0: i32) -> (i32, i32) {
    %c0_i32 = arith.constant 0 : i32
    %c0_i32_0 = arith.constant 0 : i32
    %c0_i32_1 = arith.constant 0 : i32
    return %c0_i32, %c0_i32_0 : i32, i32
  }
  func.func @transform_6(%arg0: i32) -> (i32, i32) {
    %c0_i32 = arith.constant 0 : i32
    %c0_i32_0 = arith.constant 0 : i32
    %c0_i32_1 = arith.constant 0 : i32
    return %c0_i32, %c0_i32_0 : i32, i32
  }
  func.func @transform_7(%arg0: i32) -> (i32, i32) {
    %c0_i32 = arith.constant 0 : i32
    %c0_i32_0 = arith.constant 0 : i32
    %c0_i32_1 = arith.constant 0 : i32
    return %c0_i32, %c0_i32_0 : i32, i32
  }
  func.func @transform_8(%arg0: i32) -> (i32, i32) {
    %c0_i32 = arith.constant 0 : i32
    %c0_i32_0 = arith.constant 0 : i32
    %c0_i32_1 = arith.constant 0 : i32
    return %c0_i32, %c0_i32_0 : i32, i32
  }
  func.func @transform_9(%arg0: i32) -> (i32, i32) {
    %c0_i32 = arith.constant 0 : i32
    %c0_i32_0 = arith.constant 0 : i32
    %c0_i32_1 = arith.constant 0 : i32
    return %c0_i32, %c0_i32_0 : i32, i32
  }
  func.func @transform_10(%arg0: i32) -> (i32, i32) {
    %c0_i32 = arith.constant 0 : i32
    %c0_i32_0 = arith.constant 0 : i32
    %c0_i32_1 = arith.constant 0 : i32
    return %c0_i32, %c0_i32_0 : i32, i32
  }
  func.func @transform_11(%arg0: i32) -> (i32, i32) {
    %c0_i32 = arith.constant 0 : i32
    %c0_i32_0 = arith.constant 0 : i32
    %c0_i32_1 = arith.constant 0 : i32
    return %c0_i32, %c0_i32_0 : i32, i32
  }
  func.func @transform_12(%arg0: i32) -> (i32, i32) {
    %c0_i32 = arith.constant 0 : i32
    %c0_i32_0 = arith.constant 0 : i32
    return %arg0, %c0_i32 : i32, i32
  }
}

module attributes {stable_mosaic.version = 14 : i64} {
  func.func @_probe_step_body(%arg0: i32, %arg1: memref<2x1024x128xf32, #tpu.memory_space<vmem>>, %arg2: memref<1024x128xf32, #tpu.memory_space<vmem>>, %arg3: memref<128x128xf32, #tpu.memory_space<vmem>>, %arg4: memref<1x128xf32, #tpu.memory_space<vmem>>, %arg5: memref<128x128xf32, #tpu.memory_space<vmem>>, %arg6: memref<1x128xf32, #tpu.memory_space<vmem>>, %arg7: memref<128x128xf32, #tpu.memory_space<vmem>>, %arg8: memref<1x128xf32, #tpu.memory_space<vmem>>, %arg9: memref<128x128xf32, #tpu.memory_space<vmem>>, %arg10: memref<1x128xf32, #tpu.memory_space<vmem>>, %arg11: memref<128x128xf32, #tpu.memory_space<vmem>>, %arg12: memref<1024x128xf32, #tpu.memory_space<vmem>>, %arg13: memref<1024x128xf32, #tpu.memory_space<vmem>>) attributes {dimension_semantics = [#tpu.dimension_semantics<arbitrary>], iteration_bounds = array<i64: 8>, scalar_prefetch = 0 : i64, scratch_operands = 0 : i64, tpu.core_type = #tpu.core_type<tc>, window_params = [{transform_indices = @transform_0, window_bounds = array<i64: 2, 1024, 128>}, {transform_indices = @transform_1, window_bounds = array<i64: 1024, 128>}, {pipeline_mode = #tpu.pipeline_mode<synchronous>, transform_indices = @transform_2, window_bounds = array<i64: 128, 128>}, {pipeline_mode = #tpu.pipeline_mode<synchronous>, transform_indices = @transform_3, window_bounds = array<i64: 1, 128>}, {pipeline_mode = #tpu.pipeline_mode<synchronous>, transform_indices = @transform_4, window_bounds = array<i64: 128, 128>}, {pipeline_mode = #tpu.pipeline_mode<synchronous>, transform_indices = @transform_5, window_bounds = array<i64: 1, 128>}, {pipeline_mode = #tpu.pipeline_mode<synchronous>, transform_indices = @transform_6, window_bounds = array<i64: 128, 128>}, {pipeline_mode = #tpu.pipeline_mode<synchronous>, transform_indices = @transform_7, window_bounds = array<i64: 1, 128>}, {pipeline_mode = #tpu.pipeline_mode<synchronous>, transform_indices = @transform_8, window_bounds = array<i64: 128, 128>}, {pipeline_mode = #tpu.pipeline_mode<synchronous>, transform_indices = @transform_9, window_bounds = array<i64: 1, 128>}, {pipeline_mode = #tpu.pipeline_mode<synchronous>, transform_indices = @transform_10, window_bounds = array<i64: 128, 128>}, {transform_indices = @transform_11, window_bounds = array<i64: 1024, 128>}, {transform_indices = @transform_12, window_bounds = array<i64: 1024, 128>}]} {
    %get3A = arith.constant 0 : index
    %get3A_0 = arith.constant 0 : index
    %get3A_1 = arith.constant 0 : index
    %get3A_2 = vector.load %arg1[%get3A, %get3A_0, %get3A_1] : memref<2x1024x128xf32, #tpu.memory_space<vmem>>, vector<1x1024x128xf32>
    %get3A_3 = vector.shape_cast %get3A_2 : vector<1x1024x128xf32> to vector<1024x128xf32>
    %get3A_4 = arith.constant 1 : index
    %get3A_5 = arith.constant 0 : index
    %get3A_6 = arith.constant 0 : index
    %get3A_7 = vector.load %arg1[%get3A_4, %get3A_5, %get3A_6] : memref<2x1024x128xf32, #tpu.memory_space<vmem>>, vector<1x1024x128xf32>
    %get3A_8 = vector.shape_cast %get3A_7 : vector<1x1024x128xf32> to vector<1024x128xf32>
    %add3A = arith.addf %get3A_3, %get3A_8 : vector<1024x128xf32>
    %get3A_9 = arith.constant 0 : index
    %get3A_10 = arith.constant 0 : index
    %get3A_11 = vector.load %arg2[%get3A_9, %get3A_10] : memref<1024x128xf32, #tpu.memory_space<vmem>>, vector<1024x128xf32>
    %get3A_12 = arith.constant 0 : index
    %get3A_13 = arith.constant 0 : index
    %get3A_14 = vector.load %arg3[%get3A_12, %get3A_13] : memref<128x128xf32, #tpu.memory_space<vmem>>, vector<128x128xf32>
    %dot_general3A = arith.constant dense<0.000000e+00> : vector<1024x128xf32>
    %dot_general3A_15 = tpu.matmul %get3A_11, %get3A_14, %dot_general3A {dimension_numbers = #tpu.dot_dimension_numbers<[1], [0], [0], [1], [0, 0, 1, 1], [], []>, transpose_lhs_hint = false} : vector<1024x128xf32>, vector<128x128xf32>, vector<1024x128xf32> -> vector<1024x128xf32>
    %get3A_16 = arith.constant 0 : index
    %get3A_17 = arith.constant 0 : index
    %get3A_18 = vector.load %arg4[%get3A_16, %get3A_17] : memref<1x128xf32, #tpu.memory_space<vmem>>, vector<1x128xf32>
    %add3A_19 = vector.broadcast %get3A_18 : vector<1x128xf32> to vector<1024x128xf32>
    %add3A_20 = arith.addf %dot_general3A_15, %add3A_19 : vector<1024x128xf32>
    %custom_jvp_call3A = arith.constant 0.000000e+00 : f32
    %max3A = vector.broadcast %custom_jvp_call3A : f32 to vector<1024x128xf32>
    %max3A_21 = arith.maximumf %add3A_20, %max3A : vector<1024x128xf32>
    %sub3A = vector.broadcast %custom_jvp_call3A : f32 to vector<1024x128xf32>
    %sub3A_22 = arith.subf %add3A_20, %sub3A : vector<1024x128xf32>
    %ne3A = arith.cmpf one, %sub3A_22, %sub3A_22 : vector<1024x128xf32>
    %add3A_23 = vector.broadcast %custom_jvp_call3A : f32 to vector<1024x128xf32>
    %add3A_24 = arith.addf %add3A_20, %add3A_23 : vector<1024x128xf32>
    %abs3A = math.absf %sub3A_22 : vector<1024x128xf32>
    %neg3A = arith.constant 0.000000e+00 : f32
    %neg3A_25 = vector.broadcast %neg3A : f32 to vector<1024x128xf32>
    %neg3A_26 = arith.subf %neg3A_25, %abs3A : vector<1024x128xf32>
    %exp3A = math.exp %neg3A_26 : vector<1024x128xf32>
    %log1p3A = math.log1p %exp3A : vector<1024x128xf32>
    %add3A_27 = arith.addf %max3A_21, %log1p3A : vector<1024x128xf32>
    %select_n3A = arith.select %ne3A, %add3A_24, %add3A_27 : vector<1024x128xi1>, vector<1024x128xf32>
    %log3A = arith.constant 2.000000e+00 : f32
    %log3A_28 = math.log %log3A : f32
    %sub3A_29 = vector.broadcast %log3A_28 : f32 to vector<1024x128xf32>
    %sub3A_30 = arith.subf %select_n3A, %sub3A_29 : vector<1024x128xf32>
    %get3A_31 = arith.constant 0 : index
    %get3A_32 = arith.constant 0 : index
    %get3A_33 = vector.load %arg5[%get3A_31, %get3A_32] : memref<128x128xf32, #tpu.memory_space<vmem>>, vector<128x128xf32>
    %dot_general3A_34 = arith.constant dense<0.000000e+00> : vector<1024x128xf32>
    %dot_general3A_35 = tpu.matmul %sub3A_30, %get3A_33, %dot_general3A_34 {dimension_numbers = #tpu.dot_dimension_numbers<[1], [0], [0], [1], [0, 0, 1, 1], [], []>, transpose_lhs_hint = false} : vector<1024x128xf32>, vector<128x128xf32>, vector<1024x128xf32> -> vector<1024x128xf32>
    %get3A_36 = arith.constant 0 : index
    %get3A_37 = arith.constant 0 : index
    %get3A_38 = vector.load %arg6[%get3A_36, %get3A_37] : memref<1x128xf32, #tpu.memory_space<vmem>>, vector<1x128xf32>
    %add3A_39 = vector.broadcast %get3A_38 : vector<1x128xf32> to vector<1024x128xf32>
    %add3A_40 = arith.addf %dot_general3A_35, %add3A_39 : vector<1024x128xf32>
    %logistic3A = arith.negf %add3A_40 : vector<1024x128xf32>
    %logistic3A_41 = math.exp %logistic3A : vector<1024x128xf32>
    %logistic3A_42 = arith.constant 1.000000e+00 : f32
    %logistic3A_43 = vector.broadcast %logistic3A_42 : f32 to vector<1024x128xf32>
    %logistic3A_44 = arith.addf %logistic3A_43, %logistic3A_41 : vector<1024x128xf32>
    %logistic3A_45 = arith.divf %logistic3A_43, %logistic3A_44 : vector<1024x128xf32>
    %get3A_46 = arith.constant 0 : index
    %get3A_47 = arith.constant 0 : index
    %get3A_48 = vector.load %arg7[%get3A_46, %get3A_47] : memref<128x128xf32, #tpu.memory_space<vmem>>, vector<128x128xf32>
    %dot_general3A_49 = arith.constant dense<0.000000e+00> : vector<1024x128xf32>
    %dot_general3A_50 = tpu.matmul %add3A, %get3A_48, %dot_general3A_49 {dimension_numbers = #tpu.dot_dimension_numbers<[1], [0], [0], [1], [0, 0, 1, 1], [], []>, transpose_lhs_hint = false} : vector<1024x128xf32>, vector<128x128xf32>, vector<1024x128xf32> -> vector<1024x128xf32>
    %get3A_51 = arith.constant 0 : index
    %get3A_52 = arith.constant 0 : index
    %get3A_53 = vector.load %arg8[%get3A_51, %get3A_52] : memref<1x128xf32, #tpu.memory_space<vmem>>, vector<1x128xf32>
    %add3A_54 = vector.broadcast %get3A_53 : vector<1x128xf32> to vector<1024x128xf32>
    %add3A_55 = arith.addf %dot_general3A_50, %add3A_54 : vector<1024x128xf32>
    %custom_jvp_call3A_56 = arith.constant 0.000000e+00 : f32
    %max3A_57 = vector.broadcast %custom_jvp_call3A_56 : f32 to vector<1024x128xf32>
    %max3A_58 = arith.maximumf %add3A_55, %max3A_57 : vector<1024x128xf32>
    %sub3A_59 = vector.broadcast %custom_jvp_call3A_56 : f32 to vector<1024x128xf32>
    %sub3A_60 = arith.subf %add3A_55, %sub3A_59 : vector<1024x128xf32>
    %ne3A_61 = arith.cmpf one, %sub3A_60, %sub3A_60 : vector<1024x128xf32>
    %add3A_62 = vector.broadcast %custom_jvp_call3A_56 : f32 to vector<1024x128xf32>
    %add3A_63 = arith.addf %add3A_55, %add3A_62 : vector<1024x128xf32>
    %abs3A_64 = math.absf %sub3A_60 : vector<1024x128xf32>
    %neg3A_65 = arith.constant 0.000000e+00 : f32
    %neg3A_66 = vector.broadcast %neg3A_65 : f32 to vector<1024x128xf32>
    %neg3A_67 = arith.subf %neg3A_66, %abs3A_64 : vector<1024x128xf32>
    %exp3A_68 = math.exp %neg3A_67 : vector<1024x128xf32>
    %log1p3A_69 = math.log1p %exp3A_68 : vector<1024x128xf32>
    %add3A_70 = arith.addf %max3A_58, %log1p3A_69 : vector<1024x128xf32>
    %select_n3A_71 = arith.select %ne3A_61, %add3A_63, %add3A_70 : vector<1024x128xi1>, vector<1024x128xf32>
    %log3A_72 = arith.constant 2.000000e+00 : f32
    %log3A_73 = math.log %log3A_72 : f32
    %sub3A_74 = vector.broadcast %log3A_73 : f32 to vector<1024x128xf32>
    %sub3A_75 = arith.subf %select_n3A_71, %sub3A_74 : vector<1024x128xf32>
    %get3A_76 = arith.constant 0 : index
    %get3A_77 = arith.constant 0 : index
    %get3A_78 = vector.load %arg9[%get3A_76, %get3A_77] : memref<128x128xf32, #tpu.memory_space<vmem>>, vector<128x128xf32>
    %dot_general3A_79 = arith.constant dense<0.000000e+00> : vector<1024x128xf32>
    %dot_general3A_80 = tpu.matmul %sub3A_75, %get3A_78, %dot_general3A_79 {dimension_numbers = #tpu.dot_dimension_numbers<[1], [0], [0], [1], [0, 0, 1, 1], [], []>, transpose_lhs_hint = false} : vector<1024x128xf32>, vector<128x128xf32>, vector<1024x128xf32> -> vector<1024x128xf32>
    %get3A_81 = arith.constant 0 : index
    %get3A_82 = arith.constant 0 : index
    %get3A_83 = vector.load %arg10[%get3A_81, %get3A_82] : memref<1x128xf32, #tpu.memory_space<vmem>>, vector<1x128xf32>
    %add3A_84 = vector.broadcast %get3A_83 : vector<1x128xf32> to vector<1024x128xf32>
    %add3A_85 = arith.addf %dot_general3A_80, %add3A_84 : vector<1024x128xf32>
    %mul3A = arith.mulf %get3A_11, %logistic3A_45 : vector<1024x128xf32>
    %sub3A_86 = arith.constant 1.000000e+00 : f32
    %sub3A_87 = vector.broadcast %sub3A_86 : f32 to vector<1024x128xf32>
    %sub3A_88 = arith.subf %sub3A_87, %logistic3A_45 : vector<1024x128xf32>
    %mul3A_89 = arith.mulf %sub3A_88, %add3A_85 : vector<1024x128xf32>
    %add3A_90 = arith.addf %mul3A, %mul3A_89 : vector<1024x128xf32>
    %swap3A = arith.constant 0 : index
    %swap3A_91 = arith.constant 0 : index
    %swap3A_92 = vector.load %arg12[%swap3A, %swap3A_91] : memref<1024x128xf32, #tpu.memory_space<vmem>>, vector<1024x128xf32>
    tpu.vector_store %arg12[%swap3A, %swap3A_91], %add3A_90 {strides = array<i32>} : memref<1024x128xf32, #tpu.memory_space<vmem>>, vector<1024x128xf32>,
    %get3A_93 = arith.constant 0 : index
    %get3A_94 = arith.constant 0 : index
    %get3A_95 = vector.load %arg11[%get3A_93, %get3A_94] : memref<128x128xf32, #tpu.memory_space<vmem>>, vector<128x128xf32>
    %dot_general3A_96 = arith.constant dense<0.000000e+00> : vector<1024x128xf32>
    %dot_general3A_97 = tpu.matmul %add3A_90, %get3A_95, %dot_general3A_96 {dimension_numbers = #tpu.dot_dimension_numbers<[1], [0], [0], [1], [0, 0, 1, 1], [], []>, transpose_lhs_hint = false} : vector<1024x128xf32>, vector<128x128xf32>, vector<1024x128xf32> -> vector<1024x128xf32>
    %swap3A_98 = arith.constant 0 : index
    %swap3A_99 = arith.constant 0 : index
    %swap3A_100 = vector.load %arg13[%swap3A_98, %swap3A_99] : memref<1024x128xf32, #tpu.memory_space<vmem>>, vector<1024x128xf32>
    tpu.vector_store %arg13[%swap3A_98, %swap3A_99], %dot_general3A_97 {strides = array<i32>} : memref<1024x128xf32, #tpu.memory_space<vmem>>, vector<1024x128xf32>,
    return
  }
  func.func @transform_0(%arg0: i32) -> (i32, i32, i32) {
    %c0_i32 = arith.constant 0 : i32
    %c0_i32_0 = arith.constant 0 : i32
    %c0_i32_1 = arith.constant 0 : i32
    return %c0_i32, %arg0, %c0_i32_0 : i32, i32, i32
  }
  func.func @transform_1(%arg0: i32) -> (i32, i32) {
    %c0_i32 = arith.constant 0 : i32
    %c0_i32_0 = arith.constant 0 : i32
    return %arg0, %c0_i32 : i32, i32
  }
  func.func @transform_2(%arg0: i32) -> (i32, i32) {
    %c0_i32 = arith.constant 0 : i32
    %c0_i32_0 = arith.constant 0 : i32
    %c0_i32_1 = arith.constant 0 : i32
    return %c0_i32, %c0_i32_0 : i32, i32
  }
  func.func @transform_3(%arg0: i32) -> (i32, i32) {
    %c0_i32 = arith.constant 0 : i32
    %c0_i32_0 = arith.constant 0 : i32
    %c0_i32_1 = arith.constant 0 : i32
    return %c0_i32, %c0_i32_0 : i32, i32
  }
  func.func @transform_4(%arg0: i32) -> (i32, i32) {
    %c0_i32 = arith.constant 0 : i32
    %c0_i32_0 = arith.constant 0 : i32
    %c0_i32_1 = arith.constant 0 : i32
    return %c0_i32, %c0_i32_0 : i32, i32
  }
  func.func @transform_5(%arg0: i32) -> (i32, i32) {
    %c0_i32 = arith.constant 0 : i32
    %c0_i32_0 = arith.constant 0 : i32
    %c0_i32_1 = arith.constant 0 : i32
    return %c0_i32, %c0_i32_0 : i32, i32
  }
  func.func @transform_6(%arg0: i32) -> (i32, i32) {
    %c0_i32 = arith.constant 0 : i32
    %c0_i32_0 = arith.constant 0 : i32
    %c0_i32_1 = arith.constant 0 : i32
    return %c0_i32, %c0_i32_0 : i32, i32
  }
  func.func @transform_7(%arg0: i32) -> (i32, i32) {
    %c0_i32 = arith.constant 0 : i32
    %c0_i32_0 = arith.constant 0 : i32
    %c0_i32_1 = arith.constant 0 : i32
    return %c0_i32, %c0_i32_0 : i32, i32
  }
  func.func @transform_8(%arg0: i32) -> (i32, i32) {
    %c0_i32 = arith.constant 0 : i32
    %c0_i32_0 = arith.constant 0 : i32
    %c0_i32_1 = arith.constant 0 : i32
    return %c0_i32, %c0_i32_0 : i32, i32
  }
  func.func @transform_9(%arg0: i32) -> (i32, i32) {
    %c0_i32 = arith.constant 0 : i32
    %c0_i32_0 = arith.constant 0 : i32
    %c0_i32_1 = arith.constant 0 : i32
    return %c0_i32, %c0_i32_0 : i32, i32
  }
  func.func @transform_10(%arg0: i32) -> (i32, i32) {
    %c0_i32 = arith.constant 0 : i32
    %c0_i32_0 = arith.constant 0 : i32
    %c0_i32_1 = arith.constant 0 : i32
    return %c0_i32, %c0_i32_0 : i32, i32
  }
  func.func @transform_11(%arg0: i32) -> (i32, i32) {
    %c0_i32 = arith.constant 0 : i32
    %c0_i32_0 = arith.constant 0 : i32
    return %arg0, %c0_i32 : i32, i32
  }
  func.func @transform_12(%arg0: i32) -> (i32, i32) {
    %c0_i32 = arith.constant 0 : i32
    %c0_i32_0 = arith.constant 0 : i32
    return %arg0, %c0_i32 : i32, i32
  }
}

module attributes {stable_mosaic.version = 14 : i64} {
  func.func @_edge_body2(%arg0: i32, %arg1: memref<2x2048x128xf32, #tpu.memory_space<vmem>>, %arg2: memref<2048x1xf32, #tpu.memory_space<vmem>>, %arg3: memref<2048x1xf32, #tpu.memory_space<vmem>>, %arg4: memref<1x128xf32, #tpu.memory_space<vmem>>, %arg5: memref<1x128xf32, #tpu.memory_space<vmem>>, %arg6: memref<128x128xf32, #tpu.memory_space<vmem>>, %arg7: memref<1x128xf32, #tpu.memory_space<vmem>>, %arg8: memref<64x128xf32, #tpu.memory_space<vmem>>, %arg9: memref<1x128xf32, #tpu.memory_space<vmem>>, %arg10: memref<128x128xf32, #tpu.memory_space<vmem>>, %arg11: memref<1x128xf32, #tpu.memory_space<vmem>>, %arg12: memref<1x64xf32, #tpu.memory_space<vmem>>, %arg13: memref<2048x128xf32, #tpu.memory_space<vmem>>) attributes {dimension_semantics = [#tpu.dimension_semantics<arbitrary>], iteration_bounds = array<i64: 64>, scalar_prefetch = 0 : i64, scratch_operands = 0 : i64, tpu.core_type = #tpu.core_type<tc>, window_params = [{transform_indices = @transform_0, window_bounds = array<i64: 2, 2048, 128>}, {transform_indices = @transform_1, window_bounds = array<i64: 2048, 1>}, {transform_indices = @transform_2, window_bounds = array<i64: 2048, 1>}, {pipeline_mode = #tpu.pipeline_mode<synchronous>, transform_indices = @transform_3, window_bounds = array<i64: 1, 128>}, {pipeline_mode = #tpu.pipeline_mode<synchronous>, transform_indices = @transform_4, window_bounds = array<i64: 1, 128>}, {pipeline_mode = #tpu.pipeline_mode<synchronous>, transform_indices = @transform_5, window_bounds = array<i64: 128, 128>}, {pipeline_mode = #tpu.pipeline_mode<synchronous>, transform_indices = @transform_6, window_bounds = array<i64: 1, 128>}, {pipeline_mode = #tpu.pipeline_mode<synchronous>, transform_indices = @transform_7, window_bounds = array<i64: 64, 128>}, {pipeline_mode = #tpu.pipeline_mode<synchronous>, transform_indices = @transform_8, window_bounds = array<i64: 1, 128>}, {pipeline_mode = #tpu.pipeline_mode<synchronous>, transform_indices = @transform_9, window_bounds = array<i64: 128, 128>}, {pipeline_mode = #tpu.pipeline_mode<synchronous>, transform_indices = @transform_10, window_bounds = array<i64: 1, 128>}, {pipeline_mode = #tpu.pipeline_mode<synchronous>, transform_indices = @transform_11, window_bounds = array<i64: 1, 64>}, {transform_indices = @transform_12, window_bounds = array<i64: 2048, 128>}]} {
    %get3A = arith.constant 0 : index
    %get3A_0 = arith.constant 0 : index
    %get3A_1 = arith.constant 0 : index
    %get3A_2 = vector.load %arg1[%get3A, %get3A_0, %get3A_1] : memref<2x2048x128xf32, #tpu.memory_space<vmem>>, vector<1x2048x128xf32>
    %get3A_3 = vector.shape_cast %get3A_2 : vector<1x2048x128xf32> to vector<2048x128xf32>
    %get3A_4 = arith.constant 1 : index
    %get3A_5 = arith.constant 0 : index
    %get3A_6 = arith.constant 0 : index
    %get3A_7 = vector.load %arg1[%get3A_4, %get3A_5, %get3A_6] : memref<2x2048x128xf32, #tpu.memory_space<vmem>>, vector<1x2048x128xf32>
    %get3A_8 = vector.shape_cast %get3A_7 : vector<1x2048x128xf32> to vector<2048x128xf32>
    %add3A = arith.addf %get3A_3, %get3A_8 : vector<2048x128xf32>
    %get3A_9 = arith.constant 0 : index
    %get3A_10 = arith.constant 0 : index
    %get3A_11 = vector.load %arg2[%get3A_9, %get3A_10] : memref<2048x1xf32, #tpu.memory_space<vmem>>, vector<2048x1xf32>
    %get3A_12 = arith.constant 0 : index
    %get3A_13 = arith.constant 0 : index
    %get3A_14 = vector.load %arg3[%get3A_12, %get3A_13] : memref<2048x1xf32, #tpu.memory_space<vmem>>, vector<2048x1xf32>
    %get3A_15 = arith.constant 0 : index
    %get3A_16 = arith.constant 0 : index
    %get3A_17 = vector.load %arg4[%get3A_15, %get3A_16] : memref<1x128xf32, #tpu.memory_space<vmem>>, vector<1x128xf32>
    %get3A_18 = arith.constant 0 : index
    %get3A_19 = arith.constant 0 : index
    %get3A_20 = vector.load %arg5[%get3A_18, %get3A_19] : memref<1x128xf32, #tpu.memory_space<vmem>>, vector<1x128xf32>
    %get3A_21 = arith.constant 0 : index
    %get3A_22 = arith.constant 0 : index
    %get3A_23 = vector.load %arg6[%get3A_21, %get3A_22] : memref<128x128xf32, #tpu.memory_space<vmem>>, vector<128x128xf32>
    %get3A_24 = arith.constant 0 : index
    %get3A_25 = arith.constant 0 : index
    %get3A_26 = vector.load %arg7[%get3A_24, %get3A_25] : memref<1x128xf32, #tpu.memory_space<vmem>>, vector<1x128xf32>
    %get3A_27 = arith.constant 0 : index
    %get3A_28 = arith.constant 0 : index
    %get3A_29 = vector.load %arg8[%get3A_27, %get3A_28] : memref<64x128xf32, #tpu.memory_space<vmem>>, vector<64x128xf32>
    %get3A_30 = arith.constant 0 : index
    %get3A_31 = arith.constant 0 : index
    %get3A_32 = vector.load %arg9[%get3A_30, %get3A_31] : memref<1x128xf32, #tpu.memory_space<vmem>>, vector<1x128xf32>
    %get3A_33 = arith.constant 0 : index
    %get3A_34 = arith.constant 0 : index
    %get3A_35 = vector.load %arg10[%get3A_33, %get3A_34] : memref<128x128xf32, #tpu.memory_space<vmem>>, vector<128x128xf32>
    %get3A_36 = arith.constant 0 : index
    %get3A_37 = arith.constant 0 : index
    %get3A_38 = vector.load %arg11[%get3A_36, %get3A_37] : memref<1x128xf32, #tpu.memory_space<vmem>>, vector<1x128xf32>
    %get3A_39 = arith.constant 0 : index
    %get3A_40 = arith.constant 0 : index
    %get3A_41 = vector.load %arg12[%get3A_39, %get3A_40] : memref<1x64xf32, #tpu.memory_space<vmem>>, vector<1x64xf32>
    %dot_general3A = arith.constant dense<0.000000e+00> : vector<2048x128xf32>
    %dot_general3A_42 = tpu.matmul %get3A_14, %get3A_17, %dot_general3A {dimension_numbers = #tpu.dot_dimension_numbers<[1], [0], [0], [1], [0, 0, 1, 1], [], []>, transpose_lhs_hint = false} : vector<2048x1xf32>, vector<1x128xf32>, vector<2048x128xf32> -> vector<2048x128xf32>
    %slice3A = vector.extract_strided_slice %get3A_17 {offsets = [0, 0], sizes = [1, 64], strides = [1, 1]} : vector<1x128xf32> to vector<1x64xf32>
    %dot_general3A_43 = arith.constant dense<0.000000e+00> : vector<2048x64xf32>
    %dot_general3A_44 = tpu.matmul %get3A_11, %slice3A, %dot_general3A_43 {dimension_numbers = #tpu.dot_dimension_numbers<[1], [0], [0], [1], [0, 0, 1, 1], [], []>, transpose_lhs_hint = false} : vector<2048x1xf32>, vector<1x64xf32>, vector<2048x64xf32> -> vector<2048x64xf32>
    %add3A_45 = vector.broadcast %get3A_20 : vector<1x128xf32> to vector<2048x128xf32>
    %add3A_46 = arith.addf %add3A, %add3A_45 : vector<2048x128xf32>
    %custom_jvp_call3A = arith.constant 0.000000e+00 : f32
    %max3A = vector.broadcast %custom_jvp_call3A : f32 to vector<2048x128xf32>
    %max3A_47 = arith.maximumf %add3A_46, %max3A : vector<2048x128xf32>
    %sub3A = vector.broadcast %custom_jvp_call3A : f32 to vector<2048x128xf32>
    %sub3A_48 = arith.subf %add3A_46, %sub3A : vector<2048x128xf32>
    %ne3A = arith.cmpf one, %sub3A_48, %sub3A_48 : vector<2048x128xf32>
    %add3A_49 = vector.broadcast %custom_jvp_call3A : f32 to vector<2048x128xf32>
    %add3A_50 = arith.addf %add3A_46, %add3A_49 : vector<2048x128xf32>
    %abs3A = math.absf %sub3A_48 : vector<2048x128xf32>
    %neg3A = arith.constant 0.000000e+00 : f32
    %neg3A_51 = vector.broadcast %neg3A : f32 to vector<2048x128xf32>
    %neg3A_52 = arith.subf %neg3A_51, %abs3A : vector<2048x128xf32>
    %exp3A = math.exp %neg3A_52 : vector<2048x128xf32>
    %log1p3A = math.log1p %exp3A : vector<2048x128xf32>
    %add3A_53 = arith.addf %max3A_47, %log1p3A : vector<2048x128xf32>
    %select_n3A = arith.select %ne3A, %add3A_50, %add3A_53 : vector<2048x128xi1>, vector<2048x128xf32>
    %log3A = arith.constant 2.000000e+00 : f32
    %log3A_54 = math.log %log3A : f32
    %sub3A_55 = vector.broadcast %log3A_54 : f32 to vector<2048x128xf32>
    %sub3A_56 = arith.subf %select_n3A, %sub3A_55 : vector<2048x128xf32>
    %dot_general3A_57 = arith.constant dense<0.000000e+00> : vector<2048x128xf32>
    %dot_general3A_58 = tpu.matmul %sub3A_56, %get3A_23, %dot_general3A_57 {dimension_numbers = #tpu.dot_dimension_numbers<[1], [0], [0], [1], [0, 0, 1, 1], [], []>, transpose_lhs_hint = false} : vector<2048x128xf32>, vector<128x128xf32>, vector<2048x128xf32> -> vector<2048x128xf32>
    %add3A_59 = vector.broadcast %get3A_26 : vector<1x128xf32> to vector<2048x128xf32>
    %add3A_60 = arith.addf %dot_general3A_58, %add3A_59 : vector<2048x128xf32>
    %sub3A_61 = vector.broadcast %get3A_41 : vector<1x64xf32> to vector<2048x64xf32>
    %sub3A_62 = arith.subf %dot_general3A_44, %sub3A_61 : vector<2048x64xf32>
    %integer_pow3A = arith.mulf %sub3A_62, %sub3A_62 : vector<2048x64xf32>
    %mul3A = arith.constant -5.000000e+01 : f32
    %mul3A_63 = vector.broadcast %mul3A : f32 to vector<2048x64xf32>
    %mul3A_64 = arith.mulf %mul3A_63, %integer_pow3A : vector<2048x64xf32>
    %exp3A_65 = math.exp %mul3A_64 : vector<2048x64xf32>
    %dot_general3A_66 = arith.constant dense<0.000000e+00> : vector<2048x128xf32>
    %dot_general3A_67 = tpu.matmul %exp3A_65, %get3A_29, %dot_general3A_66 {dimension_numbers = #tpu.dot_dimension_numbers<[1], [0], [0], [1], [0, 0, 1, 1], [], []>, transpose_lhs_hint = false} : vector<2048x64xf32>, vector<64x128xf32>, vector<2048x128xf32> -> vector<2048x128xf32>
    %add3A_68 = vector.broadcast %get3A_32 : vector<1x128xf32> to vector<2048x128xf32>
    %add3A_69 = arith.addf %dot_general3A_67, %add3A_68 : vector<2048x128xf32>
    %custom_jvp_call3A_70 = arith.constant 0.000000e+00 : f32
    %max3A_71 = vector.broadcast %custom_jvp_call3A_70 : f32 to vector<2048x128xf32>
    %max3A_72 = arith.maximumf %add3A_69, %max3A_71 : vector<2048x128xf32>
    %sub3A_73 = vector.broadcast %custom_jvp_call3A_70 : f32 to vector<2048x128xf32>
    %sub3A_74 = arith.subf %add3A_69, %sub3A_73 : vector<2048x128xf32>
    %ne3A_75 = arith.cmpf one, %sub3A_74, %sub3A_74 : vector<2048x128xf32>
    %add3A_76 = vector.broadcast %custom_jvp_call3A_70 : f32 to vector<2048x128xf32>
    %add3A_77 = arith.addf %add3A_69, %add3A_76 : vector<2048x128xf32>
    %abs3A_78 = math.absf %sub3A_74 : vector<2048x128xf32>
    %neg3A_79 = arith.constant 0.000000e+00 : f32
    %neg3A_80 = vector.broadcast %neg3A_79 : f32 to vector<2048x128xf32>
    %neg3A_81 = arith.subf %neg3A_80, %abs3A_78 : vector<2048x128xf32>
    %exp3A_82 = math.exp %neg3A_81 : vector<2048x128xf32>
    %log1p3A_83 = math.log1p %exp3A_82 : vector<2048x128xf32>
    %add3A_84 = arith.addf %max3A_72, %log1p3A_83 : vector<2048x128xf32>
    %select_n3A_85 = arith.select %ne3A_75, %add3A_77, %add3A_84 : vector<2048x128xi1>, vector<2048x128xf32>
    %log3A_86 = arith.constant 2.000000e+00 : f32
    %log3A_87 = math.log %log3A_86 : f32
    %sub3A_88 = vector.broadcast %log3A_87 : f32 to vector<2048x128xf32>
    %sub3A_89 = arith.subf %select_n3A_85, %sub3A_88 : vector<2048x128xf32>
    %dot_general3A_90 = arith.constant dense<0.000000e+00> : vector<2048x128xf32>
    %dot_general3A_91 = tpu.matmul %sub3A_89, %get3A_35, %dot_general3A_90 {dimension_numbers = #tpu.dot_dimension_numbers<[1], [0], [0], [1], [0, 0, 1, 1], [], []>, transpose_lhs_hint = false} : vector<2048x128xf32>, vector<128x128xf32>, vector<2048x128xf32> -> vector<2048x128xf32>
    %add3A_92 = vector.broadcast %get3A_38 : vector<1x128xf32> to vector<2048x128xf32>
    %add3A_93 = arith.addf %dot_general3A_91, %add3A_92 : vector<2048x128xf32>
    %mul3A_94 = arith.mulf %add3A_93, %dot_general3A_42 : vector<2048x128xf32>
    %mul3A_95 = arith.mulf %add3A_60, %mul3A_94 : vector<2048x128xf32>
    %swap3A = arith.constant 0 : index
    %swap3A_96 = arith.constant 0 : index
    %swap3A_97 = vector.load %arg13[%swap3A, %swap3A_96] : memref<2048x128xf32, #tpu.memory_space<vmem>>, vector<2048x128xf32>
    tpu.vector_store %arg13[%swap3A, %swap3A_96], %mul3A_95 {strides = array<i32>} : memref<2048x128xf32, #tpu.memory_space<vmem>>, vector<2048x128xf32>,
    return
  }
  func.func @transform_0(%arg0: i32) -> (i32, i32, i32) {
    %c0_i32 = arith.constant 0 : i32
    %c0_i32_0 = arith.constant 0 : i32
    %c0_i32_1 = arith.constant 0 : i32
    return %c0_i32, %arg0, %c0_i32_0 : i32, i32, i32
  }
  func.func @transform_1(%arg0: i32) -> (i32, i32) {
    %c0_i32 = arith.constant 0 : i32
    %c0_i32_0 = arith.constant 0 : i32
    return %arg0, %c0_i32 : i32, i32
  }
  func.func @transform_2(%arg0: i32) -> (i32, i32) {
    %c0_i32 = arith.constant 0 : i32
    %c0_i32_0 = arith.constant 0 : i32
    return %arg0, %c0_i32 : i32, i32
  }
  func.func @transform_3(%arg0: i32) -> (i32, i32) {
    %c0_i32 = arith.constant 0 : i32
    %c0_i32_0 = arith.constant 0 : i32
    %c0_i32_1 = arith.constant 0 : i32
    return %c0_i32, %c0_i32_0 : i32, i32
  }
  func.func @transform_4(%arg0: i32) -> (i32, i32) {
    %c0_i32 = arith.constant 0 : i32
    %c0_i32_0 = arith.constant 0 : i32
    %c0_i32_1 = arith.constant 0 : i32
    return %c0_i32, %c0_i32_0 : i32, i32
  }
  func.func @transform_5(%arg0: i32) -> (i32, i32) {
    %c0_i32 = arith.constant 0 : i32
    %c0_i32_0 = arith.constant 0 : i32
    %c0_i32_1 = arith.constant 0 : i32
    return %c0_i32, %c0_i32_0 : i32, i32
  }
  func.func @transform_6(%arg0: i32) -> (i32, i32) {
    %c0_i32 = arith.constant 0 : i32
    %c0_i32_0 = arith.constant 0 : i32
    %c0_i32_1 = arith.constant 0 : i32
    return %c0_i32, %c0_i32_0 : i32, i32
  }
  func.func @transform_7(%arg0: i32) -> (i32, i32) {
    %c0_i32 = arith.constant 0 : i32
    %c0_i32_0 = arith.constant 0 : i32
    %c0_i32_1 = arith.constant 0 : i32
    return %c0_i32, %c0_i32_0 : i32, i32
  }
  func.func @transform_8(%arg0: i32) -> (i32, i32) {
    %c0_i32 = arith.constant 0 : i32
    %c0_i32_0 = arith.constant 0 : i32
    %c0_i32_1 = arith.constant 0 : i32
    return %c0_i32, %c0_i32_0 : i32, i32
  }
  func.func @transform_9(%arg0: i32) -> (i32, i32) {
    %c0_i32 = arith.constant 0 : i32
    %c0_i32_0 = arith.constant 0 : i32
    %c0_i32_1 = arith.constant 0 : i32
    return %c0_i32, %c0_i32_0 : i32, i32
  }
  func.func @transform_10(%arg0: i32) -> (i32, i32) {
    %c0_i32 = arith.constant 0 : i32
    %c0_i32_0 = arith.constant 0 : i32
    %c0_i32_1 = arith.constant 0 : i32
    return %c0_i32, %c0_i32_0 : i32, i32
  }
  func.func @transform_11(%arg0: i32) -> (i32, i32) {
    %c0_i32 = arith.constant 0 : i32
    %c0_i32_0 = arith.constant 0 : i32
    %c0_i32_1 = arith.constant 0 : i32
    return %c0_i32, %c0_i32_0 : i32, i32
  }
  func.func @transform_12(%arg0: i32) -> (i32, i32) {
    %c0_i32 = arith.constant 0 : i32
    %c0_i32_0 = arith.constant 0 : i32
    return %arg0, %c0_i32 : i32, i32
  }
}

module attributes {stable_mosaic.version = 14 : i64} {
  func.func @_probe_final_body(%arg0: i32, %arg1: memref<2x1024x128xf32, #tpu.memory_space<vmem>>, %arg2: memref<1024x128xf32, #tpu.memory_space<vmem>>, %arg3: memref<128x128xf32, #tpu.memory_space<vmem>>, %arg4: memref<1x128xf32, #tpu.memory_space<vmem>>, %arg5: memref<128x128xf32, #tpu.memory_space<vmem>>, %arg6: memref<1x128xf32, #tpu.memory_space<vmem>>, %arg7: memref<128x128xf32, #tpu.memory_space<vmem>>, %arg8: memref<1x128xf32, #tpu.memory_space<vmem>>, %arg9: memref<128x128xf32, #tpu.memory_space<vmem>>, %arg10: memref<1x128xf32, #tpu.memory_space<vmem>>, %arg11: memref<128x128xf32, #tpu.memory_space<vmem>>, %arg12: memref<1x128xf32, #tpu.memory_space<vmem>>, %arg13: memref<128x8xf32, #tpu.memory_space<vmem>>, %arg14: memref<1x8xf32, #tpu.memory_space<vmem>>, %arg15: memref<1024x8xf32, #tpu.memory_space<vmem>>) attributes {dimension_semantics = [#tpu.dimension_semantics<arbitrary>], iteration_bounds = array<i64: 8>, scalar_prefetch = 0 : i64, scratch_operands = 0 : i64, tpu.core_type = #tpu.core_type<tc>, window_params = [{transform_indices = @transform_0, window_bounds = array<i64: 2, 1024, 128>}, {transform_indices = @transform_1, window_bounds = array<i64: 1024, 128>}, {pipeline_mode = #tpu.pipeline_mode<synchronous>, transform_indices = @transform_2, window_bounds = array<i64: 128, 128>}, {pipeline_mode = #tpu.pipeline_mode<synchronous>, transform_indices = @transform_3, window_bounds = array<i64: 1, 128>}, {pipeline_mode = #tpu.pipeline_mode<synchronous>, transform_indices = @transform_4, window_bounds = array<i64: 128, 128>}, {pipeline_mode = #tpu.pipeline_mode<synchronous>, transform_indices = @transform_5, window_bounds = array<i64: 1, 128>}, {pipeline_mode = #tpu.pipeline_mode<synchronous>, transform_indices = @transform_6, window_bounds = array<i64: 128, 128>}, {pipeline_mode = #tpu.pipeline_mode<synchronous>, transform_indices = @transform_7, window_bounds = array<i64: 1, 128>}, {pipeline_mode = #tpu.pipeline_mode<synchronous>, transform_indices = @transform_8, window_bounds = array<i64: 128, 128>}, {pipeline_mode = #tpu.pipeline_mode<synchronous>, transform_indices = @transform_9, window_bounds = array<i64: 1, 128>}, {pipeline_mode = #tpu.pipeline_mode<synchronous>, transform_indices = @transform_10, window_bounds = array<i64: 128, 128>}, {pipeline_mode = #tpu.pipeline_mode<synchronous>, transform_indices = @transform_11, window_bounds = array<i64: 1, 128>}, {pipeline_mode = #tpu.pipeline_mode<synchronous>, transform_indices = @transform_12, window_bounds = array<i64: 128, 8>}, {pipeline_mode = #tpu.pipeline_mode<synchronous>, transform_indices = @transform_13, window_bounds = array<i64: 1, 8>}, {transform_indices = @transform_14, window_bounds = array<i64: 1024, 8>}]} {
    %get3A = arith.constant 0 : index
    %get3A_0 = arith.constant 0 : index
    %get3A_1 = arith.constant 0 : index
    %get3A_2 = vector.load %arg1[%get3A, %get3A_0, %get3A_1] : memref<2x1024x128xf32, #tpu.memory_space<vmem>>, vector<1x1024x128xf32>
    %get3A_3 = vector.shape_cast %get3A_2 : vector<1x1024x128xf32> to vector<1024x128xf32>
    %get3A_4 = arith.constant 1 : index
    %get3A_5 = arith.constant 0 : index
    %get3A_6 = arith.constant 0 : index
    %get3A_7 = vector.load %arg1[%get3A_4, %get3A_5, %get3A_6] : memref<2x1024x128xf32, #tpu.memory_space<vmem>>, vector<1x1024x128xf32>
    %get3A_8 = vector.shape_cast %get3A_7 : vector<1x1024x128xf32> to vector<1024x128xf32>
    %add3A = arith.addf %get3A_3, %get3A_8 : vector<1024x128xf32>
    %get3A_9 = arith.constant 0 : index
    %get3A_10 = arith.constant 0 : index
    %get3A_11 = vector.load %arg2[%get3A_9, %get3A_10] : memref<1024x128xf32, #tpu.memory_space<vmem>>, vector<1024x128xf32>
    %get3A_12 = arith.constant 0 : index
    %get3A_13 = arith.constant 0 : index
    %get3A_14 = vector.load %arg3[%get3A_12, %get3A_13] : memref<128x128xf32, #tpu.memory_space<vmem>>, vector<128x128xf32>
    %dot_general3A = arith.constant dense<0.000000e+00> : vector<1024x128xf32>
    %dot_general3A_15 = tpu.matmul %get3A_11, %get3A_14, %dot_general3A {dimension_numbers = #tpu.dot_dimension_numbers<[1], [0], [0], [1], [0, 0, 1, 1], [], []>, transpose_lhs_hint = false} : vector<1024x128xf32>, vector<128x128xf32>, vector<1024x128xf32> -> vector<1024x128xf32>
    %get3A_16 = arith.constant 0 : index
    %get3A_17 = arith.constant 0 : index
    %get3A_18 = vector.load %arg4[%get3A_16, %get3A_17] : memref<1x128xf32, #tpu.memory_space<vmem>>, vector<1x128xf32>
    %add3A_19 = vector.broadcast %get3A_18 : vector<1x128xf32> to vector<1024x128xf32>
    %add3A_20 = arith.addf %dot_general3A_15, %add3A_19 : vector<1024x128xf32>
    %custom_jvp_call3A = arith.constant 0.000000e+00 : f32
    %max3A = vector.broadcast %custom_jvp_call3A : f32 to vector<1024x128xf32>
    %max3A_21 = arith.maximumf %add3A_20, %max3A : vector<1024x128xf32>
    %sub3A = vector.broadcast %custom_jvp_call3A : f32 to vector<1024x128xf32>
    %sub3A_22 = arith.subf %add3A_20, %sub3A : vector<1024x128xf32>
    %ne3A = arith.cmpf one, %sub3A_22, %sub3A_22 : vector<1024x128xf32>
    %add3A_23 = vector.broadcast %custom_jvp_call3A : f32 to vector<1024x128xf32>
    %add3A_24 = arith.addf %add3A_20, %add3A_23 : vector<1024x128xf32>
    %abs3A = math.absf %sub3A_22 : vector<1024x128xf32>
    %neg3A = arith.constant 0.000000e+00 : f32
    %neg3A_25 = vector.broadcast %neg3A : f32 to vector<1024x128xf32>
    %neg3A_26 = arith.subf %neg3A_25, %abs3A : vector<1024x128xf32>
    %exp3A = math.exp %neg3A_26 : vector<1024x128xf32>
    %log1p3A = math.log1p %exp3A : vector<1024x128xf32>
    %add3A_27 = arith.addf %max3A_21, %log1p3A : vector<1024x128xf32>
    %select_n3A = arith.select %ne3A, %add3A_24, %add3A_27 : vector<1024x128xi1>, vector<1024x128xf32>
    %log3A = arith.constant 2.000000e+00 : f32
    %log3A_28 = math.log %log3A : f32
    %sub3A_29 = vector.broadcast %log3A_28 : f32 to vector<1024x128xf32>
    %sub3A_30 = arith.subf %select_n3A, %sub3A_29 : vector<1024x128xf32>
    %get3A_31 = arith.constant 0 : index
    %get3A_32 = arith.constant 0 : index
    %get3A_33 = vector.load %arg5[%get3A_31, %get3A_32] : memref<128x128xf32, #tpu.memory_space<vmem>>, vector<128x128xf32>
    %dot_general3A_34 = arith.constant dense<0.000000e+00> : vector<1024x128xf32>
    %dot_general3A_35 = tpu.matmul %sub3A_30, %get3A_33, %dot_general3A_34 {dimension_numbers = #tpu.dot_dimension_numbers<[1], [0], [0], [1], [0, 0, 1, 1], [], []>, transpose_lhs_hint = false} : vector<1024x128xf32>, vector<128x128xf32>, vector<1024x128xf32> -> vector<1024x128xf32>
    %get3A_36 = arith.constant 0 : index
    %get3A_37 = arith.constant 0 : index
    %get3A_38 = vector.load %arg6[%get3A_36, %get3A_37] : memref<1x128xf32, #tpu.memory_space<vmem>>, vector<1x128xf32>
    %add3A_39 = vector.broadcast %get3A_38 : vector<1x128xf32> to vector<1024x128xf32>
    %add3A_40 = arith.addf %dot_general3A_35, %add3A_39 : vector<1024x128xf32>
    %logistic3A = arith.negf %add3A_40 : vector<1024x128xf32>
    %logistic3A_41 = math.exp %logistic3A : vector<1024x128xf32>
    %logistic3A_42 = arith.constant 1.000000e+00 : f32
    %logistic3A_43 = vector.broadcast %logistic3A_42 : f32 to vector<1024x128xf32>
    %logistic3A_44 = arith.addf %logistic3A_43, %logistic3A_41 : vector<1024x128xf32>
    %logistic3A_45 = arith.divf %logistic3A_43, %logistic3A_44 : vector<1024x128xf32>
    %get3A_46 = arith.constant 0 : index
    %get3A_47 = arith.constant 0 : index
    %get3A_48 = vector.load %arg7[%get3A_46, %get3A_47] : memref<128x128xf32, #tpu.memory_space<vmem>>, vector<128x128xf32>
    %dot_general3A_49 = arith.constant dense<0.000000e+00> : vector<1024x128xf32>
    %dot_general3A_50 = tpu.matmul %add3A, %get3A_48, %dot_general3A_49 {dimension_numbers = #tpu.dot_dimension_numbers<[1], [0], [0], [1], [0, 0, 1, 1], [], []>, transpose_lhs_hint = false} : vector<1024x128xf32>, vector<128x128xf32>, vector<1024x128xf32> -> vector<1024x128xf32>
    %get3A_51 = arith.constant 0 : index
    %get3A_52 = arith.constant 0 : index
    %get3A_53 = vector.load %arg8[%get3A_51, %get3A_52] : memref<1x128xf32, #tpu.memory_space<vmem>>, vector<1x128xf32>
    %add3A_54 = vector.broadcast %get3A_53 : vector<1x128xf32> to vector<1024x128xf32>
    %add3A_55 = arith.addf %dot_general3A_50, %add3A_54 : vector<1024x128xf32>
    %custom_jvp_call3A_56 = arith.constant 0.000000e+00 : f32
    %max3A_57 = vector.broadcast %custom_jvp_call3A_56 : f32 to vector<1024x128xf32>
    %max3A_58 = arith.maximumf %add3A_55, %max3A_57 : vector<1024x128xf32>
    %sub3A_59 = vector.broadcast %custom_jvp_call3A_56 : f32 to vector<1024x128xf32>
    %sub3A_60 = arith.subf %add3A_55, %sub3A_59 : vector<1024x128xf32>
    %ne3A_61 = arith.cmpf one, %sub3A_60, %sub3A_60 : vector<1024x128xf32>
    %add3A_62 = vector.broadcast %custom_jvp_call3A_56 : f32 to vector<1024x128xf32>
    %add3A_63 = arith.addf %add3A_55, %add3A_62 : vector<1024x128xf32>
    %abs3A_64 = math.absf %sub3A_60 : vector<1024x128xf32>
    %neg3A_65 = arith.constant 0.000000e+00 : f32
    %neg3A_66 = vector.broadcast %neg3A_65 : f32 to vector<1024x128xf32>
    %neg3A_67 = arith.subf %neg3A_66, %abs3A_64 : vector<1024x128xf32>
    %exp3A_68 = math.exp %neg3A_67 : vector<1024x128xf32>
    %log1p3A_69 = math.log1p %exp3A_68 : vector<1024x128xf32>
    %add3A_70 = arith.addf %max3A_58, %log1p3A_69 : vector<1024x128xf32>
    %select_n3A_71 = arith.select %ne3A_61, %add3A_63, %add3A_70 : vector<1024x128xi1>, vector<1024x128xf32>
    %log3A_72 = arith.constant 2.000000e+00 : f32
    %log3A_73 = math.log %log3A_72 : f32
    %sub3A_74 = vector.broadcast %log3A_73 : f32 to vector<1024x128xf32>
    %sub3A_75 = arith.subf %select_n3A_71, %sub3A_74 : vector<1024x128xf32>
    %get3A_76 = arith.constant 0 : index
    %get3A_77 = arith.constant 0 : index
    %get3A_78 = vector.load %arg9[%get3A_76, %get3A_77] : memref<128x128xf32, #tpu.memory_space<vmem>>, vector<128x128xf32>
    %dot_general3A_79 = arith.constant dense<0.000000e+00> : vector<1024x128xf32>
    %dot_general3A_80 = tpu.matmul %sub3A_75, %get3A_78, %dot_general3A_79 {dimension_numbers = #tpu.dot_dimension_numbers<[1], [0], [0], [1], [0, 0, 1, 1], [], []>, transpose_lhs_hint = false} : vector<1024x128xf32>, vector<128x128xf32>, vector<1024x128xf32> -> vector<1024x128xf32>
    %get3A_81 = arith.constant 0 : index
    %get3A_82 = arith.constant 0 : index
    %get3A_83 = vector.load %arg10[%get3A_81, %get3A_82] : memref<1x128xf32, #tpu.memory_space<vmem>>, vector<1x128xf32>
    %add3A_84 = vector.broadcast %get3A_83 : vector<1x128xf32> to vector<1024x128xf32>
    %add3A_85 = arith.addf %dot_general3A_80, %add3A_84 : vector<1024x128xf32>
    %mul3A = arith.mulf %get3A_11, %logistic3A_45 : vector<1024x128xf32>
    %sub3A_86 = arith.constant 1.000000e+00 : f32
    %sub3A_87 = vector.broadcast %sub3A_86 : f32 to vector<1024x128xf32>
    %sub3A_88 = arith.subf %sub3A_87, %logistic3A_45 : vector<1024x128xf32>
    %mul3A_89 = arith.mulf %sub3A_88, %add3A_85 : vector<1024x128xf32>
    %add3A_90 = arith.addf %mul3A, %mul3A_89 : vector<1024x128xf32>
    %get3A_91 = arith.constant 0 : index
    %get3A_92 = arith.constant 0 : index
    %get3A_93 = vector.load %arg11[%get3A_91, %get3A_92] : memref<128x128xf32, #tpu.memory_space<vmem>>, vector<128x128xf32>
    %dot_general3A_94 = arith.constant dense<0.000000e+00> : vector<1024x128xf32>
    %dot_general3A_95 = tpu.matmul %add3A_90, %get3A_93, %dot_general3A_94 {dimension_numbers = #tpu.dot_dimension_numbers<[1], [0], [0], [1], [0, 0, 1, 1], [], []>, transpose_lhs_hint = false} : vector<1024x128xf32>, vector<128x128xf32>, vector<1024x128xf32> -> vector<1024x128xf32>
    %get3A_96 = arith.constant 0 : index
    %get3A_97 = arith.constant 0 : index
    %get3A_98 = vector.load %arg12[%get3A_96, %get3A_97] : memref<1x128xf32, #tpu.memory_space<vmem>>, vector<1x128xf32>
    %add3A_99 = vector.broadcast %get3A_98 : vector<1x128xf32> to vector<1024x128xf32>
    %add3A_100 = arith.addf %dot_general3A_95, %add3A_99 : vector<1024x128xf32>
    %custom_jvp_call3A_101 = arith.constant 0.000000e+00 : f32
    %max3A_102 = vector.broadcast %custom_jvp_call3A_101 : f32 to vector<1024x128xf32>
    %max3A_103 = arith.maximumf %add3A_100, %max3A_102 : vector<1024x128xf32>
    %sub3A_104 = vector.broadcast %custom_jvp_call3A_101 : f32 to vector<1024x128xf32>
    %sub3A_105 = arith.subf %add3A_100, %sub3A_104 : vector<1024x128xf32>
    %ne3A_106 = arith.cmpf one, %sub3A_105, %sub3A_105 : vector<1024x128xf32>
    %add3A_107 = vector.broadcast %custom_jvp_call3A_101 : f32 to vector<1024x128xf32>
    %add3A_108 = arith.addf %add3A_100, %add3A_107 : vector<1024x128xf32>
    %abs3A_109 = math.absf %sub3A_105 : vector<1024x128xf32>
    %neg3A_110 = arith.constant 0.000000e+00 : f32
    %neg3A_111 = vector.broadcast %neg3A_110 : f32 to vector<1024x128xf32>
    %neg3A_112 = arith.subf %neg3A_111, %abs3A_109 : vector<1024x128xf32>
    %exp3A_113 = math.exp %neg3A_112 : vector<1024x128xf32>
    %log1p3A_114 = math.log1p %exp3A_113 : vector<1024x128xf32>
    %add3A_115 = arith.addf %max3A_103, %log1p3A_114 : vector<1024x128xf32>
    %select_n3A_116 = arith.select %ne3A_106, %add3A_108, %add3A_115 : vector<1024x128xi1>, vector<1024x128xf32>
    %log3A_117 = arith.constant 2.000000e+00 : f32
    %log3A_118 = math.log %log3A_117 : f32
    %sub3A_119 = vector.broadcast %log3A_118 : f32 to vector<1024x128xf32>
    %sub3A_120 = arith.subf %select_n3A_116, %sub3A_119 : vector<1024x128xf32>
    %get3A_121 = arith.constant 0 : index
    %get3A_122 = arith.constant 0 : index
    %get3A_123 = vector.load %arg13[%get3A_121, %get3A_122] : memref<128x8xf32, #tpu.memory_space<vmem>>, vector<128x8xf32>
    %dot_general3A_124 = arith.constant dense<0.000000e+00> : vector<1024x8xf32>
    %dot_general3A_125 = tpu.matmul %sub3A_120, %get3A_123, %dot_general3A_124 {dimension_numbers = #tpu.dot_dimension_numbers<[1], [0], [0], [1], [0, 0, 1, 1], [], []>, transpose_lhs_hint = false} : vector<1024x128xf32>, vector<128x8xf32>, vector<1024x8xf32> -> vector<1024x8xf32>
    %get3A_126 = arith.constant 0 : index
    %get3A_127 = arith.constant 0 : index
    %get3A_128 = vector.load %arg14[%get3A_126, %get3A_127] : memref<1x8xf32, #tpu.memory_space<vmem>>, vector<1x8xf32>
    %add3A_129 = vector.broadcast %get3A_128 : vector<1x8xf32> to vector<1024x8xf32>
    %add3A_130 = arith.addf %dot_general3A_125, %add3A_129 : vector<1024x8xf32>
    %swap3A = arith.constant 0 : index
    %swap3A_131 = arith.constant 0 : index
    %swap3A_132 = vector.load %arg15[%swap3A, %swap3A_131] : memref<1024x8xf32, #tpu.memory_space<vmem>>, vector<1024x8xf32>
    tpu.vector_store %arg15[%swap3A, %swap3A_131], %add3A_130 {strides = array<i32>} : memref<1024x8xf32, #tpu.memory_space<vmem>>, vector<1024x8xf32>,
    return
  }
  func.func @transform_0(%arg0: i32) -> (i32, i32, i32) {
    %c0_i32 = arith.constant 0 : i32
    %c0_i32_0 = arith.constant 0 : i32
    %c0_i32_1 = arith.constant 0 : i32
    return %c0_i32, %arg0, %c0_i32_0 : i32, i32, i32
  }
  func.func @transform_1(%arg0: i32) -> (i32, i32) {
    %c0_i32 = arith.constant 0 : i32
    %c0_i32_0 = arith.constant 0 : i32
    return %arg0, %c0_i32 : i32, i32
  }
  func.func @transform_2(%arg0: i32) -> (i32, i32) {
    %c0_i32 = arith.constant 0 : i32
    %c0_i32_0 = arith.constant 0 : i32
    %c0_i32_1 = arith.constant 0 : i32
    return %c0_i32, %c0_i32_0 : i32, i32
  }
  func.func @transform_3(%arg0: i32) -> (i32, i32) {
    %c0_i32 = arith.constant 0 : i32
    %c0_i32_0 = arith.constant 0 : i32
    %c0_i32_1 = arith.constant 0 : i32
    return %c0_i32, %c0_i32_0 : i32, i32
  }
  func.func @transform_4(%arg0: i32) -> (i32, i32) {
    %c0_i32 = arith.constant 0 : i32
    %c0_i32_0 = arith.constant 0 : i32
    %c0_i32_1 = arith.constant 0 : i32
    return %c0_i32, %c0_i32_0 : i32, i32
  }
  func.func @transform_5(%arg0: i32) -> (i32, i32) {
    %c0_i32 = arith.constant 0 : i32
    %c0_i32_0 = arith.constant 0 : i32
    %c0_i32_1 = arith.constant 0 : i32
    return %c0_i32, %c0_i32_0 : i32, i32
  }
  func.func @transform_6(%arg0: i32) -> (i32, i32) {
    %c0_i32 = arith.constant 0 : i32
    %c0_i32_0 = arith.constant 0 : i32
    %c0_i32_1 = arith.constant 0 : i32
    return %c0_i32, %c0_i32_0 : i32, i32
  }
  func.func @transform_7(%arg0: i32) -> (i32, i32) {
    %c0_i32 = arith.constant 0 : i32
    %c0_i32_0 = arith.constant 0 : i32
    %c0_i32_1 = arith.constant 0 : i32
    return %c0_i32, %c0_i32_0 : i32, i32
  }
  func.func @transform_8(%arg0: i32) -> (i32, i32) {
    %c0_i32 = arith.constant 0 : i32
    %c0_i32_0 = arith.constant 0 : i32
    %c0_i32_1 = arith.constant 0 : i32
    return %c0_i32, %c0_i32_0 : i32, i32
  }
  func.func @transform_9(%arg0: i32) -> (i32, i32) {
    %c0_i32 = arith.constant 0 : i32
    %c0_i32_0 = arith.constant 0 : i32
    %c0_i32_1 = arith.constant 0 : i32
    return %c0_i32, %c0_i32_0 : i32, i32
  }
  func.func @transform_10(%arg0: i32) -> (i32, i32) {
    %c0_i32 = arith.constant 0 : i32
    %c0_i32_0 = arith.constant 0 : i32
    %c0_i32_1 = arith.constant 0 : i32
    return %c0_i32, %c0_i32_0 : i32, i32
  }
  func.func @transform_11(%arg0: i32) -> (i32, i32) {
    %c0_i32 = arith.constant 0 : i32
    %c0_i32_0 = arith.constant 0 : i32
    %c0_i32_1 = arith.constant 0 : i32
    return %c0_i32, %c0_i32_0 : i32, i32
  }
  func.func @transform_12(%arg0: i32) -> (i32, i32) {
    %c0_i32 = arith.constant 0 : i32
    %c0_i32_0 = arith.constant 0 : i32
    %c0_i32_1 = arith.constant 0 : i32
    return %c0_i32, %c0_i32_0 : i32, i32
  }
  func.func @transform_13(%arg0: i32) -> (i32, i32) {
    %c0_i32 = arith.constant 0 : i32
    %c0_i32_0 = arith.constant 0 : i32
    %c0_i32_1 = arith.constant 0 : i32
    return %c0_i32, %c0_i32_0 : i32, i32
  }
  func.func @transform_14(%arg0: i32) -> (i32, i32) {
    %c0_i32 = arith.constant 0 : i32
    %c0_i32_0 = arith.constant 0 : i32
    return %arg0, %c0_i32 : i32, i32
  }
}

</mosaic_0001>

<sc_bundles>
// kernel: kernel.16.cloned.1.call-start
scs
__scs_entry_jumppad:
0x0: {  	(pc) =	sbr.rel $0x88, $3  }
0x1: {  	(tag) =	ssettag $0x0;
	lr =	simm.s32 $0x1  }
0x2: {  	[smem:$0x3F68] =	sst lr;
	_ =	strace $0xD0000000  }
0x3: {  	_ = 	snop  }
0x4: {  	_ = 	snop  }
0x5: {  	_ = 	snop  }
0x6: {  	_ = 	snop  }
0x7: {  	_ = 	snop  }
__scs_overlays_trampoline_lowered:
0x8: {  	[smem:$0x3F77] =	sst s0  }
0x9: {  	[smem:$0x3F78] =	sst s1  }
0xa: {  	[smem:$0x3F79] =	sst s2  }
0xb: {  	[smem:$0x3F7A] =	sst s3  }
0xc: {  	[smem:$0x3F7B] =	sst s4  }
0xd: {  	[smem:$0x3F7C] =	sst s5  }
0xe: {  	[smem:$0x3F7D] =	sst s6  }
0xf: {  	[smem:$0x3F7E] =	sst s7  }
0x10: {  	[smem:$0x3F7F] =	sst s8  }
0x11: {  	[smem:$0x3F80] =	sst s9;
	s0 =	simm.s32 @!p0 $0x0  }
0x12: {  	s1 =	sld [smem:$0x3F66];
	s0 =	simm.s32 @p0 $0x1  }
0x13: {  	[smem:$0x3F81] =	sst s0;
	s0 =	simm.s32 @!p1 $0x0  }
0x14: {  	s2 =	sld [smem:$0x3F65];
	s0 =	simm.s32 @p1 $0x1  }
0x15: {  	[smem:$0x3F82] =	sst s0;
	s0 =	simm.s32 @!p2 $0x0  }
0x16: {  	s3 =	sld [smem:$0x3FDB];
	s0 =	simm.s32 @p2 $0x1  }
0x17: {  	s4 =	simm.s32 $0x1BF5;
	[smem:$0x3F84] =	sst s0  }
0x18: {  	s0 =	sld [smem:$0x3F67];
	_ =	swait.ge [sflag:s4], $0x0  }
0x19: {  	s7 =	sld [smem:$0x3F68]  }
0x1a: {  	s8 =	sadd.s32 $0xFFFFE003, lr  }
0x1b: {  	s9 =	sadd.s32 $0xFFFFFEF7, lr;
	s5 =	simm.s32 $0xFFFFFFFF;
	p2 =	slt.u32 s8, $0xFFFFF086  }
0x1c: {  	p1 =	slt.u32 s9, $0xF7A;
	s5 =	simm.s32 @!p2 $0x0  }
0x1d: {  	s5 =	simm.s32 @p1 $0x1;
	p0 =	seq.s32 s7, s2  }
0x1e: {  	s7 =	smul.u32 @!p0 $0xF7A, s2;
	p2 =	seq.s32 @!p0 s5, $0x0  }
0x1f: {  	s9 =	smul.u32 $0xF7A, s1;
	s8 =	simm.s32 @!p0 $0x1BF5;
	p2 =	por !p2, p0  }
0x20: {  	[sflag:s8] =	ssyncset.s32 @!p0 $0xFFFFF086;
	s6 =	sadd.s32 @!p0 s3, s7;
	s7 =	simm.s32 @!p0 $0x108  }
0x21: {  	s3 =	sadd.s32 s3, s9;
	s6 =	sadd.s32 @!p0 $0x88, s6;
	s7 =	simm.s32 @p2 $0x1082  }
0x22: {  	[simem:s7], [sflag:s8] =	dma.local @!p0 [hbm:s6], $0xF7A  }
0x23: {  	s9 =	sor.u32 $0xD0000000, s2;
	s6 =	simm.s32 $0x108;
	_ =	swait.ge @!p0 [sflag:s8], $0x0  }
0x24: {  	s3 =	sadd.s32 $0x88, s3;
	s6 =	simm.s32 @!p1 $0x1082;
	[sflag:s4] =	ssyncset.s32 $0xFFFFF086  }
0x25: {  	[simem:s6], [sflag:s4] =	dma.local [hbm:s3], $0xF7A  }
0x26: {  	[smem:$0x3F68] =	sst s1;
	(tag) =	ssettag s2;
	_ =	strace s9  }
0x27: {  	s1 =	sld [smem:$0x3F78]  }
0x28: {  	s2 =	sld [smem:$0x3F79]  }
0x29: {  	s4 =	sld [smem:$0x3F7B]  }
0x2a: {  	p0 =	seq.s32 s5, $0x0;
	s5 =	sld [smem:$0x3F7C]  }
0x2b: {  	s6 =	sld [smem:$0x3F7D]  }
0x2c: {  	s7 =	sld [smem:$0x3F7E]  }
0x2d: {  	s3 =	simm.s32 $0x108;
	s8 =	sld [smem:$0x3F7F]  }
0x2e: {  	s3 =	simm.s32 @!p0 $0x1082;
	s9 =	sld [smem:$0x3F80]  }
0x2f: {  	lr =	sadd.s32 s0, s3;
	s0 =	sld [smem:$0x3F77]  }
0x30: {  	s3 =	sld [smem:$0x3F7A]  }
0x31: {  	[smem:$0x3F83] =	sst s10  }
0x32: {  	s10 =	sld [smem:$0x3F81];
	_ =	sdelay $0x3  }
0x33: {  	p0 =	seq.s32 s10, $0x1;
	s10 =	sld [smem:$0x3F83];
	_ =	sdelay $0x3  }
0x34: {  	[smem:$0x3F83] =	sst s10  }
0x35: {  	s10 =	sld [smem:$0x3F82];
	_ =	sdelay $0x3  }
0x36: {  	p1 =	seq.s32 s10, $0x1;
	s10 =	sld [smem:$0x3F83];
	_ =	sdelay $0x3  }
0x37: {  	[smem:$0x3F83] =	sst s10  }
0x38: {  	s10 =	sld [smem:$0x3F84]  }
0x39: {  	_ = 	snop;
	(pc) =	sbr.ind lr, $3  }
0x3a: {  	_ = 	snop  }
0x3b: {  	_ = 	snop  }
0x3c: {  	p2 =	seq.s32 s10, $0x1;
	s10 =	sld [smem:$0x3F83]  }
0x3d: {  	_ =	shalt  }
0x3e: {  	_ =	shalt  }
0x3f: {  	_ =	shalt  }
0x40: {  	_ =	shalt  }
0x41: {  	_ =	shalt  }
0x42: {  	_ =	shalt  }
0x43: {  	_ =	shalt  }
0x44: {  	_ =	shalt  }
0x45: {  	_ =	shalt  }
0x46: {  	_ =	shalt  }
0x47: {  	_ =	shalt  }
0x48: {  	_ =	shalt  }
0x49: {  	_ =	shalt  }
0x4a: {  	_ =	shalt  }
0x4b: {  	_ =	shalt  }
0x4c: {  	_ =	shalt  }
0x4d: {  	_ =	shalt  }
0x4e: {  	_ =	shalt  }
0x4f: {  	_ =	shalt  }
0x50: {  	_ =	shalt  }
0x51: {  	_ =	shalt  }
0x52: {  	_ =	shalt  }
0x53: {  	_ =	shalt  }
0x54: {  	_ =	shalt  }
0x55: {  	_ =	shalt  }
0x56: {  	_ =	shalt  }
0x57: {  	_ =	shalt  }
0x58: {  	_ =	shalt  }
0x59: {  	_ =	shalt  }
0x5a: {  	_ =	shalt  }
0x5b: {  	_ =	shalt  }
0x5c: {  	_ =	shalt  }
0x5d: {  	_ =	shalt  }
0x5e: {  	_ =	shalt  }
0x5f: {  	_ =	shalt  }
0x60: {  	_ =	shalt  }
0x61: {  	_ =	shalt  }
0x62: {  	_ =	shalt  }
0x63: {  	_ =	shalt  }
0x64: {  	_ =	shalt  }
0x65: {  	_ =	shalt  }
0x66: {  	_ =	shalt  }
0x67: {  	_ =	shalt  }
0x68: {  	_ =	shalt  }
0x69: {  	_ =	shalt  }
0x6a: {  	_ =	shalt  }
0x6b: {  	_ =	shalt  }
0x6c: {  	_ =	shalt  }
0x6d: {  	_ =	shalt  }
0x6e: {  	_ =	shalt  }
0x6f: {  	_ =	shalt  }
0x70: {  	_ =	shalt  }
0x71: {  	_ =	shalt  }
0x72: {  	_ =	shalt  }
0x73: {  	_ =	shalt  }
0x74: {  	_ =	shalt  }
0x75: {  	_ =	shalt  }
0x76: {  	_ =	shalt  }
0x77: {  	_ =	shalt  }
0x78: {  	_ =	shalt  }
0x79: {  	_ =	shalt  }
0x7a: {  	_ =	shalt  }
0x7b: {  	_ =	shalt  }
0x7c: {  	_ =	shalt  }
0x7d: {  	_ =	shalt  }
0x7e: {  	_ =	shalt  }
0x7f: {  	_ =	shalt  }
0x80: {  	_ =	shalt  }
0x81: {  	_ =	shalt  }
0x82: {  	_ =	shalt  }
0x83: {  	_ =	shalt  }
0x84: {  	_ =	shalt  }
0x85: {  	_ =	shalt  }
0x86: {  	_ =	shalt  }
0x87: {  	_ =	shalt  }
.Lfunc_end0:
.L_simem_size_0:
called_computation_lowered:
.L_overlay_start_0:
0x88: {  	s2 =	sld [smem:$0x3FD9]  }
0x89: {  	s3 =	sld [smem:$0x3FFE];
	_ =	sdelay $0x1  }
0x8a: {  	s1 =	srdreg.scid  }
0x8b: {  	s0 =	sand.u32 $0x1, s1  }
0x8c: {  	s16 =	sshll.u32 s0, $0xA;
	s2 =	sadd.s32 s3, s2  }
0x8d: {  	s2 =	sadd.s32 s2, s16  }
0x8e: {  	[smem:$0x3F8F] =	sst s2  }
0x8f: {  	_ = 	snop  }
0x90: {  	(tm) =	ssettm $0x1  }
0x91: {  	s17 =	sld [smem:$0x3FFB];
	_ =	sdelay $0x3  }
0x92: {  	_ =	strace s17  }
0x93: {  	s2 =	sld [smem:$0x3FFC];
	_ =	sdelay $0x3  }
0x94: {  	_ =	strace s2  }
0x95: {  	s2 =	sld [smem:$0x3FFD];
	_ =	sdelay $0x3  }
0x96: {  	_ =	strace s2  }
0x97: {  	_ =	strace $0x8FFFFFFF  }
0x98: {  	s18 =	sld [smem:$0x3FDB];
	_ =	sdelay $0x1  }
0x99: {  	s19 =	simm.s32 $_scs_section_size  }
0x9a: {  	s4 =	simm.s32 $_size__tile_overlayer_lowered;
	s5 =	simm.s32 $_tile_overlayer_lowered  }
0x9b: {  	s22 =	simm.s32 $0x1BFF;
	s21 =	sshll.u32 s5, $0x1;
	s2 =	sadd.s32 s19, s18  }
0x9c: {  	s6 =	simm.s32 $0x0;
	s20 =	sshll.u32 s4, $0x1;
	s4 =	sadd.s32 s21, s2  }
0x9d: {  	[timem:s6], [sflag:s22] =	dma.local [hbm:s4], s20  }
0x9e: {  	_ =	swait.ge [sflag:s22], s20  }
0x9f: {  	s3 =	ssub.s32 $0x0, s20;
	[sflag:s22] =	ssyncset.done $0x0  }
0xa0: {  	[sflag:s22] =	ssyncadd.s32 s3;
	_ =	sdelay $0x1  }
0xa1: {  	s23 =	simm.s32 $0x1B8B  }
0xa2: {  	_ =	swait.ge [sflag:s23], $0x1  }
0xa3: {  	[sflag:s23] =	ssyncset.done $0x0  }
0xa4: {  	s25 =	simm.s32 $0x1B8E;
	s24 =	sld [smem:$0x3FFE];
	[sflag:s23] =	ssyncadd.s32 $0xFFFFFFFF  }
0xa5: {  	s26 =	simm.s32 $execute0_lowered;
	[smem:$0x3FD2] =	sst s25  }
0xa6: {  	s4 =	sshll.u32 s26, $0x1;
	_ =	strace $0x80000046;
	[dreg:$0x1] =	wrdreg $0xFFFFFFFF  }
0xa7: {  	s28 =	simm.s32 $_size_execute0_lowered;
	s2 =	sadd.s32 s2, s4;
	[dreg:$0x0] =	wrdreg $0x0  }
0xa8: {  	s4 =	sshll.u32 s28, $0x1;
	[dreg:$0x2] =	wrdreg s2  }
0xa9: {  	[dreg:$0x3] =	wrdreg s4  }
0xaa: {  	[dreg:$0x4] =	wrdreg $0xC0  }
0xab: {  	_ =	task [dreg:s6], $0x5FFFF  }
0xac: {  	[dreg:$0x1] =	wrdreg $0xFFFFFFFF  }
0xad: {  	[dreg:$0x0] =	wrdreg $0x60  }
0xae: {  	[dreg:$0x2] =	wrdreg s24  }
0xaf: {  	[dreg:$0x3] =	wrdreg $0x10000  }
0xb0: {  	[dreg:$0x4] =	wrdreg $0x9  }
0xb1: {  	_ =	task.clear_ibuf [dreg:s6], $0x5FFFF;
	_ =	strace $0x90000046  }
0xb2: {  	s29 =	simm.s32 $0x9;
	_ =	strace $0x80000048  }
0xb3: {  	_ =	swait.ge [sflag:s29], $0x1  }
0xb4: {  	[sflag:s29] =	ssyncadd.s32 $0xFFFFFFFF  }
0xb5: {  	_ =	strace $0x90000048  }
0xb6: {  	_ =	sfence  }
0xb7: {  	s30 =	sld [smem:$0x0];
	_ =	sdelay $0x2  }
0xb8: {  	s31 =	sshll.u32 s1, $0xD;
	s1 =	sshrl.u32 s1, $0x2  }
0xb9: {  	s3 =	sand.u32 $0x4000, s31;
	s1 =	sadd.s32 s1, s30  }
0xba: {  	s0 =	sor.u32 s3, s0;
	s1 =	sshll.u32 s1, $0x11  }
0xbb: {  	s0 =	sor.u32 s1, s0  }
0xbc: {  	s0 =	sadd.s32 $0x8F2B, s0  }
0xbd: {  	[sflag:s0] =	ssyncadd.remote.s32 $0x1  }
0xbe: {  	_ =	sfence.sel $0xFFFF  }
0xbf: {  	[dreg:$0x0] =	wrdreg $0xFFFFFFFF;
	(pc) =	sbr.abs _section_cstart, $3  }
0xc0: {  	[dreg:$0x1] =	wrdreg $0xFFFFFFFF  }
0xc1: {  	_ =	task.clear_ibuf [dreg:s6], $0x2FFFF;
	_ =	strace $0x9FFFFFFF  }
0xc2: {  	(tm) =	ssettm $0x7FFFFFFF  }
0xc3: {  	_ =	shalt  }
tec
execute0_lowered:
.L_overlay_start_1:
0x0: {  	(tag) =	ssettag $0x1  }
0x1: {  	s4 =	rddreg [dreg:$0x0]  }
0x2: {  	s1 =	rddreg [dreg:$0x1]  }
0x3: {  	s0 =	rddreg [dreg:$0x2];
	s3 =	simm.s32 $0x0  }
0x4: {  	s5 =	srdreg.scid;
	s2 =	stileid.u32;
	s12 =	simm.s32 $0x15000  }
0x5: {  	s13 =	simm.s32 $0x19000;
	s14 =	simm.s32 $0x1;
	s15 =	simm.s32 $0x2  }
0x6: {  	s16 =	simm.s32 $0x0;
	[smem:$0x7FF] =	sst s3;
	s5 =	sand.u32 $0x1, s5  }
0x7: {  	s6 =	smul.u32 $0x2800, s2;
	s7 =	sshll.u32 s2, $0xD;
	s9 =	sshll.u32 s2, $0x11  }
0x8: {  	s11 =	smul.u32 $0x50000, s2;
	s31 =	sshll.u32 s2, $0x6;
	s8 =	sshll.u32 s5, $0xC  }
0x9: {  	_ =	strace $0x80000047;
	s26 =	ssub.s32 $0x2, s5;
	s9 =	sadd.s32 s9, s4  }
0xa: {  	s29 =	sshll.u32 s5, $0x10;
	s7 =	sor.u32 s8, s7;
	s6 =	sadd.s32 s6, s4  }
0xb: {  	s10 =	sshrl.u32 s26, $0x1;
	s28 =	sshrl.u32 s11, $0x2;
	s30 =	sadd.s32 s29, s9  }
0xc: {  	s9 =	sor.u32 $0x1C03, s31;
	s7 =	sshrl.u32 s7, $0x3;
	s8 =	ssub.s32 s26, s10  }
0xd: {  	s11 =	sadd.s32 s28, s1;
	s5 =	sadd.s32 $0xAA00, s6;
	s7 =	sadd.s32 s7, s4  }
0xe: {  	s6 =	smax.u32 s8, $0x1;
	s8 =	simm.s32 $0x3;
	s10 =	sshrl.u32 s11, $0x3  }
0xf: {  	s11 =	simm.s32 $0x80;
	s4 =	sadd.s32 $0x86A00, s7;
	s7 =	sadd.s32 $0x8AA00, s30  }
.LBB2_1:
0x10: {  	[tilespmem:s3], [sflag:$0x3] =	stream.linear.gather [hbm4b:s4+s3], $0x1000, $0x38;
	[tilespmem:$0x1D000] =	vst v63  }
0x11: {  	_ =	swait.ge [sflag:s8], $0x1000  }
0x12: {  	[sflag:s8] =	ssyncset.done $0x0  }
0x13: {  	[sflag:s8] =	ssyncadd.s32 $0xFFFFF000  }
0x14: {  	[spmem:s10], [sflag:s9] =	dma.local [hbm:s5], $0x2800  }
0x15: {  	_ =	swait.ge [sflag:s8], $0x2800  }
0x16: {  	[sflag:s8] =	ssyncset.done $0x0  }
0x17: {  	[sflag:s8] =	ssyncadd.s32 $0xFFFFD800  }
0x18: {  	s17 =	simm.s32 $0x0;
	[bflag:$0x0] =	sbarrier.arrive $0xFFFF  }
0x19: {  	[tilespmem:s12], [sflag:$0x1] =	stream.indirect.gather [spmem:s1], $0x80, s17, s11, $0xb8;
	[tilespmem:$0x1D000] =	vst v63  }
0x1a: {  	s30 =	simm.s32 $0x80  }
0x1b: {  	[tilespmem:s13], [sflag:$0x2] =	stream.indirect.gather [spmem:s1], $0x80, s30, s11, $0xb8;
	[tilespmem:$0x1D000] =	vst v63  }
0x1c: {  	_ =	swait.ge [sflag:s14], $0x4000  }
0x1d: {  	[sflag:s14] =	ssyncset.done $0x0  }
0x1e: {  	[sflag:s14] =	ssyncadd.s32 $0xFFFFC000  }
0x1f: {  	[hbm4b:s7+s3] =	stream.linear.scatter [tilespmem:s12], [sflag:$0x1], $0x4000, $0x38;
	[tilespmem:$0x1D000] =	vst v63  }
0x20: {  	_ =	swait.ge [sflag:s15], $0x4000  }
0x21: {  	[sflag:s15] =	ssyncset.done $0x0  }
0x22: {  	s31 =	sadd.s32 $0x800, s7;
	[sflag:s15] =	ssyncadd.s32 $0xFFFFC000  }
0x23: {  	[hbm4b:s31+s3] =	stream.linear.scatter [tilespmem:s13], [sflag:$0x2], $0x4000, $0x38;
	[tilespmem:$0x1D000] =	vst v63  }
0x24: {  	_ =	swait.ge [sflag:s14], $0x4000  }
0x25: {  	[sflag:s14] =	ssyncset.done $0x0  }
0x26: {  	[sflag:s14] =	ssyncadd.s32 $0xFFFFC000  }
0x27: {  	s18 =	simm.s32 $0x400;
	_ =	swait.ge [sflag:s15], $0x4000  }
0x28: {  	s19 =	simm.s32 $0x800;
	s17 =	sadd.s32 $0x1000, s7;
	[sflag:s15] =	ssyncset.done $0x0  }
.LBB2_2:
0x29: {  	s20 =	sshra.s32 s18, $0x2  }
0x2a: {  	[sflag:s15] =	ssyncadd.s32 $0xFFFFC000;
	s18 =	smov.u32 s19;
	s21 =	sadd.s32 $0x400, s19  }
0x2b: {  	[tilespmem:s12], [sflag:$0x1] =	stream.indirect.gather [spmem:s1], $0x80, s20, s11, $0xb8;
	[tilespmem:$0x1D000] =	vst v63  }
0x2c: {  	p0 =	sne.s32 s19, $0x3C00;
	s19 =	sadd.s32 $0x80, s20  }
0x2d: {  	[tilespmem:s13], [sflag:$0x2] =	stream.indirect.gather [spmem:s1], $0x80, s19, s11, $0xb8;
	[tilespmem:$0x1D000] =	vst v63  }
0x2e: {  	_ =	swait.ge [sflag:s14], $0x4000  }
0x2f: {  	[sflag:s14] =	ssyncset.done $0x0  }
0x30: {  	[sflag:s14] =	ssyncadd.s32 $0xFFFFC000  }
0x31: {  	[hbm4b:s17+s3] =	stream.linear.scatter [tilespmem:s12], [sflag:$0x1], $0x4000, $0x38;
	[tilespmem:$0x1D000] =	vst v63  }
0x32: {  	_ =	swait.ge [sflag:s15], $0x4000  }
0x33: {  	[sflag:s15] =	ssyncset.done $0x0  }
0x34: {  	s19 =	sadd.s32 $0x800, s17;
	[sflag:s15] =	ssyncadd.s32 $0xFFFFC000  }
0x35: {  	[hbm4b:s19+s3] =	stream.linear.scatter [tilespmem:s13], [sflag:$0x2], $0x4000, $0x38;
	[tilespmem:$0x1D000] =	vst v63  }
.Ltmp0:
0x36: {  	_ =	swait.ge [sflag:s14], $0x4000;
	(pc) =	sbr.rel @p0 .LBB2_2-.Ltmp0, $4  }
0x37: {  	[sflag:s14] =	ssyncset.done $0x0  }
0x38: {  	[sflag:s14] =	ssyncadd.s32 $0xFFFFC000  }
0x39: {  	_ =	swait.ge [sflag:s15], $0x4000  }
0x3a: {  	s17 =	sadd.s32 $0x1000, s17;
	s19 =	smov.u32 s21;
	[sflag:s15] =	ssyncset.done $0x0  }
0x3b: {  	s18 =	sshra.s32 s18, $0x2;
	[sflag:s15] =	ssyncadd.s32 $0xFFFFC000  }
0x3c: {  	[tilespmem:s12], [sflag:$0x1] =	stream.indirect.gather [spmem:s1], $0x80, s18, s11, $0xb8;
	[tilespmem:$0x1D000] =	vst v63  }
0x3d: {  	s18 =	sadd.s32 $0x80, s18  }
0x3e: {  	[tilespmem:s13], [sflag:$0x2] =	stream.indirect.gather [spmem:s1], $0x80, s18, s11, $0xb8;
	[tilespmem:$0x1D000] =	vst v63  }
0x3f: {  	_ =	swait.ge [sflag:s14], $0x4000  }
0x40: {  	[sflag:s14] =	ssyncset.done $0x0  }
0x41: {  	[sflag:s14] =	ssyncadd.s32 $0xFFFFC000  }
0x42: {  	[hbm4b:s17+s3] =	stream.linear.scatter [tilespmem:s12], [sflag:$0x1], $0x4000, $0x38;
	[tilespmem:$0x1D000] =	vst v63  }
0x43: {  	_ =	swait.ge [sflag:s15], $0x4000  }
0x44: {  	[sflag:s15] =	ssyncset.done $0x0  }
0x45: {  	s31 =	sadd.s32 $0x800, s17;
	s16 =	sadd.s32 $0x1, s16;
	[sflag:s15] =	ssyncadd.s32 $0xFFFFC000  }
0x46: {  	[hbm4b:s31+s3] =	stream.linear.scatter [tilespmem:s13], [sflag:$0x2], $0x4000, $0x38;
	[tilespmem:$0x1D000] =	vst v63  }
0x47: {  	p0 =	sne.s32 s16, s6;
	_ =	swait.ge [sflag:s14], $0x4000  }
.Ltmp1:
0x48: {  	[sflag:s14] =	ssyncset.done $0x0;
	(pc) =	sbr.rel @p0 .LBB2_1-.Ltmp1, $4  }
0x49: {  	[sflag:s14] =	ssyncadd.s32 $0xFFFFC000  }
0x4a: {  	_ =	swait.ge [sflag:s15], $0x4000  }
0x4b: {  	[sflag:s15] =	ssyncset.done $0x0  }
0x4c: {  	[sflag:s15] =	ssyncadd.s32 $0xFFFFC000  }
0x4d: {  	_ =	sfence.sel $0x180000  }
0x4e: {  	[bflag:$0x0] =	sbarrier.arrive $0xFFFF  }
0x4f: {  	p0 =	sne.s32 s2, $0x0;
	_ =	strace $0x90000047  }
0x50: {  	s0 =	sadd.s32 @!p0 $0x100000, s0;
	[bflag:$0x2] =	sbarrier.arrive $0xFFFF  }
0x51: {  	[sflag:s0] =	ssyncadd.tile.s32 @!p0 $0x1;
	_ =	shalt  }
.Lfunc_end2:
_tile_overlayer_lowered:
.L_overlay_start_2:
0x52: {  	(tag) =	ssettag $0x2  }
0x53: {  	s0 =	rddreg [dreg:$0x0];
	s2 =	stileid.u32  }
0x54: {  	s1 =	rddreg [dreg:$0x1];
	p0 =	sne.s32 s2, $0x0  }
0x55: {  	s3 =	rddreg [dreg:$0x2];
	[bflag:$0x3] =	sbarrier.arrive $0xFFFF;
	s2 =	simm.s32 @!p0 $0x1C03  }
0x56: {  	[timem:s3], [sflag:s2] =	dma.local @!p0 [hbm:s0], s1  }
0x57: {  	s0 =	simm.s32 @!p0 $0x3  }
0x58: {  	_ =	swait.ge @!p0 [sflag:s0], s1  }
0x59: {  	s1 =	ssub.s32 @!p0 $0x0, s1;
	[sflag:s0] =	ssyncset.done @!p0 $0x0  }
0x5a: {  	[sflag:s0] =	ssyncadd.s32 @!p0 s1  }
0x5b: {  	[bflag:$0x3] =	sbarrier.arrive $0xFFFF  }
0x5c: {  	_ =	shalt  }

// kernel: kernel.19.cloned.1.call-start
scs
__scs_entry_jumppad:
0x0: {  	(pc) =	sbr.rel $0x88, $3  }
0x1: {  	(tag) =	ssettag $0x0;
	lr =	simm.s32 $0x1  }
0x2: {  	[smem:$0x3F68] =	sst lr;
	_ =	strace $0xD0000000  }
0x3: {  	_ = 	snop  }
0x4: {  	_ = 	snop  }
0x5: {  	_ = 	snop  }
0x6: {  	_ = 	snop  }
0x7: {  	_ = 	snop  }
__scs_overlays_trampoline_lowered:
0x8: {  	[smem:$0x3F77] =	sst s0  }
0x9: {  	[smem:$0x3F78] =	sst s1  }
0xa: {  	[smem:$0x3F79] =	sst s2  }
0xb: {  	[smem:$0x3F7A] =	sst s3  }
0xc: {  	[smem:$0x3F7B] =	sst s4  }
0xd: {  	[smem:$0x3F7C] =	sst s5  }
0xe: {  	[smem:$0x3F7D] =	sst s6  }
0xf: {  	[smem:$0x3F7E] =	sst s7  }
0x10: {  	[smem:$0x3F7F] =	sst s8  }
0x11: {  	[smem:$0x3F80] =	sst s9;
	s0 =	simm.s32 @!p0 $0x0  }
0x12: {  	s1 =	sld [smem:$0x3F66];
	s0 =	simm.s32 @p0 $0x1  }
0x13: {  	[smem:$0x3F81] =	sst s0;
	s0 =	simm.s32 @!p1 $0x0  }
0x14: {  	s2 =	sld [smem:$0x3F65];
	s0 =	simm.s32 @p1 $0x1  }
0x15: {  	[smem:$0x3F82] =	sst s0;
	s0 =	simm.s32 @!p2 $0x0  }
0x16: {  	s3 =	sld [smem:$0x3FDB];
	s0 =	simm.s32 @p2 $0x1  }
0x17: {  	s4 =	simm.s32 $0x1BF5;
	[smem:$0x3F84] =	sst s0  }
0x18: {  	s0 =	sld [smem:$0x3F67];
	_ =	swait.ge [sflag:s4], $0x0  }
0x19: {  	s7 =	sld [smem:$0x3F68]  }
0x1a: {  	s8 =	sadd.s32 $0xFFFFE003, lr  }
0x1b: {  	s9 =	sadd.s32 $0xFFFFFEF7, lr;
	s5 =	simm.s32 $0xFFFFFFFF;
	p2 =	slt.u32 s8, $0xFFFFF086  }
0x1c: {  	p1 =	slt.u32 s9, $0xF7A;
	s5 =	simm.s32 @!p2 $0x0  }
0x1d: {  	s5 =	simm.s32 @p1 $0x1;
	p0 =	seq.s32 s7, s2  }
0x1e: {  	s7 =	smul.u32 @!p0 $0xF7A, s2;
	p2 =	seq.s32 @!p0 s5, $0x0  }
0x1f: {  	s9 =	smul.u32 $0xF7A, s1;
	s8 =	simm.s32 @!p0 $0x1BF5;
	p2 =	por !p2, p0  }
0x20: {  	[sflag:s8] =	ssyncset.s32 @!p0 $0xFFFFF086;
	s6 =	sadd.s32 @!p0 s3, s7;
	s7 =	simm.s32 @!p0 $0x108  }
0x21: {  	s3 =	sadd.s32 s3, s9;
	s6 =	sadd.s32 @!p0 $0x88, s6;
	s7 =	simm.s32 @p2 $0x1082  }
0x22: {  	[simem:s7], [sflag:s8] =	dma.local @!p0 [hbm:s6], $0xF7A  }
0x23: {  	s9 =	sor.u32 $0xD0000000, s2;
	s6 =	simm.s32 $0x108;
	_ =	swait.ge @!p0 [sflag:s8], $0x0  }
0x24: {  	s3 =	sadd.s32 $0x88, s3;
	s6 =	simm.s32 @!p1 $0x1082;
	[sflag:s4] =	ssyncset.s32 $0xFFFFF086  }
0x25: {  	[simem:s6], [sflag:s4] =	dma.local [hbm:s3], $0xF7A  }
0x26: {  	[smem:$0x3F68] =	sst s1;
	(tag) =	ssettag s2;
	_ =	strace s9  }
0x27: {  	s1 =	sld [smem:$0x3F78]  }
0x28: {  	s2 =	sld [smem:$0x3F79]  }
0x29: {  	s4 =	sld [smem:$0x3F7B]  }
0x2a: {  	p0 =	seq.s32 s5, $0x0;
	s5 =	sld [smem:$0x3F7C]  }
0x2b: {  	s6 =	sld [smem:$0x3F7D]  }
0x2c: {  	s7 =	sld [smem:$0x3F7E]  }
0x2d: {  	s3 =	simm.s32 $0x108;
	s8 =	sld [smem:$0x3F7F]  }
0x2e: {  	s3 =	simm.s32 @!p0 $0x1082;
	s9 =	sld [smem:$0x3F80]  }
0x2f: {  	lr =	sadd.s32 s0, s3;
	s0 =	sld [smem:$0x3F77]  }
0x30: {  	s3 =	sld [smem:$0x3F7A]  }
0x31: {  	[smem:$0x3F83] =	sst s10  }
0x32: {  	s10 =	sld [smem:$0x3F81];
	_ =	sdelay $0x3  }
0x33: {  	p0 =	seq.s32 s10, $0x1;
	s10 =	sld [smem:$0x3F83];
	_ =	sdelay $0x3  }
0x34: {  	[smem:$0x3F83] =	sst s10  }
0x35: {  	s10 =	sld [smem:$0x3F82];
	_ =	sdelay $0x3  }
0x36: {  	p1 =	seq.s32 s10, $0x1;
	s10 =	sld [smem:$0x3F83];
	_ =	sdelay $0x3  }
0x37: {  	[smem:$0x3F83] =	sst s10  }
0x38: {  	s10 =	sld [smem:$0x3F84]  }
0x39: {  	_ = 	snop;
	(pc) =	sbr.ind lr, $3  }
0x3a: {  	_ = 	snop  }
0x3b: {  	_ = 	snop  }
0x3c: {  	p2 =	seq.s32 s10, $0x1;
	s10 =	sld [smem:$0x3F83]  }
0x3d: {  	_ =	shalt  }
0x3e: {  	_ =	shalt  }
0x3f: {  	_ =	shalt  }
0x40: {  	_ =	shalt  }
0x41: {  	_ =	shalt  }
0x42: {  	_ =	shalt  }
0x43: {  	_ =	shalt  }
0x44: {  	_ =	shalt  }
0x45: {  	_ =	shalt  }
0x46: {  	_ =	shalt  }
0x47: {  	_ =	shalt  }
0x48: {  	_ =	shalt  }
0x49: {  	_ =	shalt  }
0x4a: {  	_ =	shalt  }
0x4b: {  	_ =	shalt  }
0x4c: {  	_ =	shalt  }
0x4d: {  	_ =	shalt  }
0x4e: {  	_ =	shalt  }
0x4f: {  	_ =	shalt  }
0x50: {  	_ =	shalt  }
0x51: {  	_ =	shalt  }
0x52: {  	_ =	shalt  }
0x53: {  	_ =	shalt  }
0x54: {  	_ =	shalt  }
0x55: {  	_ =	shalt  }
0x56: {  	_ =	shalt  }
0x57: {  	_ =	shalt  }
0x58: {  	_ =	shalt  }
0x59: {  	_ =	shalt  }
0x5a: {  	_ =	shalt  }
0x5b: {  	_ =	shalt  }
0x5c: {  	_ =	shalt  }
0x5d: {  	_ =	shalt  }
0x5e: {  	_ =	shalt  }
0x5f: {  	_ =	shalt  }
0x60: {  	_ =	shalt  }
0x61: {  	_ =	shalt  }
0x62: {  	_ =	shalt  }
0x63: {  	_ =	shalt  }
0x64: {  	_ =	shalt  }
0x65: {  	_ =	shalt  }
0x66: {  	_ =	shalt  }
0x67: {  	_ =	shalt  }
0x68: {  	_ =	shalt  }
0x69: {  	_ =	shalt  }
0x6a: {  	_ =	shalt  }
0x6b: {  	_ =	shalt  }
0x6c: {  	_ =	shalt  }
0x6d: {  	_ =	shalt  }
0x6e: {  	_ =	shalt  }
0x6f: {  	_ =	shalt  }
0x70: {  	_ =	shalt  }
0x71: {  	_ =	shalt  }
0x72: {  	_ =	shalt  }
0x73: {  	_ =	shalt  }
0x74: {  	_ =	shalt  }
0x75: {  	_ =	shalt  }
0x76: {  	_ =	shalt  }
0x77: {  	_ =	shalt  }
0x78: {  	_ =	shalt  }
0x79: {  	_ =	shalt  }
0x7a: {  	_ =	shalt  }
0x7b: {  	_ =	shalt  }
0x7c: {  	_ =	shalt  }
0x7d: {  	_ =	shalt  }
0x7e: {  	_ =	shalt  }
0x7f: {  	_ =	shalt  }
0x80: {  	_ =	shalt  }
0x81: {  	_ =	shalt  }
0x82: {  	_ =	shalt  }
0x83: {  	_ =	shalt  }
0x84: {  	_ =	shalt  }
0x85: {  	_ =	shalt  }
0x86: {  	_ =	shalt  }
0x87: {  	_ =	shalt  }
.Lfunc_end0:
.L_simem_size_0:
called_computation.1_lowered:
.L_overlay_start_0:
0x88: {  	s2 =	sld [smem:$0x3FD9]  }
0x89: {  	s3 =	sld [smem:$0x3FFE];
	_ =	sdelay $0x1  }
0x8a: {  	s1 =	srdreg.scid  }
0x8b: {  	s0 =	sand.u32 $0x1, s1  }
0x8c: {  	s16 =	sshll.u32 s0, $0xA;
	s2 =	sadd.s32 s3, s2  }
0x8d: {  	s2 =	sadd.s32 s2, s16  }
0x8e: {  	[smem:$0x3F8F] =	sst s2  }
0x8f: {  	_ = 	snop  }
0x90: {  	(tm) =	ssettm $0x1  }
0x91: {  	s17 =	sld [smem:$0x3FFB];
	_ =	sdelay $0x3  }
0x92: {  	_ =	strace s17  }
0x93: {  	s2 =	sld [smem:$0x3FFC];
	_ =	sdelay $0x3  }
0x94: {  	_ =	strace s2  }
0x95: {  	s2 =	sld [smem:$0x3FFD];
	_ =	sdelay $0x3  }
0x96: {  	_ =	strace s2  }
0x97: {  	_ =	strace $0x8FFFFFFF  }
0x98: {  	s18 =	sld [smem:$0x3FDB];
	_ =	sdelay $0x1  }
0x99: {  	s19 =	simm.s32 $_scs_section_size  }
0x9a: {  	s4 =	simm.s32 $_size__tile_overlayer_lowered;
	s5 =	simm.s32 $_tile_overlayer_lowered  }
0x9b: {  	s22 =	simm.s32 $0x1BFF;
	s21 =	sshll.u32 s5, $0x1;
	s2 =	sadd.s32 s19, s18  }
0x9c: {  	s6 =	simm.s32 $0x0;
	s20 =	sshll.u32 s4, $0x1;
	s4 =	sadd.s32 s21, s2  }
0x9d: {  	[timem:s6], [sflag:s22] =	dma.local [hbm:s4], s20  }
0x9e: {  	_ =	swait.ge [sflag:s22], s20  }
0x9f: {  	s3 =	ssub.s32 $0x0, s20;
	[sflag:s22] =	ssyncset.done $0x0  }
0xa0: {  	[sflag:s22] =	ssyncadd.s32 s3;
	_ =	sdelay $0x1  }
0xa1: {  	s23 =	simm.s32 $0x1B8B  }
0xa2: {  	_ =	swait.ge [sflag:s23], $0x1  }
0xa3: {  	[sflag:s23] =	ssyncset.done $0x0  }
0xa4: {  	s25 =	simm.s32 $0x1B8E;
	s24 =	sld [smem:$0x3FFE];
	[sflag:s23] =	ssyncadd.s32 $0xFFFFFFFF  }
0xa5: {  	s26 =	simm.s32 $execute0_lowered;
	[smem:$0x3FD2] =	sst s25  }
0xa6: {  	s4 =	sshll.u32 s26, $0x1;
	_ =	strace $0x80000049;
	[dreg:$0x1] =	wrdreg $0xFFFFFFFF  }
0xa7: {  	s28 =	simm.s32 $_size_execute0_lowered;
	s2 =	sadd.s32 s2, s4;
	[dreg:$0x0] =	wrdreg $0x0  }
0xa8: {  	s4 =	sshll.u32 s28, $0x1;
	[dreg:$0x2] =	wrdreg s2  }
0xa9: {  	[dreg:$0x3] =	wrdreg s4  }
0xaa: {  	[dreg:$0x4] =	wrdreg $0xC0  }
0xab: {  	_ =	task [dreg:s6], $0x5FFFF  }
0xac: {  	[dreg:$0x1] =	wrdreg $0xFFFFFFFF  }
0xad: {  	[dreg:$0x0] =	wrdreg $0x60  }
0xae: {  	[dreg:$0x2] =	wrdreg s24  }
0xaf: {  	[dreg:$0x3] =	wrdreg $0x10000  }
0xb0: {  	[dreg:$0x4] =	wrdreg $0x9  }
0xb1: {  	_ =	task.clear_ibuf [dreg:s6], $0x5FFFF;
	_ =	strace $0x90000049  }
0xb2: {  	s29 =	simm.s32 $0x9;
	_ =	strace $0x8000004B  }
0xb3: {  	_ =	swait.ge [sflag:s29], $0x1  }
0xb4: {  	[sflag:s29] =	ssyncadd.s32 $0xFFFFFFFF  }
0xb5: {  	_ =	strace $0x9000004B  }
0xb6: {  	_ =	sfence  }
0xb7: {  	s30 =	sld [smem:$0x0];
	_ =	sdelay $0x2  }
0xb8: {  	s31 =	sshll.u32 s1, $0xD;
	s1 =	sshrl.u32 s1, $0x2  }
0xb9: {  	s3 =	sand.u32 $0x4000, s31;
	s1 =	sadd.s32 s1, s30  }
0xba: {  	s0 =	sor.u32 s3, s0;
	s1 =	sshll.u32 s1, $0x11  }
0xbb: {  	s0 =	sor.u32 s1, s0  }
0xbc: {  	s0 =	sadd.s32 $0x8F2B, s0  }
0xbd: {  	[sflag:s0] =	ssyncadd.remote.s32 $0x1  }
0xbe: {  	_ =	sfence.sel $0xFFFF  }
0xbf: {  	[dreg:$0x0] =	wrdreg $0xFFFFFFFF;
	(pc) =	sbr.abs _section_cstart, $3  }
0xc0: {  	[dreg:$0x1] =	wrdreg $0xFFFFFFFF  }
0xc1: {  	_ =	task.clear_ibuf [dreg:s6], $0x2FFFF;
	_ =	strace $0x9FFFFFFF  }
0xc2: {  	(tm) =	ssettm $0x7FFFFFFF  }
0xc3: {  	_ =	shalt  }
tec
execute0_lowered:
.L_overlay_start_1:
0x0: {  	(tag) =	ssettag $0x1  }
0x1: {  	s4 =	rddreg [dreg:$0x0]  }
0x2: {  	s1 =	rddreg [dreg:$0x1]  }
0x3: {  	s0 =	rddreg [dreg:$0x2];
	s3 =	simm.s32 $0x0;
	s5 =	srdreg.scid  }
0x4: {  	s2 =	stileid.u32;
	s12 =	simm.s32 $0x11000;
	s13 =	simm.s32 $0x15000  }
0x5: {  	s14 =	simm.s32 $0x1;
	s15 =	simm.s32 $0x80;
	s16 =	simm.s32 $0x2  }
0x6: {  	s17 =	simm.s32 $0x0;
	[smem:$0x7FF] =	sst s3;
	s5 =	sand.u32 $0x1, s5  }
0x7: {  	s6 =	sshll.u32 s2, $0xD;
	s8 =	sshll.u32 s2, $0x11;
	s26 =	sshll.u32 s2, $0x10  }
0x8: {  	s31 =	sshll.u32 s2, $0x6;
	_ =	strace $0x8000004A;
	s7 =	sshll.u32 s5, $0xC  }
0x9: {  	s9 =	ssub.s32 $0x2, s5;
	s8 =	sadd.s32 s8, s4;
	s28 =	sshll.u32 s5, $0x11  }
0xa: {  	s11 =	sadd.s32 s26, s1;
	s30 =	sshll.u32 s5, $0x10;
	s7 =	sor.u32 s7, s6  }
0xb: {  	s10 =	sshrl.u32 s9, $0x1;
	s6 =	sadd.s32 s6, s4;
	s8 =	sadd.s32 s30, s8  }
0xc: {  	s11 =	sshrl.u32 s11, $0x3;
	s7 =	sshrl.u32 s7, $0x3;
	s9 =	ssub.s32 s9, s10  }
0xd: {  	s29 =	sadd.s32 s28, s6;
	s5 =	sadd.s32 $0xAA00, s6;
	s8 =	sadd.s32 $0x87F200, s8  }
0xe: {  	s10 =	sor.u32 $0x1C03, s31;
	s7 =	sadd.s32 s7, s4;
	s6 =	sadd.s32 $0x28EC00, s29  }
0xf: {  	s4 =	sadd.s32 $0x28AC00, s7;
	s7 =	smax.u32 s9, $0x1;
	s9 =	simm.s32 $0x3  }
.LBB2_1:
0x10: {  	[tilespmem:s3], [sflag:$0x3] =	stream.linear.gather [hbm4b:s4+s3], $0x1000, $0x38;
	[tilespmem:$0x19000] =	vst v63  }
0x11: {  	_ =	swait.ge [sflag:s9], $0x1000  }
0x12: {  	[sflag:s9] =	ssyncset.done $0x0  }
0x13: {  	[sflag:s9] =	ssyncadd.s32 $0xFFFFF000  }
0x14: {  	[spmem:s11], [sflag:s10] =	dma.local [hbm:s5], $0x2000  }
0x15: {  	_ =	swait.ge [sflag:s9], $0x2000  }
0x16: {  	[sflag:s9] =	ssyncset.done $0x0  }
0x17: {  	[sflag:s9] =	ssyncadd.s32 $0xFFFFE000  }
0x18: {  	s18 =	sadd.s32 $0xFFFFF800, s8;
	[bflag:$0x0] =	sbarrier.arrive $0xFFFF  }
0x19: {  	[tilespmem:s12], [sflag:$0x1] =	stream.linear.gather [hbm4b:s18+s3], $0x4000, $0x38;
	[tilespmem:$0x19000] =	vst v63  }
0x1a: {  	_ = 	snop  }
0x1b: {  	[tilespmem:s13], [sflag:$0x2] =	stream.linear.gather [hbm4b:s8+s3], $0x4000, $0x38;
	[tilespmem:$0x19000] =	vst v63  }
0x1c: {  	_ =	swait.ge [sflag:s14], $0x4000  }
0x1d: {  	[sflag:s14] =	ssyncset.done $0x0  }
0x1e: {  	s30 =	simm.s32 $0x0;
	[sflag:s14] =	ssyncadd.s32 $0xFFFFC000  }
0x1f: {  	[spmem:s1] =	stream.indirect.scatter.add.f32 [tilespmem:s12], [sflag:$0x1], $0x80, s30, s15, $0xb8;
	[tilespmem:$0x19000] =	vst v63  }
0x20: {  	_ =	swait.ge [sflag:s16], $0x4000  }
0x21: {  	[sflag:s16] =	ssyncset.done $0x0  }
0x22: {  	s31 =	simm.s32 $0x80;
	[sflag:s16] =	ssyncadd.s32 $0xFFFFC000  }
0x23: {  	[spmem:s1] =	stream.indirect.scatter.add.f32 [tilespmem:s13], [sflag:$0x2], $0x80, s31, s15, $0xb8;
	[tilespmem:$0x19000] =	vst v63  }
0x24: {  	_ =	swait.ge [sflag:s14], $0x4000  }
0x25: {  	[sflag:s14] =	ssyncset.done $0x0  }
0x26: {  	[sflag:s14] =	ssyncadd.s32 $0xFFFFC000  }
0x27: {  	s20 =	simm.s32 $0x800;
	_ =	swait.ge [sflag:s16], $0x4000  }
0x28: {  	s19 =	sadd.s32 $0x1000, s8;
	s18 =	simm.s32 $0x400;
	[sflag:s16] =	ssyncset.done $0x0  }
.LBB2_2:
0x29: {  	p0 =	sne.s32 s20, $0x3C00;
	s21 =	sadd.s32 $0xFFFFF800, s19;
	[sflag:s16] =	ssyncadd.s32 $0xFFFFC000  }
0x2a: {  	[tilespmem:s12], [sflag:$0x1] =	stream.linear.gather [hbm4b:s21+s3], $0x4000, $0x38;
	[tilespmem:$0x19000] =	vst v63  }
0x2b: {  	s21 =	smov.u32 s20;
	s20 =	sadd.s32 $0x400, s20  }
0x2c: {  	[tilespmem:s13], [sflag:$0x2] =	stream.linear.gather [hbm4b:s19+s3], $0x4000, $0x38;
	[tilespmem:$0x19000] =	vst v63  }
0x2d: {  	_ =	swait.ge [sflag:s14], $0x4000  }
0x2e: {  	[sflag:s14] =	ssyncset.done $0x0  }
0x2f: {  	s22 =	sshra.s32 s18, $0x2;
	s18 =	smov.u32 s21;
	[sflag:s14] =	ssyncadd.s32 $0xFFFFC000  }
0x30: {  	[spmem:s1] =	stream.indirect.scatter.add.f32 [tilespmem:s12], [sflag:$0x1], $0x80, s22, s15, $0xb8;
	[tilespmem:$0x19000] =	vst v63  }
0x31: {  	_ =	swait.ge [sflag:s16], $0x4000  }
0x32: {  	[sflag:s16] =	ssyncset.done $0x0  }
0x33: {  	s21 =	sadd.s32 $0x80, s22;
	[sflag:s16] =	ssyncadd.s32 $0xFFFFC000  }
0x34: {  	[spmem:s1] =	stream.indirect.scatter.add.f32 [tilespmem:s13], [sflag:$0x2], $0x80, s21, s15, $0xb8;
	[tilespmem:$0x19000] =	vst v63  }
.Ltmp0:
0x35: {  	_ =	swait.ge [sflag:s14], $0x4000;
	(pc) =	sbr.rel @p0 .LBB2_2-.Ltmp0, $4  }
0x36: {  	[sflag:s14] =	ssyncset.done $0x0  }
0x37: {  	[sflag:s14] =	ssyncadd.s32 $0xFFFFC000  }
0x38: {  	_ =	swait.ge [sflag:s16], $0x4000  }
0x39: {  	s19 =	sadd.s32 $0x1000, s19;
	[sflag:s16] =	ssyncset.done $0x0  }
0x3a: {  	s20 =	sadd.s32 $0xFFFFF800, s19;
	[sflag:s16] =	ssyncadd.s32 $0xFFFFC000  }
0x3b: {  	[tilespmem:s12], [sflag:$0x1] =	stream.linear.gather [hbm4b:s20+s3], $0x4000, $0x38;
	[tilespmem:$0x19000] =	vst v63  }
0x3c: {  	_ = 	snop  }
0x3d: {  	[tilespmem:s13], [sflag:$0x2] =	stream.linear.gather [hbm4b:s19+s3], $0x4000, $0x38;
	[tilespmem:$0x19000] =	vst v63  }
0x3e: {  	_ =	swait.ge [sflag:s14], $0x4000  }
0x3f: {  	[sflag:s14] =	ssyncset.done $0x0  }
0x40: {  	s18 =	sshra.s32 s18, $0x2;
	[sflag:s14] =	ssyncadd.s32 $0xFFFFC000  }
0x41: {  	[spmem:s1] =	stream.indirect.scatter.add.f32 [tilespmem:s12], [sflag:$0x1], $0x80, s18, s15, $0xb8;
	[tilespmem:$0x19000] =	vst v63  }
0x42: {  	_ =	swait.ge [sflag:s16], $0x4000  }
0x43: {  	[sflag:s16] =	ssyncset.done $0x0  }
0x44: {  	s18 =	sadd.s32 $0x80, s18;
	[sflag:s16] =	ssyncadd.s32 $0xFFFFC000  }
0x45: {  	[spmem:s1] =	stream.indirect.scatter.add.f32 [tilespmem:s13], [sflag:$0x2], $0x80, s18, s15, $0xb8;
	[tilespmem:$0x19000] =	vst v63  }
0x46: {  	_ =	swait.ge [sflag:s14], $0x4000  }
0x47: {  	[sflag:s14] =	ssyncset.done $0x0  }
0x48: {  	[sflag:s14] =	ssyncadd.s32 $0xFFFFC000  }
0x49: {  	_ =	swait.ge [sflag:s16], $0x4000  }
0x4a: {  	s17 =	sadd.s32 $0x1, s17;
	[sflag:s16] =	ssyncset.done $0x0  }
0x4b: {  	p0 =	sne.s32 s17, s7;
	[sflag:s16] =	ssyncadd.s32 $0xFFFFC000  }
.Ltmp1:
0x4c: {  	[bflag:$0x0] =	sbarrier.arrive $0xFFFF;
	(pc) =	sbr.rel @p0 .LBB2_1-.Ltmp1, $4  }
0x4d: {  	[hbm:s6], [sflag:s10] =	dma.local [spmem:s11], $0x2000  }
0x4e: {  	_ =	swait.ge [sflag:s9], $0x2000  }
0x4f: {  	[sflag:s9] =	ssyncset.done $0x0  }
0x50: {  	[sflag:s9] =	ssyncadd.s32 $0xFFFFE000  }
0x51: {  	_ =	sfence.sel $0x180000  }
0x52: {  	[bflag:$0x0] =	sbarrier.arrive $0xFFFF  }
0x53: {  	p0 =	sne.s32 s2, $0x0;
	_ =	strace $0x9000004A  }
0x54: {  	s0 =	sadd.s32 @!p0 $0x100000, s0;
	[bflag:$0x2] =	sbarrier.arrive $0xFFFF  }
0x55: {  	[sflag:s0] =	ssyncadd.tile.s32 @!p0 $0x1;
	_ =	shalt  }
.Lfunc_end2:
_tile_overlayer_lowered:
.L_overlay_start_2:
0x56: {  	(tag) =	ssettag $0x2  }
0x57: {  	s0 =	rddreg [dreg:$0x0];
	s2 =	stileid.u32  }
0x58: {  	s1 =	rddreg [dreg:$0x1];
	p0 =	sne.s32 s2, $0x0  }
0x59: {  	s3 =	rddreg [dreg:$0x2];
	[bflag:$0x3] =	sbarrier.arrive $0xFFFF;
	s2 =	simm.s32 @!p0 $0x1C03  }
0x5a: {  	[timem:s3], [sflag:s2] =	dma.local @!p0 [hbm:s0], s1  }
0x5b: {  	s0 =	simm.s32 @!p0 $0x3  }
0x5c: {  	_ =	swait.ge @!p0 [sflag:s0], s1  }
0x5d: {  	s1 =	ssub.s32 @!p0 $0x0, s1;
	[sflag:s0] =	ssyncset.done @!p0 $0x0  }
0x5e: {  	[sflag:s0] =	ssyncadd.s32 @!p0 s1  }
0x5f: {  	[bflag:$0x3] =	sbarrier.arrive $0xFFFF  }
0x60: {  	_ =	shalt  }

// kernel: kernel.22.cloned.1.call-start
scs
__scs_entry_jumppad:
0x0: {  	(pc) =	sbr.rel $0x88, $3  }
0x1: {  	(tag) =	ssettag $0x0;
	lr =	simm.s32 $0x1  }
0x2: {  	[smem:$0x3F68] =	sst lr;
	_ =	strace $0xD0000000  }
0x3: {  	_ = 	snop  }
0x4: {  	_ = 	snop  }
0x5: {  	_ = 	snop  }
0x6: {  	_ = 	snop  }
0x7: {  	_ = 	snop  }
__scs_overlays_trampoline_lowered:
0x8: {  	[smem:$0x3F77] =	sst s0  }
0x9: {  	[smem:$0x3F78] =	sst s1  }
0xa: {  	[smem:$0x3F79] =	sst s2  }
0xb: {  	[smem:$0x3F7A] =	sst s3  }
0xc: {  	[smem:$0x3F7B] =	sst s4  }
0xd: {  	[smem:$0x3F7C] =	sst s5  }
0xe: {  	[smem:$0x3F7D] =	sst s6  }
0xf: {  	[smem:$0x3F7E] =	sst s7  }
0x10: {  	[smem:$0x3F7F] =	sst s8  }
0x11: {  	[smem:$0x3F80] =	sst s9;
	s0 =	simm.s32 @!p0 $0x0  }
0x12: {  	s1 =	sld [smem:$0x3F66];
	s0 =	simm.s32 @p0 $0x1  }
0x13: {  	[smem:$0x3F81] =	sst s0;
	s0 =	simm.s32 @!p1 $0x0  }
0x14: {  	s2 =	sld [smem:$0x3F65];
	s0 =	simm.s32 @p1 $0x1  }
0x15: {  	[smem:$0x3F82] =	sst s0;
	s0 =	simm.s32 @!p2 $0x0  }
0x16: {  	s3 =	sld [smem:$0x3FDB];
	s0 =	simm.s32 @p2 $0x1  }
0x17: {  	s4 =	simm.s32 $0x1BF5;
	[smem:$0x3F84] =	sst s0  }
0x18: {  	s0 =	sld [smem:$0x3F67];
	_ =	swait.ge [sflag:s4], $0x0  }
0x19: {  	s7 =	sld [smem:$0x3F68]  }
0x1a: {  	s8 =	sadd.s32 $0xFFFFE003, lr  }
0x1b: {  	s9 =	sadd.s32 $0xFFFFFEF7, lr;
	s5 =	simm.s32 $0xFFFFFFFF;
	p2 =	slt.u32 s8, $0xFFFFF086  }
0x1c: {  	p1 =	slt.u32 s9, $0xF7A;
	s5 =	simm.s32 @!p2 $0x0  }
0x1d: {  	s5 =	simm.s32 @p1 $0x1;
	p0 =	seq.s32 s7, s2  }
0x1e: {  	s7 =	smul.u32 @!p0 $0xF7A, s2;
	p2 =	seq.s32 @!p0 s5, $0x0  }
0x1f: {  	s9 =	smul.u32 $0xF7A, s1;
	s8 =	simm.s32 @!p0 $0x1BF5;
	p2 =	por !p2, p0  }
0x20: {  	[sflag:s8] =	ssyncset.s32 @!p0 $0xFFFFF086;
	s6 =	sadd.s32 @!p0 s3, s7;
	s7 =	simm.s32 @!p0 $0x108  }
0x21: {  	s3 =	sadd.s32 s3, s9;
	s6 =	sadd.s32 @!p0 $0x88, s6;
	s7 =	simm.s32 @p2 $0x1082  }
0x22: {  	[simem:s7], [sflag:s8] =	dma.local @!p0 [hbm:s6], $0xF7A  }
0x23: {  	s9 =	sor.u32 $0xD0000000, s2;
	s6 =	simm.s32 $0x108;
	_ =	swait.ge @!p0 [sflag:s8], $0x0  }
0x24: {  	s3 =	sadd.s32 $0x88, s3;
	s6 =	simm.s32 @!p1 $0x1082;
	[sflag:s4] =	ssyncset.s32 $0xFFFFF086  }
0x25: {  	[simem:s6], [sflag:s4] =	dma.local [hbm:s3], $0xF7A  }
0x26: {  	[smem:$0x3F68] =	sst s1;
	(tag) =	ssettag s2;
	_ =	strace s9  }
0x27: {  	s1 =	sld [smem:$0x3F78]  }
0x28: {  	s2 =	sld [smem:$0x3F79]  }
0x29: {  	s4 =	sld [smem:$0x3F7B]  }
0x2a: {  	p0 =	seq.s32 s5, $0x0;
	s5 =	sld [smem:$0x3F7C]  }
0x2b: {  	s6 =	sld [smem:$0x3F7D]  }
0x2c: {  	s7 =	sld [smem:$0x3F7E]  }
0x2d: {  	s3 =	simm.s32 $0x108;
	s8 =	sld [smem:$0x3F7F]  }
0x2e: {  	s3 =	simm.s32 @!p0 $0x1082;
	s9 =	sld [smem:$0x3F80]  }
0x2f: {  	lr =	sadd.s32 s0, s3;
	s0 =	sld [smem:$0x3F77]  }
0x30: {  	s3 =	sld [smem:$0x3F7A]  }
0x31: {  	[smem:$0x3F83] =	sst s10  }
0x32: {  	s10 =	sld [smem:$0x3F81];
	_ =	sdelay $0x3  }
0x33: {  	p0 =	seq.s32 s10, $0x1;
	s10 =	sld [smem:$0x3F83];
	_ =	sdelay $0x3  }
0x34: {  	[smem:$0x3F83] =	sst s10  }
0x35: {  	s10 =	sld [smem:$0x3F82];
	_ =	sdelay $0x3  }
0x36: {  	p1 =	seq.s32 s10, $0x1;
	s10 =	sld [smem:$0x3F83];
	_ =	sdelay $0x3  }
0x37: {  	[smem:$0x3F83] =	sst s10  }
0x38: {  	s10 =	sld [smem:$0x3F84]  }
0x39: {  	_ = 	snop;
	(pc) =	sbr.ind lr, $3  }
0x3a: {  	_ = 	snop  }
0x3b: {  	_ = 	snop  }
0x3c: {  	p2 =	seq.s32 s10, $0x1;
	s10 =	sld [smem:$0x3F83]  }
0x3d: {  	_ =	shalt  }
0x3e: {  	_ =	shalt  }
0x3f: {  	_ =	shalt  }
0x40: {  	_ =	shalt  }
0x41: {  	_ =	shalt  }
0x42: {  	_ =	shalt  }
0x43: {  	_ =	shalt  }
0x44: {  	_ =	shalt  }
0x45: {  	_ =	shalt  }
0x46: {  	_ =	shalt  }
0x47: {  	_ =	shalt  }
0x48: {  	_ =	shalt  }
0x49: {  	_ =	shalt  }
0x4a: {  	_ =	shalt  }
0x4b: {  	_ =	shalt  }
0x4c: {  	_ =	shalt  }
0x4d: {  	_ =	shalt  }
0x4e: {  	_ =	shalt  }
0x4f: {  	_ =	shalt  }
0x50: {  	_ =	shalt  }
0x51: {  	_ =	shalt  }
0x52: {  	_ =	shalt  }
0x53: {  	_ =	shalt  }
0x54: {  	_ =	shalt  }
0x55: {  	_ =	shalt  }
0x56: {  	_ =	shalt  }
0x57: {  	_ =	shalt  }
0x58: {  	_ =	shalt  }
0x59: {  	_ =	shalt  }
0x5a: {  	_ =	shalt  }
0x5b: {  	_ =	shalt  }
0x5c: {  	_ =	shalt  }
0x5d: {  	_ =	shalt  }
0x5e: {  	_ =	shalt  }
0x5f: {  	_ =	shalt  }
0x60: {  	_ =	shalt  }
0x61: {  	_ =	shalt  }
0x62: {  	_ =	shalt  }
0x63: {  	_ =	shalt  }
0x64: {  	_ =	shalt  }
0x65: {  	_ =	shalt  }
0x66: {  	_ =	shalt  }
0x67: {  	_ =	shalt  }
0x68: {  	_ =	shalt  }
0x69: {  	_ =	shalt  }
0x6a: {  	_ =	shalt  }
0x6b: {  	_ =	shalt  }
0x6c: {  	_ =	shalt  }
0x6d: {  	_ =	shalt  }
0x6e: {  	_ =	shalt  }
0x6f: {  	_ =	shalt  }
0x70: {  	_ =	shalt  }
0x71: {  	_ =	shalt  }
0x72: {  	_ =	shalt  }
0x73: {  	_ =	shalt  }
0x74: {  	_ =	shalt  }
0x75: {  	_ =	shalt  }
0x76: {  	_ =	shalt  }
0x77: {  	_ =	shalt  }
0x78: {  	_ =	shalt  }
0x79: {  	_ =	shalt  }
0x7a: {  	_ =	shalt  }
0x7b: {  	_ =	shalt  }
0x7c: {  	_ =	shalt  }
0x7d: {  	_ =	shalt  }
0x7e: {  	_ =	shalt  }
0x7f: {  	_ =	shalt  }
0x80: {  	_ =	shalt  }
0x81: {  	_ =	shalt  }
0x82: {  	_ =	shalt  }
0x83: {  	_ =	shalt  }
0x84: {  	_ =	shalt  }
0x85: {  	_ =	shalt  }
0x86: {  	_ =	shalt  }
0x87: {  	_ =	shalt  }
.Lfunc_end0:
.L_simem_size_0:
called_computation.2_lowered:
.L_overlay_start_0:
0x88: {  	s2 =	sld [smem:$0x3FD9]  }
0x89: {  	s3 =	sld [smem:$0x3FFE];
	_ =	sdelay $0x1  }
0x8a: {  	s1 =	srdreg.scid  }
0x8b: {  	s0 =	sand.u32 $0x1, s1  }
0x8c: {  	s16 =	sshll.u32 s0, $0xA;
	s2 =	sadd.s32 s3, s2  }
0x8d: {  	s2 =	sadd.s32 s2, s16  }
0x8e: {  	[smem:$0x3F8F] =	sst s2  }
0x8f: {  	_ = 	snop  }
0x90: {  	(tm) =	ssettm $0x1  }
0x91: {  	s17 =	sld [smem:$0x3FFB];
	_ =	sdelay $0x3  }
0x92: {  	_ =	strace s17  }
0x93: {  	s2 =	sld [smem:$0x3FFC];
	_ =	sdelay $0x3  }
0x94: {  	_ =	strace s2  }
0x95: {  	s2 =	sld [smem:$0x3FFD];
	_ =	sdelay $0x3  }
0x96: {  	_ =	strace s2  }
0x97: {  	_ =	strace $0x8FFFFFFF  }
0x98: {  	s18 =	sld [smem:$0x3FDB];
	_ =	sdelay $0x1  }
0x99: {  	s19 =	simm.s32 $_scs_section_size  }
0x9a: {  	s4 =	simm.s32 $_size__tile_overlayer_lowered;
	s5 =	simm.s32 $_tile_overlayer_lowered  }
0x9b: {  	s22 =	simm.s32 $0x1BFF;
	s21 =	sshll.u32 s5, $0x1;
	s2 =	sadd.s32 s19, s18  }
0x9c: {  	s6 =	simm.s32 $0x0;
	s20 =	sshll.u32 s4, $0x1;
	s4 =	sadd.s32 s21, s2  }
0x9d: {  	[timem:s6], [sflag:s22] =	dma.local [hbm:s4], s20  }
0x9e: {  	_ =	swait.ge [sflag:s22], s20  }
0x9f: {  	s3 =	ssub.s32 $0x0, s20;
	[sflag:s22] =	ssyncset.done $0x0  }
0xa0: {  	[sflag:s22] =	ssyncadd.s32 s3;
	_ =	sdelay $0x1  }
0xa1: {  	s23 =	simm.s32 $0x1B8B  }
0xa2: {  	_ =	swait.ge [sflag:s23], $0x1  }
0xa3: {  	[sflag:s23] =	ssyncset.done $0x0  }
0xa4: {  	s25 =	simm.s32 $0x1B8E;
	s24 =	sld [smem:$0x3FFE];
	[sflag:s23] =	ssyncadd.s32 $0xFFFFFFFF  }
0xa5: {  	s26 =	simm.s32 $execute0_lowered;
	[smem:$0x3FD2] =	sst s25  }
0xa6: {  	s4 =	sshll.u32 s26, $0x1;
	_ =	strace $0x8000004C;
	[dreg:$0x1] =	wrdreg $0xFFFFFFFF  }
0xa7: {  	s28 =	simm.s32 $_size_execute0_lowered;
	s2 =	sadd.s32 s2, s4;
	[dreg:$0x0] =	wrdreg $0x0  }
0xa8: {  	s4 =	sshll.u32 s28, $0x1;
	[dreg:$0x2] =	wrdreg s2  }
0xa9: {  	[dreg:$0x3] =	wrdreg s4  }
0xaa: {  	[dreg:$0x4] =	wrdreg $0xC0  }
0xab: {  	_ =	task [dreg:s6], $0x5FFFF  }
0xac: {  	[dreg:$0x1] =	wrdreg $0xFFFFFFFF  }
0xad: {  	[dreg:$0x0] =	wrdreg $0x60  }
0xae: {  	[dreg:$0x2] =	wrdreg s24  }
0xaf: {  	[dreg:$0x3] =	wrdreg $0x20000  }
0xb0: {  	[dreg:$0x4] =	wrdreg $0x9  }
0xb1: {  	_ =	task.clear_ibuf [dreg:s6], $0x5FFFF;
	_ =	strace $0x9000004C  }
0xb2: {  	s29 =	simm.s32 $0x9;
	_ =	strace $0x8000004E  }
0xb3: {  	_ =	swait.ge [sflag:s29], $0x1  }
0xb4: {  	[sflag:s29] =	ssyncadd.s32 $0xFFFFFFFF  }
0xb5: {  	_ =	strace $0x9000004E  }
0xb6: {  	_ =	sfence  }
0xb7: {  	s30 =	sld [smem:$0x0];
	_ =	sdelay $0x2  }
0xb8: {  	s31 =	sshll.u32 s1, $0xD;
	s1 =	sshrl.u32 s1, $0x2  }
0xb9: {  	s3 =	sand.u32 $0x4000, s31;
	s1 =	sadd.s32 s1, s30  }
0xba: {  	s0 =	sor.u32 s3, s0;
	s1 =	sshll.u32 s1, $0x11  }
0xbb: {  	s0 =	sor.u32 s1, s0  }
0xbc: {  	s0 =	sadd.s32 $0x8F2B, s0  }
0xbd: {  	[sflag:s0] =	ssyncadd.remote.s32 $0x1  }
0xbe: {  	_ =	sfence.sel $0xFFFF  }
0xbf: {  	[dreg:$0x0] =	wrdreg $0xFFFFFFFF;
	(pc) =	sbr.abs _section_cstart, $3  }
0xc0: {  	[dreg:$0x1] =	wrdreg $0xFFFFFFFF  }
0xc1: {  	_ =	task.clear_ibuf [dreg:s6], $0x2FFFF;
	_ =	strace $0x9FFFFFFF  }
0xc2: {  	(tm) =	ssettm $0x7FFFFFFF  }
0xc3: {  	_ =	shalt  }
tec
execute0_lowered:
.L_overlay_start_1:
0x0: {  	(tag) =	ssettag $0x1  }
0x1: {  	s4 =	rddreg [dreg:$0x0]  }
0x2: {  	s2 =	rddreg [dreg:$0x1]  }
0x3: {  	s0 =	rddreg [dreg:$0x2];
	s3 =	simm.s32 $0x0;
	s1 =	stileid.u32  }
0x4: {  	s6 =	srdreg.scid;
	s16 =	simm.s32 $0x16000;
	s17 =	simm.s32 $0x1A000  }
0x5: {  	s18 =	simm.s32 $0x1;
	s19 =	simm.s32 $0x2;
	s20 =	simm.s32 $0x0  }
0x6: {  	[smem:$0x7FF] =	sst s3;
	s5 =	smul.u32 $0x2800, s1;
	s7 =	sshll.u32 s1, $0xD  }
0x7: {  	s8 =	sand.u32 $0x1, s6;
	s9 =	sshll.u32 s1, $0xA;
	s11 =	smul.u32 $0x50000, s1  }
0x8: {  	s12 =	sadd.s32 $0x87EA00, s4;
	s26 =	sshll.u32 s1, $0x10;
	s28 =	sshll.u32 s1, $0x14  }
0x9: {  	_ =	strace $0x8000004D;
	s7 =	sadd.s32 s7, s4;
	s6 =	ssub.s32 $0x2, s8  }
0xa: {  	s9 =	sadd.s32 s9, s4;
	p0 =	seq.s32 s8, $0x1;
	s8 =	sshll.u32 s8, $0x18  }
0xb: {  	s13 =	sadd.s32 s26, s2;
	s5 =	sadd.s32 s5, s4;
	s10 =	sshrl.u32 s6, $0x1  }
0xc: {  	s4 =	sadd.s32 $0x86A00, s9;
	s25 =	sshrl.u32 s11, $0x2;
	s7 =	sadd.s32 $0x28EC00, s7  }
0xd: {  	s29 =	sor.u32 s28, s8;
	s15 =	sshll.u32 @!p0 s1, $0x6;
	s10 =	ssub.s32 s6, s10  }
0xe: {  	s14 =	sadd.s32 s25, s2;
	s5 =	sadd.s32 $0x32A00, s5;
	s6 =	sadd.s32 $0x28AC00, s9  }
0xf: {  	s30 =	sshrl.u32 s29, $0x3;
	s11 =	sor.u32 $0x4000, s29;
	s8 =	smax.u32 s10, $0x1  }
0x10: {  	s9 =	sadd.s32 s30, s12;
	s31 =	sshrl.u32 s11, $0x3;
	s11 =	sshll.u32 @p0 s1, $0x6  }
0x11: {  	s14 =	sshrl.u32 @!p0 s14, $0x3;
	s10 =	sadd.s32 s31, s12;
	s11 =	sor.u32 @p0 $0x1C03, s11  }
0x12: {  	s12 =	sshrl.u32 @p0 s13, $0x3;
	s13 =	sor.u32 @!p0 $0x1C03, s15;
	s15 =	simm.s32 $0x80  }
.LBB2_1:
0x13: {  	s21 =	simm.s32 @p0 $0x0  }
0x14: {  	[tilespmem:s21], [sflag:$0x3] =	stream.linear.gather @p0 [hbm4b:s6+s21], $0x2000, $0x38;
	[tilespmem:$0x1E000] =	vst v63  }
0x15: {  	s21 =	simm.s32 @p0 $0x3  }
0x16: {  	_ =	swait.ge @p0 [sflag:s21], $0x2000  }
0x17: {  	[sflag:s21] =	ssyncset.done @p0 $0x0  }
0x18: {  	[sflag:s21] =	ssyncadd.s32 @p0 $0xFFFFE000  }
0x19: {  	[spmem:s12], [sflag:s11] =	dma.local @p0 [hbm:s7], $0x2000  }
0x1a: {  	_ =	swait.ge @p0 [sflag:s21], $0x2000  }
0x1b: {  	[sflag:s21] =	ssyncset.done @p0 $0x0  }
0x1c: {  	[sflag:s21] =	ssyncadd.s32 @p0 $0xFFFFE000;
	s21 =	simm.s32 @!p0 $0x0  }
0x1d: {  	[tilespmem:s21], [sflag:$0x3] =	stream.linear.gather @!p0 [hbm4b:s4+s21], $0x2000, $0x38;
	[tilespmem:$0x1E000] =	vst v63  }
0x1e: {  	s21 =	simm.s32 @!p0 $0x3  }
0x1f: {  	_ =	swait.ge @!p0 [sflag:s21], $0x2000  }
0x20: {  	[sflag:s21] =	ssyncset.done @!p0 $0x0  }
0x21: {  	[sflag:s21] =	ssyncadd.s32 @!p0 $0xFFFFE000  }
0x22: {  	[spmem:s14], [sflag:s13] =	dma.local @!p0 [hbm:s5], $0x2800  }
0x23: {  	_ =	swait.ge @!p0 [sflag:s21], $0x2800  }
0x24: {  	[sflag:s21] =	ssyncset.done @!p0 $0x0  }
0x25: {  	[sflag:s21] =	ssyncadd.s32 @!p0 $0xFFFFD800  }
0x26: {  	[bflag:$0x0] =	sbarrier.arrive $0xFFFF  }
0x27: {  	[tilespmem:s16], [sflag:$0x1] =	stream.indirect.gather [spmem:s2], $0x80, s3, s15, $0xb8;
	[tilespmem:$0x1E000] =	vst v63  }
0x28: {  	s29 =	simm.s32 $0x80  }
0x29: {  	[tilespmem:s17], [sflag:$0x2] =	stream.indirect.gather [spmem:s2], $0x80, s29, s15, $0xb8;
	[tilespmem:$0x1E000] =	vst v63  }
0x2a: {  	_ =	swait.ge [sflag:s18], $0x4000  }
0x2b: {  	[sflag:s18] =	ssyncset.done $0x0  }
0x2c: {  	s30 =	sadd.s32 $0x0, s9;
	[sflag:s18] =	ssyncadd.s32 $0xFFFFC000  }
0x2d: {  	[hbm4b:s30+s3] =	stream.linear.scatter [tilespmem:s16], [sflag:$0x1], $0x4000, $0x38;
	[tilespmem:$0x1E000] =	vst v63  }
0x2e: {  	_ =	swait.ge [sflag:s19], $0x4000  }
0x2f: {  	[sflag:s19] =	ssyncset.done $0x0  }
0x30: {  	s31 =	sadd.s32 $0x0, s10;
	[sflag:s19] =	ssyncadd.s32 $0xFFFFC000  }
0x31: {  	[hbm4b:s31+s3] =	stream.linear.scatter [tilespmem:s17], [sflag:$0x2], $0x4000, $0x38;
	[tilespmem:$0x1E000] =	vst v63  }
0x32: {  	_ =	swait.ge [sflag:s18], $0x4000  }
0x33: {  	[sflag:s18] =	ssyncset.done $0x0  }
0x34: {  	[sflag:s18] =	ssyncadd.s32 $0xFFFFC000  }
0x35: {  	_ =	swait.ge [sflag:s19], $0x4000  }
0x36: {  	s22 =	simm.s32 $0x0;
	s21 =	simm.s32 $0x1000;
	[sflag:s19] =	ssyncset.done $0x0  }
.LBB2_2:
0x37: {  	p1 =	sne.s32 s21, $0x1F000;
	[sflag:s19] =	ssyncadd.s32 $0xFFFFC000;
	s22 =	sadd.s32 $0x100, s22  }
0x38: {  	[tilespmem:s16], [sflag:$0x1] =	stream.indirect.gather [spmem:s2], $0x80, s22, s15, $0xb8;
	[tilespmem:$0x1E000] =	vst v63  }
0x39: {  	s24 =	smov.u32 s21;
	s21 =	sadd.s32 $0x1000, s21;
	s23 =	sadd.s32 $0x80, s22  }
0x3a: {  	[tilespmem:s17], [sflag:$0x2] =	stream.indirect.gather [spmem:s2], $0x80, s23, s15, $0xb8;
	[tilespmem:$0x1E000] =	vst v63  }
0x3b: {  	_ =	swait.ge [sflag:s18], $0x4000  }
0x3c: {  	[sflag:s18] =	ssyncset.done $0x0  }
0x3d: {  	s23 =	sadd.s32 s24, s9;
	[sflag:s18] =	ssyncadd.s32 $0xFFFFC000  }
0x3e: {  	[hbm4b:s23+s3] =	stream.linear.scatter [tilespmem:s16], [sflag:$0x1], $0x4000, $0x38;
	[tilespmem:$0x1E000] =	vst v63  }
0x3f: {  	_ =	swait.ge [sflag:s19], $0x4000  }
0x40: {  	[sflag:s19] =	ssyncset.done $0x0  }
0x41: {  	s23 =	sadd.s32 s24, s10;
	[sflag:s19] =	ssyncadd.s32 $0xFFFFC000  }
0x42: {  	[hbm4b:s23+s3] =	stream.linear.scatter [tilespmem:s17], [sflag:$0x2], $0x4000, $0x38;
	[tilespmem:$0x1E000] =	vst v63  }
.Ltmp0:
0x43: {  	_ =	swait.ge [sflag:s18], $0x4000;
	(pc) =	sbr.rel @p1 .LBB2_2-.Ltmp0, $4  }
0x44: {  	[sflag:s18] =	ssyncset.done $0x0  }
0x45: {  	[sflag:s18] =	ssyncadd.s32 $0xFFFFC000  }
0x46: {  	_ =	swait.ge [sflag:s19], $0x4000  }
0x47: {  	[sflag:s19] =	ssyncset.done $0x0  }
0x48: {  	s20 =	sadd.s32 $0x1, s20  }
0x49: {  	p1 =	sne.s32 s20, s8  }
.Ltmp1:
0x4a: {  	_ = 	snop;
	(pc) =	sbr.rel @p1 .LBB2_1-.Ltmp1, $2  }
0x4b: {  	_ =	sdelay $0x2  }
0x4c: {  	[sflag:s19] =	ssyncadd.s32 $0xFFFFC000  }
0x4d: {  	_ =	sfence.sel $0x180000  }
0x4e: {  	[bflag:$0x0] =	sbarrier.arrive $0xFFFF  }
0x4f: {  	p0 =	sne.s32 s1, $0x0;
	_ =	strace $0x9000004D  }
0x50: {  	s0 =	sadd.s32 @!p0 $0x100000, s0;
	[bflag:$0x2] =	sbarrier.arrive $0xFFFF  }
0x51: {  	[sflag:s0] =	ssyncadd.tile.s32 @!p0 $0x1;
	_ =	shalt  }
.Lfunc_end2:
_tile_overlayer_lowered:
.L_overlay_start_2:
0x52: {  	(tag) =	ssettag $0x2  }
0x53: {  	s0 =	rddreg [dreg:$0x0];
	s2 =	stileid.u32  }
0x54: {  	s1 =	rddreg [dreg:$0x1];
	p0 =	sne.s32 s2, $0x0  }
0x55: {  	s3 =	rddreg [dreg:$0x2];
	[bflag:$0x3] =	sbarrier.arrive $0xFFFF;
	s2 =	simm.s32 @!p0 $0x1C03  }
0x56: {  	[timem:s3], [sflag:s2] =	dma.local @!p0 [hbm:s0], s1  }
0x57: {  	s0 =	simm.s32 @!p0 $0x3  }
0x58: {  	_ =	swait.ge @!p0 [sflag:s0], s1  }
0x59: {  	s1 =	ssub.s32 @!p0 $0x0, s1;
	[sflag:s0] =	ssyncset.done @!p0 $0x0  }
0x5a: {  	[sflag:s0] =	ssyncadd.s32 @!p0 s1  }
0x5b: {  	[bflag:$0x3] =	sbarrier.arrive $0xFFFF  }
0x5c: {  	_ =	shalt  }

// kernel: kernel.25.cloned.1.call-start
scs
__scs_entry_jumppad:
0x0: {  	(pc) =	sbr.rel $0x88, $3  }
0x1: {  	(tag) =	ssettag $0x0;
	lr =	simm.s32 $0x1  }
0x2: {  	[smem:$0x3F68] =	sst lr;
	_ =	strace $0xD0000000  }
0x3: {  	_ = 	snop  }
0x4: {  	_ = 	snop  }
0x5: {  	_ = 	snop  }
0x6: {  	_ = 	snop  }
0x7: {  	_ = 	snop  }
__scs_overlays_trampoline_lowered:
0x8: {  	[smem:$0x3F77] =	sst s0  }
0x9: {  	[smem:$0x3F78] =	sst s1  }
0xa: {  	[smem:$0x3F79] =	sst s2  }
0xb: {  	[smem:$0x3F7A] =	sst s3  }
0xc: {  	[smem:$0x3F7B] =	sst s4  }
0xd: {  	[smem:$0x3F7C] =	sst s5  }
0xe: {  	[smem:$0x3F7D] =	sst s6  }
0xf: {  	[smem:$0x3F7E] =	sst s7  }
0x10: {  	[smem:$0x3F7F] =	sst s8  }
0x11: {  	[smem:$0x3F80] =	sst s9;
	s0 =	simm.s32 @!p0 $0x0  }
0x12: {  	s1 =	sld [smem:$0x3F66];
	s0 =	simm.s32 @p0 $0x1  }
0x13: {  	[smem:$0x3F81] =	sst s0;
	s0 =	simm.s32 @!p1 $0x0  }
0x14: {  	s2 =	sld [smem:$0x3F65];
	s0 =	simm.s32 @p1 $0x1  }
0x15: {  	[smem:$0x3F82] =	sst s0;
	s0 =	simm.s32 @!p2 $0x0  }
0x16: {  	s3 =	sld [smem:$0x3FDB];
	s0 =	simm.s32 @p2 $0x1  }
0x17: {  	s4 =	simm.s32 $0x1BF5;
	[smem:$0x3F84] =	sst s0  }
0x18: {  	s0 =	sld [smem:$0x3F67];
	_ =	swait.ge [sflag:s4], $0x0  }
0x19: {  	s7 =	sld [smem:$0x3F68]  }
0x1a: {  	s8 =	sadd.s32 $0xFFFFE003, lr  }
0x1b: {  	s9 =	sadd.s32 $0xFFFFFEF7, lr;
	s5 =	simm.s32 $0xFFFFFFFF;
	p2 =	slt.u32 s8, $0xFFFFF086  }
0x1c: {  	p1 =	slt.u32 s9, $0xF7A;
	s5 =	simm.s32 @!p2 $0x0  }
0x1d: {  	s5 =	simm.s32 @p1 $0x1;
	p0 =	seq.s32 s7, s2  }
0x1e: {  	s7 =	smul.u32 @!p0 $0xF7A, s2;
	p2 =	seq.s32 @!p0 s5, $0x0  }
0x1f: {  	s9 =	smul.u32 $0xF7A, s1;
	s8 =	simm.s32 @!p0 $0x1BF5;
	p2 =	por !p2, p0  }
0x20: {  	[sflag:s8] =	ssyncset.s32 @!p0 $0xFFFFF086;
	s6 =	sadd.s32 @!p0 s3, s7;
	s7 =	simm.s32 @!p0 $0x108  }
0x21: {  	s3 =	sadd.s32 s3, s9;
	s6 =	sadd.s32 @!p0 $0x88, s6;
	s7 =	simm.s32 @p2 $0x1082  }
0x22: {  	[simem:s7], [sflag:s8] =	dma.local @!p0 [hbm:s6], $0xF7A  }
0x23: {  	s9 =	sor.u32 $0xD0000000, s2;
	s6 =	simm.s32 $0x108;
	_ =	swait.ge @!p0 [sflag:s8], $0x0  }
0x24: {  	s3 =	sadd.s32 $0x88, s3;
	s6 =	simm.s32 @!p1 $0x1082;
	[sflag:s4] =	ssyncset.s32 $0xFFFFF086  }
0x25: {  	[simem:s6], [sflag:s4] =	dma.local [hbm:s3], $0xF7A  }
0x26: {  	[smem:$0x3F68] =	sst s1;
	(tag) =	ssettag s2;
	_ =	strace s9  }
0x27: {  	s1 =	sld [smem:$0x3F78]  }
0x28: {  	s2 =	sld [smem:$0x3F79]  }
0x29: {  	s4 =	sld [smem:$0x3F7B]  }
0x2a: {  	p0 =	seq.s32 s5, $0x0;
	s5 =	sld [smem:$0x3F7C]  }
0x2b: {  	s6 =	sld [smem:$0x3F7D]  }
0x2c: {  	s7 =	sld [smem:$0x3F7E]  }
0x2d: {  	s3 =	simm.s32 $0x108;
	s8 =	sld [smem:$0x3F7F]  }
0x2e: {  	s3 =	simm.s32 @!p0 $0x1082;
	s9 =	sld [smem:$0x3F80]  }
0x2f: {  	lr =	sadd.s32 s0, s3;
	s0 =	sld [smem:$0x3F77]  }
0x30: {  	s3 =	sld [smem:$0x3F7A]  }
0x31: {  	[smem:$0x3F83] =	sst s10  }
0x32: {  	s10 =	sld [smem:$0x3F81];
	_ =	sdelay $0x3  }
0x33: {  	p0 =	seq.s32 s10, $0x1;
	s10 =	sld [smem:$0x3F83];
	_ =	sdelay $0x3  }
0x34: {  	[smem:$0x3F83] =	sst s10  }
0x35: {  	s10 =	sld [smem:$0x3F82];
	_ =	sdelay $0x3  }
0x36: {  	p1 =	seq.s32 s10, $0x1;
	s10 =	sld [smem:$0x3F83];
	_ =	sdelay $0x3  }
0x37: {  	[smem:$0x3F83] =	sst s10  }
0x38: {  	s10 =	sld [smem:$0x3F84]  }
0x39: {  	_ = 	snop;
	(pc) =	sbr.ind lr, $3  }
0x3a: {  	_ = 	snop  }
0x3b: {  	_ = 	snop  }
0x3c: {  	p2 =	seq.s32 s10, $0x1;
	s10 =	sld [smem:$0x3F83]  }
0x3d: {  	_ =	shalt  }
0x3e: {  	_ =	shalt  }
0x3f: {  	_ =	shalt  }
0x40: {  	_ =	shalt  }
0x41: {  	_ =	shalt  }
0x42: {  	_ =	shalt  }
0x43: {  	_ =	shalt  }
0x44: {  	_ =	shalt  }
0x45: {  	_ =	shalt  }
0x46: {  	_ =	shalt  }
0x47: {  	_ =	shalt  }
0x48: {  	_ =	shalt  }
0x49: {  	_ =	shalt  }
0x4a: {  	_ =	shalt  }
0x4b: {  	_ =	shalt  }
0x4c: {  	_ =	shalt  }
0x4d: {  	_ =	shalt  }
0x4e: {  	_ =	shalt  }
0x4f: {  	_ =	shalt  }
0x50: {  	_ =	shalt  }
0x51: {  	_ =	shalt  }
0x52: {  	_ =	shalt  }
0x53: {  	_ =	shalt  }
0x54: {  	_ =	shalt  }
0x55: {  	_ =	shalt  }
0x56: {  	_ =	shalt  }
0x57: {  	_ =	shalt  }
0x58: {  	_ =	shalt  }
0x59: {  	_ =	shalt  }
0x5a: {  	_ =	shalt  }
0x5b: {  	_ =	shalt  }
0x5c: {  	_ =	shalt  }
0x5d: {  	_ =	shalt  }
0x5e: {  	_ =	shalt  }
0x5f: {  	_ =	shalt  }
0x60: {  	_ =	shalt  }
0x61: {  	_ =	shalt  }
0x62: {  	_ =	shalt  }
0x63: {  	_ =	shalt  }
0x64: {  	_ =	shalt  }
0x65: {  	_ =	shalt  }
0x66: {  	_ =	shalt  }
0x67: {  	_ =	shalt  }
0x68: {  	_ =	shalt  }
0x69: {  	_ =	shalt  }
0x6a: {  	_ =	shalt  }
0x6b: {  	_ =	shalt  }
0x6c: {  	_ =	shalt  }
0x6d: {  	_ =	shalt  }
0x6e: {  	_ =	shalt  }
0x6f: {  	_ =	shalt  }
0x70: {  	_ =	shalt  }
0x71: {  	_ =	shalt  }
0x72: {  	_ =	shalt  }
0x73: {  	_ =	shalt  }
0x74: {  	_ =	shalt  }
0x75: {  	_ =	shalt  }
0x76: {  	_ =	shalt  }
0x77: {  	_ =	shalt  }
0x78: {  	_ =	shalt  }
0x79: {  	_ =	shalt  }
0x7a: {  	_ =	shalt  }
0x7b: {  	_ =	shalt  }
0x7c: {  	_ =	shalt  }
0x7d: {  	_ =	shalt  }
0x7e: {  	_ =	shalt  }
0x7f: {  	_ =	shalt  }
0x80: {  	_ =	shalt  }
0x81: {  	_ =	shalt  }
0x82: {  	_ =	shalt  }
0x83: {  	_ =	shalt  }
0x84: {  	_ =	shalt  }
0x85: {  	_ =	shalt  }
0x86: {  	_ =	shalt  }
0x87: {  	_ =	shalt  }
.Lfunc_end0:
.L_simem_size_0:
called_computation.3_lowered:
.L_overlay_start_0:
0x88: {  	s2 =	sld [smem:$0x3FD9]  }
0x89: {  	s3 =	sld [smem:$0x3FFE];
	_ =	sdelay $0x1  }
0x8a: {  	s1 =	srdreg.scid  }
0x8b: {  	s0 =	sand.u32 $0x1, s1  }
0x8c: {  	s16 =	sshll.u32 s0, $0xA;
	s2 =	sadd.s32 s3, s2  }
0x8d: {  	s2 =	sadd.s32 s2, s16  }
0x8e: {  	[smem:$0x3F8F] =	sst s2  }
0x8f: {  	_ = 	snop  }
0x90: {  	(tm) =	ssettm $0x1  }
0x91: {  	s17 =	sld [smem:$0x3FFB];
	_ =	sdelay $0x3  }
0x92: {  	_ =	strace s17  }
0x93: {  	s2 =	sld [smem:$0x3FFC];
	_ =	sdelay $0x3  }
0x94: {  	_ =	strace s2  }
0x95: {  	s2 =	sld [smem:$0x3FFD];
	_ =	sdelay $0x3  }
0x96: {  	_ =	strace s2  }
0x97: {  	_ =	strace $0x8FFFFFFF  }
0x98: {  	s18 =	sld [smem:$0x3FDB];
	_ =	sdelay $0x1  }
0x99: {  	s19 =	simm.s32 $_scs_section_size  }
0x9a: {  	s4 =	simm.s32 $_size__tile_overlayer_lowered;
	s5 =	simm.s32 $_tile_overlayer_lowered  }
0x9b: {  	s22 =	simm.s32 $0x1BFF;
	s21 =	sshll.u32 s5, $0x1;
	s2 =	sadd.s32 s19, s18  }
0x9c: {  	s6 =	simm.s32 $0x0;
	s20 =	sshll.u32 s4, $0x1;
	s4 =	sadd.s32 s21, s2  }
0x9d: {  	[timem:s6], [sflag:s22] =	dma.local [hbm:s4], s20  }
0x9e: {  	_ =	swait.ge [sflag:s22], s20  }
0x9f: {  	s3 =	ssub.s32 $0x0, s20;
	[sflag:s22] =	ssyncset.done $0x0  }
0xa0: {  	[sflag:s22] =	ssyncadd.s32 s3;
	_ =	sdelay $0x1  }
0xa1: {  	s23 =	simm.s32 $0x1B8B  }
0xa2: {  	_ =	swait.ge [sflag:s23], $0x1  }
0xa3: {  	[sflag:s23] =	ssyncset.done $0x0  }
0xa4: {  	s25 =	simm.s32 $0x1B8E;
	s24 =	sld [smem:$0x3FFE];
	[sflag:s23] =	ssyncadd.s32 $0xFFFFFFFF  }
0xa5: {  	s26 =	simm.s32 $execute0_lowered;
	[smem:$0x3FD2] =	sst s25  }
0xa6: {  	s4 =	sshll.u32 s26, $0x1;
	_ =	strace $0x8000004F;
	[dreg:$0x1] =	wrdreg $0xFFFFFFFF  }
0xa7: {  	s28 =	simm.s32 $_size_execute0_lowered;
	s2 =	sadd.s32 s2, s4;
	[dreg:$0x0] =	wrdreg $0x0  }
0xa8: {  	s4 =	sshll.u32 s28, $0x1;
	[dreg:$0x2] =	wrdreg s2  }
0xa9: {  	[dreg:$0x3] =	wrdreg s4  }
0xaa: {  	[dreg:$0x4] =	wrdreg $0xC0  }
0xab: {  	_ =	task [dreg:s6], $0x5FFFF  }
0xac: {  	[dreg:$0x1] =	wrdreg $0xFFFFFFFF  }
0xad: {  	[dreg:$0x0] =	wrdreg $0x60  }
0xae: {  	[dreg:$0x2] =	wrdreg s24  }
0xaf: {  	[dreg:$0x3] =	wrdreg $0x10000  }
0xb0: {  	[dreg:$0x4] =	wrdreg $0x9  }
0xb1: {  	_ =	task.clear_ibuf [dreg:s6], $0x5FFFF;
	_ =	strace $0x9000004F  }
0xb2: {  	s29 =	simm.s32 $0x9;
	_ =	strace $0x80000051  }
0xb3: {  	_ =	swait.ge [sflag:s29], $0x1  }
0xb4: {  	[sflag:s29] =	ssyncadd.s32 $0xFFFFFFFF  }
0xb5: {  	_ =	strace $0x90000051  }
0xb6: {  	_ =	sfence  }
0xb7: {  	s30 =	sld [smem:$0x0];
	_ =	sdelay $0x2  }
0xb8: {  	s31 =	sshll.u32 s1, $0xD;
	s1 =	sshrl.u32 s1, $0x2  }
0xb9: {  	s3 =	sand.u32 $0x4000, s31;
	s1 =	sadd.s32 s1, s30  }
0xba: {  	s0 =	sor.u32 s3, s0;
	s1 =	sshll.u32 s1, $0x11  }
0xbb: {  	s0 =	sor.u32 s1, s0  }
0xbc: {  	s0 =	sadd.s32 $0x8F2B, s0  }
0xbd: {  	[sflag:s0] =	ssyncadd.remote.s32 $0x1  }
0xbe: {  	_ =	sfence.sel $0xFFFF  }
0xbf: {  	[dreg:$0x0] =	wrdreg $0xFFFFFFFF;
	(pc) =	sbr.abs _section_cstart, $3  }
0xc0: {  	[dreg:$0x1] =	wrdreg $0xFFFFFFFF  }
0xc1: {  	_ =	task.clear_ibuf [dreg:s6], $0x2FFFF;
	_ =	strace $0x9FFFFFFF  }
0xc2: {  	(tm) =	ssettm $0x7FFFFFFF  }
0xc3: {  	_ =	shalt  }
tec
execute0_lowered:
.L_overlay_start_1:
0x0: {  	(tag) =	ssettag $0x1  }
0x1: {  	s4 =	rddreg [dreg:$0x0]  }
0x2: {  	s1 =	rddreg [dreg:$0x1]  }
0x3: {  	s0 =	rddreg [dreg:$0x2];
	s3 =	simm.s32 $0x0;
	s5 =	srdreg.scid  }
0x4: {  	s2 =	stileid.u32;
	s12 =	simm.s32 $0x11000;
	s13 =	simm.s32 $0x15000  }
0x5: {  	s14 =	simm.s32 $0x1;
	s15 =	simm.s32 $0x80;
	s16 =	simm.s32 $0x2  }
0x6: {  	s17 =	simm.s32 $0x0;
	[smem:$0x7FF] =	sst s3;
	s5 =	sand.u32 $0x1, s5  }
0x7: {  	s6 =	sshll.u32 s2, $0xD;
	s8 =	sshll.u32 s2, $0x11;
	s26 =	sshll.u32 s2, $0x10  }
0x8: {  	s31 =	sshll.u32 s2, $0x6;
	_ =	strace $0x80000050;
	s7 =	sshll.u32 s5, $0xC  }
0x9: {  	s9 =	ssub.s32 $0x2, s5;
	s8 =	sadd.s32 s8, s4;
	s28 =	sshll.u32 s5, $0x11  }
0xa: {  	s11 =	sadd.s32 s26, s1;
	s30 =	sshll.u32 s5, $0x10;
	s7 =	sor.u32 s7, s6  }
0xb: {  	s10 =	sshrl.u32 s9, $0x1;
	s6 =	sadd.s32 s6, s4;
	s8 =	sadd.s32 s30, s8  }
0xc: {  	s11 =	sshrl.u32 s11, $0x3;
	s7 =	sshrl.u32 s7, $0x3;
	s9 =	ssub.s32 s9, s10  }
0xd: {  	s29 =	sadd.s32 s28, s6;
	s5 =	sadd.s32 $0xAA00, s6;
	s8 =	sadd.s32 $0x8B200, s8  }
0xe: {  	s10 =	sor.u32 $0x1C03, s31;
	s7 =	sadd.s32 s7, s4;
	s6 =	sadd.s32 $0x2CEC00, s29  }
0xf: {  	s4 =	sadd.s32 $0x28AC00, s7;
	s7 =	smax.u32 s9, $0x1;
	s9 =	simm.s32 $0x3  }
.LBB2_1:
0x10: {  	[tilespmem:s3], [sflag:$0x3] =	stream.linear.gather [hbm4b:s4+s3], $0x1000, $0x38;
	[tilespmem:$0x19000] =	vst v63  }
0x11: {  	_ =	swait.ge [sflag:s9], $0x1000  }
0x12: {  	[sflag:s9] =	ssyncset.done $0x0  }
0x13: {  	[sflag:s9] =	ssyncadd.s32 $0xFFFFF000  }
0x14: {  	[spmem:s11], [sflag:s10] =	dma.local [hbm:s5], $0x2000  }
0x15: {  	_ =	swait.ge [sflag:s9], $0x2000  }
0x16: {  	[sflag:s9] =	ssyncset.done $0x0  }
0x17: {  	[sflag:s9] =	ssyncadd.s32 $0xFFFFE000  }
0x18: {  	s18 =	sadd.s32 $0xFFFFF800, s8;
	[bflag:$0x0] =	sbarrier.arrive $0xFFFF  }
0x19: {  	[tilespmem:s12], [sflag:$0x1] =	stream.linear.gather [hbm4b:s18+s3], $0x4000, $0x38;
	[tilespmem:$0x19000] =	vst v63  }
0x1a: {  	_ = 	snop  }
0x1b: {  	[tilespmem:s13], [sflag:$0x2] =	stream.linear.gather [hbm4b:s8+s3], $0x4000, $0x38;
	[tilespmem:$0x19000] =	vst v63  }
0x1c: {  	_ =	swait.ge [sflag:s14], $0x4000  }
0x1d: {  	[sflag:s14] =	ssyncset.done $0x0  }
0x1e: {  	s30 =	simm.s32 $0x0;
	[sflag:s14] =	ssyncadd.s32 $0xFFFFC000  }
0x1f: {  	[spmem:s1] =	stream.indirect.scatter.add.f32 [tilespmem:s12], [sflag:$0x1], $0x80, s30, s15, $0xb8;
	[tilespmem:$0x19000] =	vst v63  }
0x20: {  	_ =	swait.ge [sflag:s16], $0x4000  }
0x21: {  	[sflag:s16] =	ssyncset.done $0x0  }
0x22: {  	s31 =	simm.s32 $0x80;
	[sflag:s16] =	ssyncadd.s32 $0xFFFFC000  }
0x23: {  	[spmem:s1] =	stream.indirect.scatter.add.f32 [tilespmem:s13], [sflag:$0x2], $0x80, s31, s15, $0xb8;
	[tilespmem:$0x19000] =	vst v63  }
0x24: {  	_ =	swait.ge [sflag:s14], $0x4000  }
0x25: {  	[sflag:s14] =	ssyncset.done $0x0  }
0x26: {  	[sflag:s14] =	ssyncadd.s32 $0xFFFFC000  }
0x27: {  	s20 =	simm.s32 $0x800;
	_ =	swait.ge [sflag:s16], $0x4000  }
0x28: {  	s19 =	sadd.s32 $0x1000, s8;
	s18 =	simm.s32 $0x400;
	[sflag:s16] =	ssyncset.done $0x0  }
.LBB2_2:
0x29: {  	p0 =	sne.s32 s20, $0x3C00;
	s21 =	sadd.s32 $0xFFFFF800, s19;
	[sflag:s16] =	ssyncadd.s32 $0xFFFFC000  }
0x2a: {  	[tilespmem:s12], [sflag:$0x1] =	stream.linear.gather [hbm4b:s21+s3], $0x4000, $0x38;
	[tilespmem:$0x19000] =	vst v63  }
0x2b: {  	s21 =	smov.u32 s20;
	s20 =	sadd.s32 $0x400, s20  }
0x2c: {  	[tilespmem:s13], [sflag:$0x2] =	stream.linear.gather [hbm4b:s19+s3], $0x4000, $0x38;
	[tilespmem:$0x19000] =	vst v63  }
0x2d: {  	_ =	swait.ge [sflag:s14], $0x4000  }
0x2e: {  	[sflag:s14] =	ssyncset.done $0x0  }
0x2f: {  	s22 =	sshra.s32 s18, $0x2;
	s18 =	smov.u32 s21;
	[sflag:s14] =	ssyncadd.s32 $0xFFFFC000  }
0x30: {  	[spmem:s1] =	stream.indirect.scatter.add.f32 [tilespmem:s12], [sflag:$0x1], $0x80, s22, s15, $0xb8;
	[tilespmem:$0x19000] =	vst v63  }
0x31: {  	_ =	swait.ge [sflag:s16], $0x4000  }
0x32: {  	[sflag:s16] =	ssyncset.done $0x0  }
0x33: {  	s21 =	sadd.s32 $0x80, s22;
	[sflag:s16] =	ssyncadd.s32 $0xFFFFC000  }
0x34: {  	[spmem:s1] =	stream.indirect.scatter.add.f32 [tilespmem:s13], [sflag:$0x2], $0x80, s21, s15, $0xb8;
	[tilespmem:$0x19000] =	vst v63  }
.Ltmp0:
0x35: {  	_ =	swait.ge [sflag:s14], $0x4000;
	(pc) =	sbr.rel @p0 .LBB2_2-.Ltmp0, $4  }
0x36: {  	[sflag:s14] =	ssyncset.done $0x0  }
0x37: {  	[sflag:s14] =	ssyncadd.s32 $0xFFFFC000  }
0x38: {  	_ =	swait.ge [sflag:s16], $0x4000  }
0x39: {  	s19 =	sadd.s32 $0x1000, s19;
	[sflag:s16] =	ssyncset.done $0x0  }
0x3a: {  	s20 =	sadd.s32 $0xFFFFF800, s19;
	[sflag:s16] =	ssyncadd.s32 $0xFFFFC000  }
0x3b: {  	[tilespmem:s12], [sflag:$0x1] =	stream.linear.gather [hbm4b:s20+s3], $0x4000, $0x38;
	[tilespmem:$0x19000] =	vst v63  }
0x3c: {  	_ = 	snop  }
0x3d: {  	[tilespmem:s13], [sflag:$0x2] =	stream.linear.gather [hbm4b:s19+s3], $0x4000, $0x38;
	[tilespmem:$0x19000] =	vst v63  }
0x3e: {  	_ =	swait.ge [sflag:s14], $0x4000  }
0x3f: {  	[sflag:s14] =	ssyncset.done $0x0  }
0x40: {  	s18 =	sshra.s32 s18, $0x2;
	[sflag:s14] =	ssyncadd.s32 $0xFFFFC000  }
0x41: {  	[spmem:s1] =	stream.indirect.scatter.add.f32 [tilespmem:s12], [sflag:$0x1], $0x80, s18, s15, $0xb8;
	[tilespmem:$0x19000] =	vst v63  }
0x42: {  	_ =	swait.ge [sflag:s16], $0x4000  }
0x43: {  	[sflag:s16] =	ssyncset.done $0x0  }
0x44: {  	s18 =	sadd.s32 $0x80, s18;
	[sflag:s16] =	ssyncadd.s32 $0xFFFFC000  }
0x45: {  	[spmem:s1] =	stream.indirect.scatter.add.f32 [tilespmem:s13], [sflag:$0x2], $0x80, s18, s15, $0xb8;
	[tilespmem:$0x19000] =	vst v63  }
0x46: {  	_ =	swait.ge [sflag:s14], $0x4000  }
0x47: {  	[sflag:s14] =	ssyncset.done $0x0  }
0x48: {  	[sflag:s14] =	ssyncadd.s32 $0xFFFFC000  }
0x49: {  	_ =	swait.ge [sflag:s16], $0x4000  }
0x4a: {  	s17 =	sadd.s32 $0x1, s17;
	[sflag:s16] =	ssyncset.done $0x0  }
0x4b: {  	p0 =	sne.s32 s17, s7;
	[sflag:s16] =	ssyncadd.s32 $0xFFFFC000  }
.Ltmp1:
0x4c: {  	[bflag:$0x0] =	sbarrier.arrive $0xFFFF;
	(pc) =	sbr.rel @p0 .LBB2_1-.Ltmp1, $4  }
0x4d: {  	[hbm:s6], [sflag:s10] =	dma.local [spmem:s11], $0x2000  }
0x4e: {  	_ =	swait.ge [sflag:s9], $0x2000  }
0x4f: {  	[sflag:s9] =	ssyncset.done $0x0  }
0x50: {  	[sflag:s9] =	ssyncadd.s32 $0xFFFFE000  }
0x51: {  	_ =	sfence.sel $0x180000  }
0x52: {  	[bflag:$0x0] =	sbarrier.arrive $0xFFFF  }
0x53: {  	p0 =	sne.s32 s2, $0x0;
	_ =	strace $0x90000050  }
0x54: {  	s0 =	sadd.s32 @!p0 $0x100000, s0;
	[bflag:$0x2] =	sbarrier.arrive $0xFFFF  }
0x55: {  	[sflag:s0] =	ssyncadd.tile.s32 @!p0 $0x1;
	_ =	shalt  }
.Lfunc_end2:
_tile_overlayer_lowered:
.L_overlay_start_2:
0x56: {  	(tag) =	ssettag $0x2  }
0x57: {  	s0 =	rddreg [dreg:$0x0];
	s2 =	stileid.u32  }
0x58: {  	s1 =	rddreg [dreg:$0x1];
	p0 =	sne.s32 s2, $0x0  }
0x59: {  	s3 =	rddreg [dreg:$0x2];
	[bflag:$0x3] =	sbarrier.arrive $0xFFFF;
	s2 =	simm.s32 @!p0 $0x1C03  }
0x5a: {  	[timem:s3], [sflag:s2] =	dma.local @!p0 [hbm:s0], s1  }
0x5b: {  	s0 =	simm.s32 @!p0 $0x3  }
0x5c: {  	_ =	swait.ge @!p0 [sflag:s0], s1  }
0x5d: {  	s1 =	ssub.s32 @!p0 $0x0, s1;
	[sflag:s0] =	ssyncset.done @!p0 $0x0  }
0x5e: {  	[sflag:s0] =	ssyncadd.s32 @!p0 s1  }
0x5f: {  	[bflag:$0x3] =	sbarrier.arrive $0xFFFF  }
0x60: {  	_ =	shalt  }

// kernel: kernel.28.cloned.1.call-start
scs
__scs_entry_jumppad:
0x0: {  	(pc) =	sbr.rel $0x88, $3  }
0x1: {  	(tag) =	ssettag $0x0;
	lr =	simm.s32 $0x1  }
0x2: {  	[smem:$0x3F68] =	sst lr;
	_ =	strace $0xD0000000  }
0x3: {  	_ = 	snop  }
0x4: {  	_ = 	snop  }
0x5: {  	_ = 	snop  }
0x6: {  	_ = 	snop  }
0x7: {  	_ = 	snop  }
__scs_overlays_trampoline_lowered:
0x8: {  	[smem:$0x3F77] =	sst s0  }
0x9: {  	[smem:$0x3F78] =	sst s1  }
0xa: {  	[smem:$0x3F79] =	sst s2  }
0xb: {  	[smem:$0x3F7A] =	sst s3  }
0xc: {  	[smem:$0x3F7B] =	sst s4  }
0xd: {  	[smem:$0x3F7C] =	sst s5  }
0xe: {  	[smem:$0x3F7D] =	sst s6  }
0xf: {  	[smem:$0x3F7E] =	sst s7  }
0x10: {  	[smem:$0x3F7F] =	sst s8  }
0x11: {  	[smem:$0x3F80] =	sst s9;
	s0 =	simm.s32 @!p0 $0x0  }
0x12: {  	s1 =	sld [smem:$0x3F66];
	s0 =	simm.s32 @p0 $0x1  }
0x13: {  	[smem:$0x3F81] =	sst s0;
	s0 =	simm.s32 @!p1 $0x0  }
0x14: {  	s2 =	sld [smem:$0x3F65];
	s0 =	simm.s32 @p1 $0x1  }
0x15: {  	[smem:$0x3F82] =	sst s0;
	s0 =	simm.s32 @!p2 $0x0  }
0x16: {  	s3 =	sld [smem:$0x3FDB];
	s0 =	simm.s32 @p2 $0x1  }
0x17: {  	s4 =	simm.s32 $0x1BF5;
	[smem:$0x3F84] =	sst s0  }
0x18: {  	s0 =	sld [smem:$0x3F67];
	_ =	swait.ge [sflag:s4], $0x0  }
0x19: {  	s7 =	sld [smem:$0x3F68]  }
0x1a: {  	s8 =	sadd.s32 $0xFFFFE003, lr  }
0x1b: {  	s9 =	sadd.s32 $0xFFFFFEF7, lr;
	s5 =	simm.s32 $0xFFFFFFFF;
	p2 =	slt.u32 s8, $0xFFFFF086  }
0x1c: {  	p1 =	slt.u32 s9, $0xF7A;
	s5 =	simm.s32 @!p2 $0x0  }
0x1d: {  	s5 =	simm.s32 @p1 $0x1;
	p0 =	seq.s32 s7, s2  }
0x1e: {  	s7 =	smul.u32 @!p0 $0xF7A, s2;
	p2 =	seq.s32 @!p0 s5, $0x0  }
0x1f: {  	s9 =	smul.u32 $0xF7A, s1;
	s8 =	simm.s32 @!p0 $0x1BF5;
	p2 =	por !p2, p0  }
0x20: {  	[sflag:s8] =	ssyncset.s32 @!p0 $0xFFFFF086;
	s6 =	sadd.s32 @!p0 s3, s7;
	s7 =	simm.s32 @!p0 $0x108  }
0x21: {  	s3 =	sadd.s32 s3, s9;
	s6 =	sadd.s32 @!p0 $0x88, s6;
	s7 =	simm.s32 @p2 $0x1082  }
0x22: {  	[simem:s7], [sflag:s8] =	dma.local @!p0 [hbm:s6], $0xF7A  }
0x23: {  	s9 =	sor.u32 $0xD0000000, s2;
	s6 =	simm.s32 $0x108;
	_ =	swait.ge @!p0 [sflag:s8], $0x0  }
0x24: {  	s3 =	sadd.s32 $0x88, s3;
	s6 =	simm.s32 @!p1 $0x1082;
	[sflag:s4] =	ssyncset.s32 $0xFFFFF086  }
0x25: {  	[simem:s6], [sflag:s4] =	dma.local [hbm:s3], $0xF7A  }
0x26: {  	[smem:$0x3F68] =	sst s1;
	(tag) =	ssettag s2;
	_ =	strace s9  }
0x27: {  	s1 =	sld [smem:$0x3F78]  }
0x28: {  	s2 =	sld [smem:$0x3F79]  }
0x29: {  	s4 =	sld [smem:$0x3F7B]  }
0x2a: {  	p0 =	seq.s32 s5, $0x0;
	s5 =	sld [smem:$0x3F7C]  }
0x2b: {  	s6 =	sld [smem:$0x3F7D]  }
0x2c: {  	s7 =	sld [smem:$0x3F7E]  }
0x2d: {  	s3 =	simm.s32 $0x108;
	s8 =	sld [smem:$0x3F7F]  }
0x2e: {  	s3 =	simm.s32 @!p0 $0x1082;
	s9 =	sld [smem:$0x3F80]  }
0x2f: {  	lr =	sadd.s32 s0, s3;
	s0 =	sld [smem:$0x3F77]  }
0x30: {  	s3 =	sld [smem:$0x3F7A]  }
0x31: {  	[smem:$0x3F83] =	sst s10  }
0x32: {  	s10 =	sld [smem:$0x3F81];
	_ =	sdelay $0x3  }
0x33: {  	p0 =	seq.s32 s10, $0x1;
	s10 =	sld [smem:$0x3F83];
	_ =	sdelay $0x3  }
0x34: {  	[smem:$0x3F83] =	sst s10  }
0x35: {  	s10 =	sld [smem:$0x3F82];
	_ =	sdelay $0x3  }
0x36: {  	p1 =	seq.s32 s10, $0x1;
	s10 =	sld [smem:$0x3F83];
	_ =	sdelay $0x3  }
0x37: {  	[smem:$0x3F83] =	sst s10  }
0x38: {  	s10 =	sld [smem:$0x3F84]  }
0x39: {  	_ = 	snop;
	(pc) =	sbr.ind lr, $3  }
0x3a: {  	_ = 	snop  }
0x3b: {  	_ = 	snop  }
0x3c: {  	p2 =	seq.s32 s10, $0x1;
	s10 =	sld [smem:$0x3F83]  }
0x3d: {  	_ =	shalt  }
0x3e: {  	_ =	shalt  }
0x3f: {  	_ =	shalt  }
0x40: {  	_ =	shalt  }
0x41: {  	_ =	shalt  }
0x42: {  	_ =	shalt  }
0x43: {  	_ =	shalt  }
0x44: {  	_ =	shalt  }
0x45: {  	_ =	shalt  }
0x46: {  	_ =	shalt  }
0x47: {  	_ =	shalt  }
0x48: {  	_ =	shalt  }
0x49: {  	_ =	shalt  }
0x4a: {  	_ =	shalt  }
0x4b: {  	_ =	shalt  }
0x4c: {  	_ =	shalt  }
0x4d: {  	_ =	shalt  }
0x4e: {  	_ =	shalt  }
0x4f: {  	_ =	shalt  }
0x50: {  	_ =	shalt  }
0x51: {  	_ =	shalt  }
0x52: {  	_ =	shalt  }
0x53: {  	_ =	shalt  }
0x54: {  	_ =	shalt  }
0x55: {  	_ =	shalt  }
0x56: {  	_ =	shalt  }
0x57: {  	_ =	shalt  }
0x58: {  	_ =	shalt  }
0x59: {  	_ =	shalt  }
0x5a: {  	_ =	shalt  }
0x5b: {  	_ =	shalt  }
0x5c: {  	_ =	shalt  }
0x5d: {  	_ =	shalt  }
0x5e: {  	_ =	shalt  }
0x5f: {  	_ =	shalt  }
0x60: {  	_ =	shalt  }
0x61: {  	_ =	shalt  }
0x62: {  	_ =	shalt  }
0x63: {  	_ =	shalt  }
0x64: {  	_ =	shalt  }
0x65: {  	_ =	shalt  }
0x66: {  	_ =	shalt  }
0x67: {  	_ =	shalt  }
0x68: {  	_ =	shalt  }
0x69: {  	_ =	shalt  }
0x6a: {  	_ =	shalt  }
0x6b: {  	_ =	shalt  }
0x6c: {  	_ =	shalt  }
0x6d: {  	_ =	shalt  }
0x6e: {  	_ =	shalt  }
0x6f: {  	_ =	shalt  }
0x70: {  	_ =	shalt  }
0x71: {  	_ =	shalt  }
0x72: {  	_ =	shalt  }
0x73: {  	_ =	shalt  }
0x74: {  	_ =	shalt  }
0x75: {  	_ =	shalt  }
0x76: {  	_ =	shalt  }
0x77: {  	_ =	shalt  }
0x78: {  	_ =	shalt  }
0x79: {  	_ =	shalt  }
0x7a: {  	_ =	shalt  }
0x7b: {  	_ =	shalt  }
0x7c: {  	_ =	shalt  }
0x7d: {  	_ =	shalt  }
0x7e: {  	_ =	shalt  }
0x7f: {  	_ =	shalt  }
0x80: {  	_ =	shalt  }
0x81: {  	_ =	shalt  }
0x82: {  	_ =	shalt  }
0x83: {  	_ =	shalt  }
0x84: {  	_ =	shalt  }
0x85: {  	_ =	shalt  }
0x86: {  	_ =	shalt  }
0x87: {  	_ =	shalt  }
.Lfunc_end0:
.L_simem_size_0:
called_computation.4_lowered:
.L_overlay_start_0:
0x88: {  	s2 =	sld [smem:$0x3FD9]  }
0x89: {  	s3 =	sld [smem:$0x3FFE];
	_ =	sdelay $0x1  }
0x8a: {  	s1 =	srdreg.scid  }
0x8b: {  	s0 =	sand.u32 $0x1, s1  }
0x8c: {  	s16 =	sshll.u32 s0, $0xA;
	s2 =	sadd.s32 s3, s2  }
0x8d: {  	s2 =	sadd.s32 s2, s16  }
0x8e: {  	[smem:$0x3F8F] =	sst s2  }
0x8f: {  	_ = 	snop  }
0x90: {  	(tm) =	ssettm $0x1  }
0x91: {  	s17 =	sld [smem:$0x3FFB];
	_ =	sdelay $0x3  }
0x92: {  	_ =	strace s17  }
0x93: {  	s2 =	sld [smem:$0x3FFC];
	_ =	sdelay $0x3  }
0x94: {  	_ =	strace s2  }
0x95: {  	s2 =	sld [smem:$0x3FFD];
	_ =	sdelay $0x3  }
0x96: {  	_ =	strace s2  }
0x97: {  	_ =	strace $0x8FFFFFFF  }
0x98: {  	s18 =	sld [smem:$0x3FDB];
	_ =	sdelay $0x1  }
0x99: {  	s19 =	simm.s32 $_scs_section_size  }
0x9a: {  	s4 =	simm.s32 $_size__tile_overlayer_lowered;
	s5 =	simm.s32 $_tile_overlayer_lowered  }
0x9b: {  	s22 =	simm.s32 $0x1BFF;
	s21 =	sshll.u32 s5, $0x1;
	s2 =	sadd.s32 s19, s18  }
0x9c: {  	s6 =	simm.s32 $0x0;
	s20 =	sshll.u32 s4, $0x1;
	s4 =	sadd.s32 s21, s2  }
0x9d: {  	[timem:s6], [sflag:s22] =	dma.local [hbm:s4], s20  }
0x9e: {  	_ =	swait.ge [sflag:s22], s20  }
0x9f: {  	s3 =	ssub.s32 $0x0, s20;
	[sflag:s22] =	ssyncset.done $0x0  }
0xa0: {  	[sflag:s22] =	ssyncadd.s32 s3;
	_ =	sdelay $0x1  }
0xa1: {  	s23 =	simm.s32 $0x1B8B  }
0xa2: {  	_ =	swait.ge [sflag:s23], $0x1  }
0xa3: {  	[sflag:s23] =	ssyncset.done $0x0  }
0xa4: {  	s25 =	simm.s32 $0x1B8E;
	s24 =	sld [smem:$0x3FFE];
	[sflag:s23] =	ssyncadd.s32 $0xFFFFFFFF  }
0xa5: {  	s26 =	simm.s32 $execute0_lowered;
	[smem:$0x3FD2] =	sst s25  }
0xa6: {  	s4 =	sshll.u32 s26, $0x1;
	_ =	strace $0x80000052;
	[dreg:$0x1] =	wrdreg $0xFFFFFFFF  }
0xa7: {  	s28 =	simm.s32 $_size_execute0_lowered;
	s2 =	sadd.s32 s2, s4;
	[dreg:$0x0] =	wrdreg $0x0  }
0xa8: {  	s4 =	sshll.u32 s28, $0x1;
	[dreg:$0x2] =	wrdreg s2  }
0xa9: {  	[dreg:$0x3] =	wrdreg s4  }
0xaa: {  	[dreg:$0x4] =	wrdreg $0xC0  }
0xab: {  	_ =	task [dreg:s6], $0x5FFFF  }
0xac: {  	[dreg:$0x1] =	wrdreg $0xFFFFFFFF  }
0xad: {  	[dreg:$0x0] =	wrdreg $0x60  }
0xae: {  	[dreg:$0x2] =	wrdreg s24  }
0xaf: {  	[dreg:$0x3] =	wrdreg $0x20000  }
0xb0: {  	[dreg:$0x4] =	wrdreg $0x9  }
0xb1: {  	_ =	task.clear_ibuf [dreg:s6], $0x5FFFF;
	_ =	strace $0x90000052  }
0xb2: {  	s29 =	simm.s32 $0x9;
	_ =	strace $0x80000054  }
0xb3: {  	_ =	swait.ge [sflag:s29], $0x1  }
0xb4: {  	[sflag:s29] =	ssyncadd.s32 $0xFFFFFFFF  }
0xb5: {  	_ =	strace $0x90000054  }
0xb6: {  	_ =	sfence  }
0xb7: {  	s30 =	sld [smem:$0x0];
	_ =	sdelay $0x2  }
0xb8: {  	s31 =	sshll.u32 s1, $0xD;
	s1 =	sshrl.u32 s1, $0x2  }
0xb9: {  	s3 =	sand.u32 $0x4000, s31;
	s1 =	sadd.s32 s1, s30  }
0xba: {  	s0 =	sor.u32 s3, s0;
	s1 =	sshll.u32 s1, $0x11  }
0xbb: {  	s0 =	sor.u32 s1, s0  }
0xbc: {  	s0 =	sadd.s32 $0x8F2B, s0  }
0xbd: {  	[sflag:s0] =	ssyncadd.remote.s32 $0x1  }
0xbe: {  	_ =	sfence.sel $0xFFFF  }
0xbf: {  	[dreg:$0x0] =	wrdreg $0xFFFFFFFF;
	(pc) =	sbr.abs _section_cstart, $3  }
0xc0: {  	[dreg:$0x1] =	wrdreg $0xFFFFFFFF  }
0xc1: {  	_ =	task.clear_ibuf [dreg:s6], $0x2FFFF;
	_ =	strace $0x9FFFFFFF  }
0xc2: {  	(tm) =	ssettm $0x7FFFFFFF  }
0xc3: {  	_ =	shalt  }
tec
execute0_lowered:
.L_overlay_start_1:
0x0: {  	(tag) =	ssettag $0x1  }
0x1: {  	s4 =	rddreg [dreg:$0x0]  }
0x2: {  	s2 =	rddreg [dreg:$0x1]  }
0x3: {  	s0 =	rddreg [dreg:$0x2];
	s3 =	simm.s32 $0x0;
	s1 =	stileid.u32  }
0x4: {  	s6 =	srdreg.scid;
	s16 =	simm.s32 $0x16000;
	s17 =	simm.s32 $0x1A000  }
0x5: {  	s18 =	simm.s32 $0x1;
	s19 =	simm.s32 $0x2;
	s20 =	simm.s32 $0x0  }
0x6: {  	[smem:$0x7FF] =	sst s3;
	s5 =	smul.u32 $0x2800, s1;
	s7 =	sshll.u32 s1, $0xD  }
0x7: {  	s8 =	sand.u32 $0x1, s6;
	s9 =	sshll.u32 s1, $0xA;
	s11 =	smul.u32 $0x50000, s1  }
0x8: {  	s12 =	sadd.s32 $0x87EA00, s4;
	s26 =	sshll.u32 s1, $0x10;
	s28 =	sshll.u32 s1, $0x14  }
0x9: {  	_ =	strace $0x80000053;
	s7 =	sadd.s32 s7, s4;
	s6 =	ssub.s32 $0x2, s8  }
0xa: {  	s9 =	sadd.s32 s9, s4;
	p0 =	seq.s32 s8, $0x1;
	s8 =	sshll.u32 s8, $0x18  }
0xb: {  	s13 =	sadd.s32 s26, s2;
	s5 =	sadd.s32 s5, s4;
	s10 =	sshrl.u32 s6, $0x1  }
0xc: {  	s4 =	sadd.s32 $0x86A00, s9;
	s25 =	sshrl.u32 s11, $0x2;
	s7 =	sadd.s32 $0x2AA00, s7  }
0xd: {  	s29 =	sor.u32 s28, s8;
	s15 =	sshll.u32 @!p0 s1, $0x6;
	s10 =	ssub.s32 s6, s10  }
0xe: {  	s14 =	sadd.s32 s25, s2;
	s5 =	sadd.s32 $0x5AA00, s5;
	s6 =	sadd.s32 $0x28AC00, s9  }
0xf: {  	s30 =	sshrl.u32 s29, $0x3;
	s11 =	sor.u32 $0x4000, s29;
	s8 =	smax.u32 s10, $0x1  }
0x10: {  	s9 =	sadd.s32 s30, s12;
	s31 =	sshrl.u32 s11, $0x3;
	s11 =	sshll.u32 @p0 s1, $0x6  }
0x11: {  	s14 =	sshrl.u32 @!p0 s14, $0x3;
	s10 =	sadd.s32 s31, s12;
	s11 =	sor.u32 @p0 $0x1C03, s11  }
0x12: {  	s12 =	sshrl.u32 @p0 s13, $0x3;
	s13 =	sor.u32 @!p0 $0x1C03, s15;
	s15 =	simm.s32 $0x80  }
.LBB2_1:
0x13: {  	s21 =	simm.s32 @p0 $0x0  }
0x14: {  	[tilespmem:s21], [sflag:$0x3] =	stream.linear.gather @p0 [hbm4b:s6+s21], $0x2000, $0x38;
	[tilespmem:$0x1E000] =	vst v63  }
0x15: {  	s21 =	simm.s32 @p0 $0x3  }
0x16: {  	_ =	swait.ge @p0 [sflag:s21], $0x2000  }
0x17: {  	[sflag:s21] =	ssyncset.done @p0 $0x0  }
0x18: {  	[sflag:s21] =	ssyncadd.s32 @p0 $0xFFFFE000  }
0x19: {  	[spmem:s12], [sflag:s11] =	dma.local @p0 [hbm:s7], $0x2000  }
0x1a: {  	_ =	swait.ge @p0 [sflag:s21], $0x2000  }
0x1b: {  	[sflag:s21] =	ssyncset.done @p0 $0x0  }
0x1c: {  	[sflag:s21] =	ssyncadd.s32 @p0 $0xFFFFE000;
	s21 =	simm.s32 @!p0 $0x0  }
0x1d: {  	[tilespmem:s21], [sflag:$0x3] =	stream.linear.gather @!p0 [hbm4b:s4+s21], $0x2000, $0x38;
	[tilespmem:$0x1E000] =	vst v63  }
0x1e: {  	s21 =	simm.s32 @!p0 $0x3  }
0x1f: {  	_ =	swait.ge @!p0 [sflag:s21], $0x2000  }
0x20: {  	[sflag:s21] =	ssyncset.done @!p0 $0x0  }
0x21: {  	[sflag:s21] =	ssyncadd.s32 @!p0 $0xFFFFE000  }
0x22: {  	[spmem:s14], [sflag:s13] =	dma.local @!p0 [hbm:s5], $0x2800  }
0x23: {  	_ =	swait.ge @!p0 [sflag:s21], $0x2800  }
0x24: {  	[sflag:s21] =	ssyncset.done @!p0 $0x0  }
0x25: {  	[sflag:s21] =	ssyncadd.s32 @!p0 $0xFFFFD800  }
0x26: {  	[bflag:$0x0] =	sbarrier.arrive $0xFFFF  }
0x27: {  	[tilespmem:s16], [sflag:$0x1] =	stream.indirect.gather [spmem:s2], $0x80, s3, s15, $0xb8;
	[tilespmem:$0x1E000] =	vst v63  }
0x28: {  	s29 =	simm.s32 $0x80  }
0x29: {  	[tilespmem:s17], [sflag:$0x2] =	stream.indirect.gather [spmem:s2], $0x80, s29, s15, $0xb8;
	[tilespmem:$0x1E000] =	vst v63  }
0x2a: {  	_ =	swait.ge [sflag:s18], $0x4000  }
0x2b: {  	[sflag:s18] =	ssyncset.done $0x0  }
0x2c: {  	s30 =	sadd.s32 $0x0, s9;
	[sflag:s18] =	ssyncadd.s32 $0xFFFFC000  }
0x2d: {  	[hbm4b:s30+s3] =	stream.linear.scatter [tilespmem:s16], [sflag:$0x1], $0x4000, $0x38;
	[tilespmem:$0x1E000] =	vst v63  }
0x2e: {  	_ =	swait.ge [sflag:s19], $0x4000  }
0x2f: {  	[sflag:s19] =	ssyncset.done $0x0  }
0x30: {  	s31 =	sadd.s32 $0x0, s10;
	[sflag:s19] =	ssyncadd.s32 $0xFFFFC000  }
0x31: {  	[hbm4b:s31+s3] =	stream.linear.scatter [tilespmem:s17], [sflag:$0x2], $0x4000, $0x38;
	[tilespmem:$0x1E000] =	vst v63  }
0x32: {  	_ =	swait.ge [sflag:s18], $0x4000  }
0x33: {  	[sflag:s18] =	ssyncset.done $0x0  }
0x34: {  	[sflag:s18] =	ssyncadd.s32 $0xFFFFC000  }
0x35: {  	_ =	swait.ge [sflag:s19], $0x4000  }
0x36: {  	s22 =	simm.s32 $0x0;
	s21 =	simm.s32 $0x1000;
	[sflag:s19] =	ssyncset.done $0x0  }
.LBB2_2:
0x37: {  	p1 =	sne.s32 s21, $0x1F000;
	[sflag:s19] =	ssyncadd.s32 $0xFFFFC000;
	s22 =	sadd.s32 $0x100, s22  }
0x38: {  	[tilespmem:s16], [sflag:$0x1] =	stream.indirect.gather [spmem:s2], $0x80, s22, s15, $0xb8;
	[tilespmem:$0x1E000] =	vst v63  }
0x39: {  	s24 =	smov.u32 s21;
	s21 =	sadd.s32 $0x1000, s21;
	s23 =	sadd.s32 $0x80, s22  }
0x3a: {  	[tilespmem:s17], [sflag:$0x2] =	stream.indirect.gather [spmem:s2], $0x80, s23, s15, $0xb8;
	[tilespmem:$0x1E000] =	vst v63  }
0x3b: {  	_ =	swait.ge [sflag:s18], $0x4000  }
0x3c: {  	[sflag:s18] =	ssyncset.done $0x0  }
0x3d: {  	s23 =	sadd.s32 s24, s9;
	[sflag:s18] =	ssyncadd.s32 $0xFFFFC000  }
0x3e: {  	[hbm4b:s23+s3] =	stream.linear.scatter [tilespmem:s16], [sflag:$0x1], $0x4000, $0x38;
	[tilespmem:$0x1E000] =	vst v63  }
0x3f: {  	_ =	swait.ge [sflag:s19], $0x4000  }
0x40: {  	[sflag:s19] =	ssyncset.done $0x0  }
0x41: {  	s23 =	sadd.s32 s24, s10;
	[sflag:s19] =	ssyncadd.s32 $0xFFFFC000  }
0x42: {  	[hbm4b:s23+s3] =	stream.linear.scatter [tilespmem:s17], [sflag:$0x2], $0x4000, $0x38;
	[tilespmem:$0x1E000] =	vst v63  }
.Ltmp0:
0x43: {  	_ =	swait.ge [sflag:s18], $0x4000;
	(pc) =	sbr.rel @p1 .LBB2_2-.Ltmp0, $4  }
0x44: {  	[sflag:s18] =	ssyncset.done $0x0  }
0x45: {  	[sflag:s18] =	ssyncadd.s32 $0xFFFFC000  }
0x46: {  	_ =	swait.ge [sflag:s19], $0x4000  }
0x47: {  	[sflag:s19] =	ssyncset.done $0x0  }
0x48: {  	s20 =	sadd.s32 $0x1, s20  }
0x49: {  	p1 =	sne.s32 s20, s8  }
.Ltmp1:
0x4a: {  	_ = 	snop;
	(pc) =	sbr.rel @p1 .LBB2_1-.Ltmp1, $2  }
0x4b: {  	_ =	sdelay $0x2  }
0x4c: {  	[sflag:s19] =	ssyncadd.s32 $0xFFFFC000  }
0x4d: {  	_ =	sfence.sel $0x180000  }
0x4e: {  	[bflag:$0x0] =	sbarrier.arrive $0xFFFF  }
0x4f: {  	p0 =	sne.s32 s1, $0x0;
	_ =	strace $0x90000053  }
0x50: {  	s0 =	sadd.s32 @!p0 $0x100000, s0;
	[bflag:$0x2] =	sbarrier.arrive $0xFFFF  }
0x51: {  	[sflag:s0] =	ssyncadd.tile.s32 @!p0 $0x1;
	_ =	shalt  }
.Lfunc_end2:
_tile_overlayer_lowered:
.L_overlay_start_2:
0x52: {  	(tag) =	ssettag $0x2  }
0x53: {  	s0 =	rddreg [dreg:$0x0];
	s2 =	stileid.u32  }
0x54: {  	s1 =	rddreg [dreg:$0x1];
	p0 =	sne.s32 s2, $0x0  }
0x55: {  	s3 =	rddreg [dreg:$0x2];
	[bflag:$0x3] =	sbarrier.arrive $0xFFFF;
	s2 =	simm.s32 @!p0 $0x1C03  }
0x56: {  	[timem:s3], [sflag:s2] =	dma.local @!p0 [hbm:s0], s1  }
0x57: {  	s0 =	simm.s32 @!p0 $0x3  }
0x58: {  	_ =	swait.ge @!p0 [sflag:s0], s1  }
0x59: {  	s1 =	ssub.s32 @!p0 $0x0, s1;
	[sflag:s0] =	ssyncset.done @!p0 $0x0  }
0x5a: {  	[sflag:s0] =	ssyncadd.s32 @!p0 s1  }
0x5b: {  	[bflag:$0x3] =	sbarrier.arrive $0xFFFF  }
0x5c: {  	_ =	shalt  }

// kernel: kernel.31.cloned.1.call-start
scs
__scs_entry_jumppad:
0x0: {  	(pc) =	sbr.rel $0x88, $3  }
0x1: {  	(tag) =	ssettag $0x0;
	lr =	simm.s32 $0x1  }
0x2: {  	[smem:$0x3F68] =	sst lr;
	_ =	strace $0xD0000000  }
0x3: {  	_ = 	snop  }
0x4: {  	_ = 	snop  }
0x5: {  	_ = 	snop  }
0x6: {  	_ = 	snop  }
0x7: {  	_ = 	snop  }
__scs_overlays_trampoline_lowered:
0x8: {  	[smem:$0x3F77] =	sst s0  }
0x9: {  	[smem:$0x3F78] =	sst s1  }
0xa: {  	[smem:$0x3F79] =	sst s2  }
0xb: {  	[smem:$0x3F7A] =	sst s3  }
0xc: {  	[smem:$0x3F7B] =	sst s4  }
0xd: {  	[smem:$0x3F7C] =	sst s5  }
0xe: {  	[smem:$0x3F7D] =	sst s6  }
0xf: {  	[smem:$0x3F7E] =	sst s7  }
0x10: {  	[smem:$0x3F7F] =	sst s8  }
0x11: {  	[smem:$0x3F80] =	sst s9;
	s0 =	simm.s32 @!p0 $0x0  }
0x12: {  	s1 =	sld [smem:$0x3F66];
	s0 =	simm.s32 @p0 $0x1  }
0x13: {  	[smem:$0x3F81] =	sst s0;
	s0 =	simm.s32 @!p1 $0x0  }
0x14: {  	s2 =	sld [smem:$0x3F65];
	s0 =	simm.s32 @p1 $0x1  }
0x15: {  	[smem:$0x3F82] =	sst s0;
	s0 =	simm.s32 @!p2 $0x0  }
0x16: {  	s3 =	sld [smem:$0x3FDB];
	s0 =	simm.s32 @p2 $0x1  }
0x17: {  	s4 =	simm.s32 $0x1BF5;
	[smem:$0x3F84] =	sst s0  }
0x18: {  	s0 =	sld [smem:$0x3F67];
	_ =	swait.ge [sflag:s4], $0x0  }
0x19: {  	s7 =	sld [smem:$0x3F68]  }
0x1a: {  	s8 =	sadd.s32 $0xFFFFE003, lr  }
0x1b: {  	s9 =	sadd.s32 $0xFFFFFEF7, lr;
	s5 =	simm.s32 $0xFFFFFFFF;
	p2 =	slt.u32 s8, $0xFFFFF086  }
0x1c: {  	p1 =	slt.u32 s9, $0xF7A;
	s5 =	simm.s32 @!p2 $0x0  }
0x1d: {  	s5 =	simm.s32 @p1 $0x1;
	p0 =	seq.s32 s7, s2  }
0x1e: {  	s7 =	smul.u32 @!p0 $0xF7A, s2;
	p2 =	seq.s32 @!p0 s5, $0x0  }
0x1f: {  	s9 =	smul.u32 $0xF7A, s1;
	s8 =	simm.s32 @!p0 $0x1BF5;
	p2 =	por !p2, p0  }
0x20: {  	[sflag:s8] =	ssyncset.s32 @!p0 $0xFFFFF086;
	s6 =	sadd.s32 @!p0 s3, s7;
	s7 =	simm.s32 @!p0 $0x108  }
0x21: {  	s3 =	sadd.s32 s3, s9;
	s6 =	sadd.s32 @!p0 $0x88, s6;
	s7 =	simm.s32 @p2 $0x1082  }
0x22: {  	[simem:s7], [sflag:s8] =	dma.local @!p0 [hbm:s6], $0xF7A  }
0x23: {  	s9 =	sor.u32 $0xD0000000, s2;
	s6 =	simm.s32 $0x108;
	_ =	swait.ge @!p0 [sflag:s8], $0x0  }
0x24: {  	s3 =	sadd.s32 $0x88, s3;
	s6 =	simm.s32 @!p1 $0x1082;
	[sflag:s4] =	ssyncset.s32 $0xFFFFF086  }
0x25: {  	[simem:s6], [sflag:s4] =	dma.local [hbm:s3], $0xF7A  }
0x26: {  	[smem:$0x3F68] =	sst s1;
	(tag) =	ssettag s2;
	_ =	strace s9  }
0x27: {  	s1 =	sld [smem:$0x3F78]  }
0x28: {  	s2 =	sld [smem:$0x3F79]  }
0x29: {  	s4 =	sld [smem:$0x3F7B]  }
0x2a: {  	p0 =	seq.s32 s5, $0x0;
	s5 =	sld [smem:$0x3F7C]  }
0x2b: {  	s6 =	sld [smem:$0x3F7D]  }
0x2c: {  	s7 =	sld [smem:$0x3F7E]  }
0x2d: {  	s3 =	simm.s32 $0x108;
	s8 =	sld [smem:$0x3F7F]  }
0x2e: {  	s3 =	simm.s32 @!p0 $0x1082;
	s9 =	sld [smem:$0x3F80]  }
0x2f: {  	lr =	sadd.s32 s0, s3;
	s0 =	sld [smem:$0x3F77]  }
0x30: {  	s3 =	sld [smem:$0x3F7A]  }
0x31: {  	[smem:$0x3F83] =	sst s10  }
0x32: {  	s10 =	sld [smem:$0x3F81];
	_ =	sdelay $0x3  }
0x33: {  	p0 =	seq.s32 s10, $0x1;
	s10 =	sld [smem:$0x3F83];
	_ =	sdelay $0x3  }
0x34: {  	[smem:$0x3F83] =	sst s10  }
0x35: {  	s10 =	sld [smem:$0x3F82];
	_ =	sdelay $0x3  }
0x36: {  	p1 =	seq.s32 s10, $0x1;
	s10 =	sld [smem:$0x3F83];
	_ =	sdelay $0x3  }
0x37: {  	[smem:$0x3F83] =	sst s10  }
0x38: {  	s10 =	sld [smem:$0x3F84]  }
0x39: {  	_ = 	snop;
	(pc) =	sbr.ind lr, $3  }
0x3a: {  	_ = 	snop  }
0x3b: {  	_ = 	snop  }
0x3c: {  	p2 =	seq.s32 s10, $0x1;
	s10 =	sld [smem:$0x3F83]  }
0x3d: {  	_ =	shalt  }
0x3e: {  	_ =	shalt  }
0x3f: {  	_ =	shalt  }
0x40: {  	_ =	shalt  }
0x41: {  	_ =	shalt  }
0x42: {  	_ =	shalt  }
0x43: {  	_ =	shalt  }
0x44: {  	_ =	shalt  }
0x45: {  	_ =	shalt  }
0x46: {  	_ =	shalt  }
0x47: {  	_ =	shalt  }
0x48: {  	_ =	shalt  }
0x49: {  	_ =	shalt  }
0x4a: {  	_ =	shalt  }
0x4b: {  	_ =	shalt  }
0x4c: {  	_ =	shalt  }
0x4d: {  	_ =	shalt  }
0x4e: {  	_ =	shalt  }
0x4f: {  	_ =	shalt  }
0x50: {  	_ =	shalt  }
0x51: {  	_ =	shalt  }
0x52: {  	_ =	shalt  }
0x53: {  	_ =	shalt  }
0x54: {  	_ =	shalt  }
0x55: {  	_ =	shalt  }
0x56: {  	_ =	shalt  }
0x57: {  	_ =	shalt  }
0x58: {  	_ =	shalt  }
0x59: {  	_ =	shalt  }
0x5a: {  	_ =	shalt  }
0x5b: {  	_ =	shalt  }
0x5c: {  	_ =	shalt  }
0x5d: {  	_ =	shalt  }
0x5e: {  	_ =	shalt  }
0x5f: {  	_ =	shalt  }
0x60: {  	_ =	shalt  }
0x61: {  	_ =	shalt  }
0x62: {  	_ =	shalt  }
0x63: {  	_ =	shalt  }
0x64: {  	_ =	shalt  }
0x65: {  	_ =	shalt  }
0x66: {  	_ =	shalt  }
0x67: {  	_ =	shalt  }
0x68: {  	_ =	shalt  }
0x69: {  	_ =	shalt  }
0x6a: {  	_ =	shalt  }
0x6b: {  	_ =	shalt  }
0x6c: {  	_ =	shalt  }
0x6d: {  	_ =	shalt  }
0x6e: {  	_ =	shalt  }
0x6f: {  	_ =	shalt  }
0x70: {  	_ =	shalt  }
0x71: {  	_ =	shalt  }
0x72: {  	_ =	shalt  }
0x73: {  	_ =	shalt  }
0x74: {  	_ =	shalt  }
0x75: {  	_ =	shalt  }
0x76: {  	_ =	shalt  }
0x77: {  	_ =	shalt  }
0x78: {  	_ =	shalt  }
0x79: {  	_ =	shalt  }
0x7a: {  	_ =	shalt  }
0x7b: {  	_ =	shalt  }
0x7c: {  	_ =	shalt  }
0x7d: {  	_ =	shalt  }
0x7e: {  	_ =	shalt  }
0x7f: {  	_ =	shalt  }
0x80: {  	_ =	shalt  }
0x81: {  	_ =	shalt  }
0x82: {  	_ =	shalt  }
0x83: {  	_ =	shalt  }
0x84: {  	_ =	shalt  }
0x85: {  	_ =	shalt  }
0x86: {  	_ =	shalt  }
0x87: {  	_ =	shalt  }
.Lfunc_end0:
.L_simem_size_0:
called_computation.5_lowered:
.L_overlay_start_0:
0x88: {  	s2 =	sld [smem:$0x3FD9]  }
0x89: {  	s3 =	sld [smem:$0x3FFE];
	_ =	sdelay $0x1  }
0x8a: {  	s1 =	srdreg.scid  }
0x8b: {  	s0 =	sand.u32 $0x1, s1  }
0x8c: {  	s16 =	sshll.u32 s0, $0xA;
	s2 =	sadd.s32 s3, s2  }
0x8d: {  	s2 =	sadd.s32 s2, s16  }
0x8e: {  	[smem:$0x3F8F] =	sst s2  }
0x8f: {  	_ = 	snop  }
0x90: {  	(tm) =	ssettm $0x1  }
0x91: {  	s17 =	sld [smem:$0x3FFB];
	_ =	sdelay $0x3  }
0x92: {  	_ =	strace s17  }
0x93: {  	s2 =	sld [smem:$0x3FFC];
	_ =	sdelay $0x3  }
0x94: {  	_ =	strace s2  }
0x95: {  	s2 =	sld [smem:$0x3FFD];
	_ =	sdelay $0x3  }
0x96: {  	_ =	strace s2  }
0x97: {  	_ =	strace $0x8FFFFFFF  }
0x98: {  	s18 =	sld [smem:$0x3FDB];
	_ =	sdelay $0x1  }
0x99: {  	s19 =	simm.s32 $_scs_section_size  }
0x9a: {  	s4 =	simm.s32 $_size__tile_overlayer_lowered;
	s5 =	simm.s32 $_tile_overlayer_lowered  }
0x9b: {  	s22 =	simm.s32 $0x1BFF;
	s21 =	sshll.u32 s5, $0x1;
	s2 =	sadd.s32 s19, s18  }
0x9c: {  	s6 =	simm.s32 $0x0;
	s20 =	sshll.u32 s4, $0x1;
	s4 =	sadd.s32 s21, s2  }
0x9d: {  	[timem:s6], [sflag:s22] =	dma.local [hbm:s4], s20  }
0x9e: {  	_ =	swait.ge [sflag:s22], s20  }
0x9f: {  	s3 =	ssub.s32 $0x0, s20;
	[sflag:s22] =	ssyncset.done $0x0  }
0xa0: {  	[sflag:s22] =	ssyncadd.s32 s3;
	_ =	sdelay $0x1  }
0xa1: {  	s23 =	simm.s32 $0x1B8B  }
0xa2: {  	_ =	swait.ge [sflag:s23], $0x1  }
0xa3: {  	[sflag:s23] =	ssyncset.done $0x0  }
0xa4: {  	s25 =	simm.s32 $0x1B8E;
	s24 =	sld [smem:$0x3FFE];
	[sflag:s23] =	ssyncadd.s32 $0xFFFFFFFF  }
0xa5: {  	s26 =	simm.s32 $execute0_lowered;
	[smem:$0x3FD2] =	sst s25  }
0xa6: {  	s4 =	sshll.u32 s26, $0x1;
	_ =	strace $0x80000055;
	[dreg:$0x1] =	wrdreg $0xFFFFFFFF  }
0xa7: {  	s28 =	simm.s32 $_size_execute0_lowered;
	s2 =	sadd.s32 s2, s4;
	[dreg:$0x0] =	wrdreg $0x0  }
0xa8: {  	s4 =	sshll.u32 s28, $0x1;
	[dreg:$0x2] =	wrdreg s2  }
0xa9: {  	[dreg:$0x3] =	wrdreg s4  }
0xaa: {  	[dreg:$0x4] =	wrdreg $0xC0  }
0xab: {  	_ =	task [dreg:s6], $0x5FFFF  }
0xac: {  	[dreg:$0x1] =	wrdreg $0xFFFFFFFF  }
0xad: {  	[dreg:$0x0] =	wrdreg $0x60  }
0xae: {  	[dreg:$0x2] =	wrdreg s24  }
0xaf: {  	[dreg:$0x3] =	wrdreg $0x10000  }
0xb0: {  	[dreg:$0x4] =	wrdreg $0x9  }
0xb1: {  	_ =	task.clear_ibuf [dreg:s6], $0x5FFFF;
	_ =	strace $0x90000055  }
0xb2: {  	s29 =	simm.s32 $0x9;
	_ =	strace $0x80000057  }
0xb3: {  	_ =	swait.ge [sflag:s29], $0x1  }
0xb4: {  	[sflag:s29] =	ssyncadd.s32 $0xFFFFFFFF  }
0xb5: {  	_ =	strace $0x90000057  }
0xb6: {  	_ =	sfence  }
0xb7: {  	s30 =	sld [smem:$0x0];
	_ =	sdelay $0x2  }
0xb8: {  	s31 =	sshll.u32 s1, $0xD;
	s1 =	sshrl.u32 s1, $0x2  }
0xb9: {  	s3 =	sand.u32 $0x4000, s31;
	s1 =	sadd.s32 s1, s30  }
0xba: {  	s0 =	sor.u32 s3, s0;
	s1 =	sshll.u32 s1, $0x11  }
0xbb: {  	s0 =	sor.u32 s1, s0  }
0xbc: {  	s0 =	sadd.s32 $0x8F2B, s0  }
0xbd: {  	[sflag:s0] =	ssyncadd.remote.s32 $0x1  }
0xbe: {  	_ =	sfence.sel $0xFFFF  }
0xbf: {  	[dreg:$0x0] =	wrdreg $0xFFFFFFFF;
	(pc) =	sbr.abs _section_cstart, $3  }
0xc0: {  	[dreg:$0x1] =	wrdreg $0xFFFFFFFF  }
0xc1: {  	_ =	task.clear_ibuf [dreg:s6], $0x2FFFF;
	_ =	strace $0x9FFFFFFF  }
0xc2: {  	(tm) =	ssettm $0x7FFFFFFF  }
0xc3: {  	_ =	shalt  }
tec
execute0_lowered:
.L_overlay_start_1:
0x0: {  	(tag) =	ssettag $0x1  }
0x1: {  	s4 =	rddreg [dreg:$0x0]  }
0x2: {  	s1 =	rddreg [dreg:$0x1]  }
0x3: {  	s0 =	rddreg [dreg:$0x2];
	s3 =	simm.s32 $0x0;
	s5 =	srdreg.scid  }
0x4: {  	s2 =	stileid.u32;
	s12 =	simm.s32 $0x11000;
	s13 =	simm.s32 $0x15000  }
0x5: {  	s14 =	simm.s32 $0x1;
	s15 =	simm.s32 $0x80;
	s16 =	simm.s32 $0x2  }
0x6: {  	s17 =	simm.s32 $0x0;
	[smem:$0x7FF] =	sst s3;
	s5 =	sand.u32 $0x1, s5  }
0x7: {  	s6 =	sshll.u32 s2, $0xD;
	s8 =	sshll.u32 s2, $0x11;
	s26 =	sshll.u32 s2, $0x10  }
0x8: {  	s31 =	sshll.u32 s2, $0x6;
	_ =	strace $0x80000056;
	s7 =	sshll.u32 s5, $0xC  }
0x9: {  	s9 =	ssub.s32 $0x2, s5;
	s8 =	sadd.s32 s8, s4;
	s28 =	sshll.u32 s5, $0x11  }
0xa: {  	s11 =	sadd.s32 s26, s1;
	s30 =	sshll.u32 s5, $0x10;
	s7 =	sor.u32 s7, s6  }
0xb: {  	s10 =	sshrl.u32 s9, $0x1;
	s6 =	sadd.s32 s6, s4;
	s8 =	sadd.s32 s30, s8  }
0xc: {  	s11 =	sshrl.u32 s11, $0x3;
	s7 =	sshrl.u32 s7, $0x3;
	s9 =	ssub.s32 s9, s10  }
0xd: {  	s29 =	sadd.s32 s28, s6;
	s5 =	sadd.s32 $0xAA00, s6;
	s8 =	sadd.s32 $0x2B200, s8  }
0xe: {  	s10 =	sor.u32 $0x1C03, s31;
	s7 =	sadd.s32 s7, s4;
	s6 =	sadd.s32 $0x22AA00, s29  }
0xf: {  	s4 =	sadd.s32 $0x28AC00, s7;
	s7 =	smax.u32 s9, $0x1;
	s9 =	simm.s32 $0x3  }
.LBB2_1:
0x10: {  	[tilespmem:s3], [sflag:$0x3] =	stream.linear.gather [hbm4b:s4+s3], $0x1000, $0x38;
	[tilespmem:$0x19000] =	vst v63  }
0x11: {  	_ =	swait.ge [sflag:s9], $0x1000  }
0x12: {  	[sflag:s9] =	ssyncset.done $0x0  }
0x13: {  	[sflag:s9] =	ssyncadd.s32 $0xFFFFF000  }
0x14: {  	[spmem:s11], [sflag:s10] =	dma.local [hbm:s5], $0x2000  }
0x15: {  	_ =	swait.ge [sflag:s9], $0x2000  }
0x16: {  	[sflag:s9] =	ssyncset.done $0x0  }
0x17: {  	[sflag:s9] =	ssyncadd.s32 $0xFFFFE000  }
0x18: {  	s18 =	sadd.s32 $0xFFFFF800, s8;
	[bflag:$0x0] =	sbarrier.arrive $0xFFFF  }
0x19: {  	[tilespmem:s12], [sflag:$0x1] =	stream.linear.gather [hbm4b:s18+s3], $0x4000, $0x38;
	[tilespmem:$0x19000] =	vst v63  }
0x1a: {  	_ = 	snop  }
0x1b: {  	[tilespmem:s13], [sflag:$0x2] =	stream.linear.gather [hbm4b:s8+s3], $0x4000, $0x38;
	[tilespmem:$0x19000] =	vst v63  }
0x1c: {  	_ =	swait.ge [sflag:s14], $0x4000  }
0x1d: {  	[sflag:s14] =	ssyncset.done $0x0  }
0x1e: {  	s30 =	simm.s32 $0x0;
	[sflag:s14] =	ssyncadd.s32 $0xFFFFC000  }
0x1f: {  	[spmem:s1] =	stream.indirect.scatter.add.f32 [tilespmem:s12], [sflag:$0x1], $0x80, s30, s15, $0xb8;
	[tilespmem:$0x19000] =	vst v63  }
0x20: {  	_ =	swait.ge [sflag:s16], $0x4000  }
0x21: {  	[sflag:s16] =	ssyncset.done $0x0  }
0x22: {  	s31 =	simm.s32 $0x80;
	[sflag:s16] =	ssyncadd.s32 $0xFFFFC000  }
0x23: {  	[spmem:s1] =	stream.indirect.scatter.add.f32 [tilespmem:s13], [sflag:$0x2], $0x80, s31, s15, $0xb8;
	[tilespmem:$0x19000] =	vst v63  }
0x24: {  	_ =	swait.ge [sflag:s14], $0x4000  }
0x25: {  	[sflag:s14] =	ssyncset.done $0x0  }
0x26: {  	[sflag:s14] =	ssyncadd.s32 $0xFFFFC000  }
0x27: {  	s20 =	simm.s32 $0x800;
	_ =	swait.ge [sflag:s16], $0x4000  }
0x28: {  	s19 =	sadd.s32 $0x1000, s8;
	s18 =	simm.s32 $0x400;
	[sflag:s16] =	ssyncset.done $0x0  }
.LBB2_2:
0x29: {  	p0 =	sne.s32 s20, $0x3C00;
	s21 =	sadd.s32 $0xFFFFF800, s19;
	[sflag:s16] =	ssyncadd.s32 $0xFFFFC000  }
0x2a: {  	[tilespmem:s12], [sflag:$0x1] =	stream.linear.gather [hbm4b:s21+s3], $0x4000, $0x38;
	[tilespmem:$0x19000] =	vst v63  }
0x2b: {  	s21 =	smov.u32 s20;
	s20 =	sadd.s32 $0x400, s20  }
0x2c: {  	[tilespmem:s13], [sflag:$0x2] =	stream.linear.gather [hbm4b:s19+s3], $0x4000, $0x38;
	[tilespmem:$0x19000] =	vst v63  }
0x2d: {  	_ =	swait.ge [sflag:s14], $0x4000  }
0x2e: {  	[sflag:s14] =	ssyncset.done $0x0  }
0x2f: {  	s22 =	sshra.s32 s18, $0x2;
	s18 =	smov.u32 s21;
	[sflag:s14] =	ssyncadd.s32 $0xFFFFC000  }
0x30: {  	[spmem:s1] =	stream.indirect.scatter.add.f32 [tilespmem:s12], [sflag:$0x1], $0x80, s22, s15, $0xb8;
	[tilespmem:$0x19000] =	vst v63  }
0x31: {  	_ =	swait.ge [sflag:s16], $0x4000  }
0x32: {  	[sflag:s16] =	ssyncset.done $0x0  }
0x33: {  	s21 =	sadd.s32 $0x80, s22;
	[sflag:s16] =	ssyncadd.s32 $0xFFFFC000  }
0x34: {  	[spmem:s1] =	stream.indirect.scatter.add.f32 [tilespmem:s13], [sflag:$0x2], $0x80, s21, s15, $0xb8;
	[tilespmem:$0x19000] =	vst v63  }
.Ltmp0:
0x35: {  	_ =	swait.ge [sflag:s14], $0x4000;
	(pc) =	sbr.rel @p0 .LBB2_2-.Ltmp0, $4  }
0x36: {  	[sflag:s14] =	ssyncset.done $0x0  }
0x37: {  	[sflag:s14] =	ssyncadd.s32 $0xFFFFC000  }
0x38: {  	_ =	swait.ge [sflag:s16], $0x4000  }
0x39: {  	s19 =	sadd.s32 $0x1000, s19;
	[sflag:s16] =	ssyncset.done $0x0  }
0x3a: {  	s20 =	sadd.s32 $0xFFFFF800, s19;
	[sflag:s16] =	ssyncadd.s32 $0xFFFFC000  }
0x3b: {  	[tilespmem:s12], [sflag:$0x1] =	stream.linear.gather [hbm4b:s20+s3], $0x4000, $0x38;
	[tilespmem:$0x19000] =	vst v63  }
0x3c: {  	_ = 	snop  }
0x3d: {  	[tilespmem:s13], [sflag:$0x2] =	stream.linear.gather [hbm4b:s19+s3], $0x4000, $0x38;
	[tilespmem:$0x19000] =	vst v63  }
0x3e: {  	_ =	swait.ge [sflag:s14], $0x4000  }
0x3f: {  	[sflag:s14] =	ssyncset.done $0x0  }
0x40: {  	s18 =	sshra.s32 s18, $0x2;
	[sflag:s14] =	ssyncadd.s32 $0xFFFFC000  }
0x41: {  	[spmem:s1] =	stream.indirect.scatter.add.f32 [tilespmem:s12], [sflag:$0x1], $0x80, s18, s15, $0xb8;
	[tilespmem:$0x19000] =	vst v63  }
0x42: {  	_ =	swait.ge [sflag:s16], $0x4000  }
0x43: {  	[sflag:s16] =	ssyncset.done $0x0  }
0x44: {  	s18 =	sadd.s32 $0x80, s18;
	[sflag:s16] =	ssyncadd.s32 $0xFFFFC000  }
0x45: {  	[spmem:s1] =	stream.indirect.scatter.add.f32 [tilespmem:s13], [sflag:$0x2], $0x80, s18, s15, $0xb8;
	[tilespmem:$0x19000] =	vst v63  }
0x46: {  	_ =	swait.ge [sflag:s14], $0x4000  }
0x47: {  	[sflag:s14] =	ssyncset.done $0x0  }
0x48: {  	[sflag:s14] =	ssyncadd.s32 $0xFFFFC000  }
0x49: {  	_ =	swait.ge [sflag:s16], $0x4000  }
0x4a: {  	s17 =	sadd.s32 $0x1, s17;
	[sflag:s16] =	ssyncset.done $0x0  }
0x4b: {  	p0 =	sne.s32 s17, s7;
	[sflag:s16] =	ssyncadd.s32 $0xFFFFC000  }
.Ltmp1:
0x4c: {  	[bflag:$0x0] =	sbarrier.arrive $0xFFFF;
	(pc) =	sbr.rel @p0 .LBB2_1-.Ltmp1, $4  }
0x4d: {  	[hbm:s6], [sflag:s10] =	dma.local [spmem:s11], $0x2000  }
0x4e: {  	_ =	swait.ge [sflag:s9], $0x2000  }
0x4f: {  	[sflag:s9] =	ssyncset.done $0x0  }
0x50: {  	[sflag:s9] =	ssyncadd.s32 $0xFFFFE000  }
0x51: {  	_ =	sfence.sel $0x180000  }
0x52: {  	[bflag:$0x0] =	sbarrier.arrive $0xFFFF  }
0x53: {  	p0 =	sne.s32 s2, $0x0;
	_ =	strace $0x90000056  }
0x54: {  	s0 =	sadd.s32 @!p0 $0x100000, s0;
	[bflag:$0x2] =	sbarrier.arrive $0xFFFF  }
0x55: {  	[sflag:s0] =	ssyncadd.tile.s32 @!p0 $0x1;
	_ =	shalt  }
.Lfunc_end2:
_tile_overlayer_lowered:
.L_overlay_start_2:
0x56: {  	(tag) =	ssettag $0x2  }
0x57: {  	s0 =	rddreg [dreg:$0x0];
	s2 =	stileid.u32  }
0x58: {  	s1 =	rddreg [dreg:$0x1];
	p0 =	sne.s32 s2, $0x0  }
0x59: {  	s3 =	rddreg [dreg:$0x2];
	[bflag:$0x3] =	sbarrier.arrive $0xFFFF;
	s2 =	simm.s32 @!p0 $0x1C03  }
0x5a: {  	[timem:s3], [sflag:s2] =	dma.local @!p0 [hbm:s0], s1  }
0x5b: {  	s0 =	simm.s32 @!p0 $0x3  }
0x5c: {  	_ =	swait.ge @!p0 [sflag:s0], s1  }
0x5d: {  	s1 =	ssub.s32 @!p0 $0x0, s1;
	[sflag:s0] =	ssyncset.done @!p0 $0x0  }
0x5e: {  	[sflag:s0] =	ssyncadd.s32 @!p0 s1  }
0x5f: {  	[bflag:$0x3] =	sbarrier.arrive $0xFFFF  }
0x60: {  	_ =	shalt  }

</sc_bundles>
